<compile_context>
chip_gen: v7x
topology: tpu7x:2x2x1
jax: 0.10.2.dev20260603
libtpu: 0.0.44.dev20260713+nightly
codegen_flags: <defaults>
</compile_context>

<pallas_src>
import functools

import jax
import jax.numpy as jnp
import numpy as np
from jax import lax
from jax.experimental import pallas as pl
from jax.experimental.pallas import tpu as pltpu
from jax.experimental.pallas import tpu_sc as plsc

NTILES = 16
NCORES = 2
CHUNK = 112
NSLOT = 3


def _tc_matmul(x, w, *, n, d_in, d_out, dh, bm):

    def body(x_ref, w_ref, y0_ref, y1_ref):
        y = lax.dot_general(x_ref[...], w_ref[...],
                            (((1,), (1,)), ((), ())),
                            preferred_element_type=jnp.float32)
        y0_ref[...] = y[:, :dh]
        y1_ref[...] = y[:, dh:]

    return pl.pallas_call(
        body,
        grid=(n // bm,),
        in_specs=[
            pl.BlockSpec((bm, d_in), lambda i: (i, 0)),
            pl.BlockSpec((d_out, d_in), lambda i: (0, 0)),
        ],
        out_specs=[
            pl.BlockSpec((bm, dh), lambda i: (i, 0)),
            pl.BlockSpec((bm, dh), lambda i: (i, 0)),
        ],
        out_shape=[
            jax.ShapeDtypeStruct((n, dh), jnp.float32),
            jax.ShapeDtypeStruct((n, dh), jnp.float32),
        ],
    )(x, w)


def _sc_aggregate(y0, y1, eidx, binit, *, n, n_pad, dh, nch):
    mesh = plsc.VectorSubcoreMesh(core_axis_name="c", subcore_axis_name="s")
    rpt = n_pad // NTILES
    tail = n - (NTILES - 1) * rpt

    @functools.partial(
        pl.kernel,
        out_type=jax.ShapeDtypeStruct((n, NCORES * dh), jnp.float32),
        mesh=mesh,
        scratch_types=[
            pltpu.VMEM((NSLOT, CHUNK), jnp.int32),
            pltpu.VMEM((NSLOT, CHUNK), jnp.int32),
            pltpu.VMEM((NSLOT, CHUNK, dh), jnp.float32),
            pltpu.VMEM_SHARED((n_pad, dh), jnp.float32),
            [pltpu.SemaphoreType.DMA] * NSLOT,
            [pltpu.SemaphoreType.DMA] * NSLOT,
            [pltpu.SemaphoreType.DMA] * NSLOT,
        ],
    )
    def sc_kernel(y0h, y1h, eh, bh, out, srcx, dstx, rows,
                  agg, si, sd, sg):
        c = lax.axis_index("c")
        s = lax.axis_index("s")
        srch = eh.at[0]
        dsth = eh.at[1]

        pltpu.sync_copy(bh.at[c], agg.at[pl.ds(s * rpt, rpt)])
        plsc.subcore_barrier()

        def run(yh):
            for p in range(NSLOT):
                pltpu.async_copy(srch.at[s, p], srcx.at[p], si[p])
                pltpu.async_copy(dsth.at[s, p], dstx.at[p], sd[p])
            for p in range(NSLOT):
                pltpu.make_async_copy(srch.at[s, p], srcx.at[p], si[p]).wait()
                pltpu.async_copy(yh.at[srcx.at[p]], rows.at[p], sg[p])

            def step(k, carry):
                j0 = NSLOT * k
                for p in range(NSLOT):
                    j = j0 + p
                    pltpu.make_async_copy(
                        yh.at[srcx.at[p]], rows.at[p], sg[p]).wait()

                    @pl.when(j + NSLOT < nch)
                    def _():
                        pltpu.async_copy(
                            srch.at[s, j + NSLOT], srcx.at[p], si[p])

                    pltpu.make_async_copy(
                        dsth.at[s, j], dstx.at[p], sd[p]).wait()
                    pltpu.sync_copy(rows.at[p], agg.at[dstx.at[p]], add=True)

                    @pl.when(j + NSLOT < nch)
                    def _():
                        pltpu.async_copy(
                            dsth.at[s, j + NSLOT], dstx.at[p], sd[p])
                        pltpu.make_async_copy(
                            srch.at[s, j + NSLOT], srcx.at[p], si[p]).wait()
                        pltpu.async_copy(yh.at[srcx.at[p]], rows.at[p], sg[p])

                return carry

            lax.fori_loop(0, nch // NSLOT, step, 0)

        @pl.when(c == 0)
        def _():
            run(y0h)

        @pl.when(c == 1)
        def _():
            run(y1h)

        plsc.subcore_barrier()

        @pl.when(s < NTILES - 1)
        def _():
            pltpu.sync_copy(
                agg.at[pl.ds(s * rpt, rpt)],
                out.at[pl.ds(s * rpt, rpt), pl.ds(c * dh, dh)])

        @pl.when(s == NTILES - 1)
        def _():
            pltpu.sync_copy(
                agg.at[pl.ds((NTILES - 1) * rpt, tail)],
                out.at[pl.ds((NTILES - 1) * rpt, tail), pl.ds(c * dh, dh)])

    return sc_kernel(y0, y1, eidx, binit)


def kernel(X, edge_index, W, b):
    n, d_in = X.shape
    d_out = W.shape[0]
    e = edge_index.shape[1]
    dh = d_out // 2

    n_pad = ((n + 8 * NTILES - 1) // (8 * NTILES)) * (8 * NTILES)
    if n_pad == n:
        n_pad = n + 8 * NTILES
    nch = (e + NTILES * CHUNK - 1) // (NTILES * CHUNK)
    nch = ((nch + NSLOT - 1) // NSLOT) * NSLOT
    e_pad = NTILES * CHUNK * nch
    npad_e = e_pad - e

    ei = edge_index
    if npad_e:
        pad_src = ((np.arange(npad_e) * 37) % n).astype(np.int32)
        pad_dst = (n + (np.arange(npad_e) % (n_pad - n))).astype(np.int32)
        ei = jnp.concatenate(
            [ei, jnp.asarray(np.stack([pad_src, pad_dst]))], axis=1)
    eidx = ei.reshape(2, NTILES, nch, CHUNK)

    y0, y1 = _tc_matmul(X, W, n=n, d_in=d_in, d_out=d_out, dh=dh, bm=2000)

    rpt = n_pad // NTILES
    binit = jnp.broadcast_to(b.reshape(NCORES, 1, dh), (NCORES, rpt, dh))

    return _sc_aggregate(y0, y1, eidx, binit,
                         n=n, n_pad=n_pad, dh=dh, nch=nch)

# --- scband reference (transcript-rebuilt; emitter-appended) ---
"""Pipeline reference for scband-sagelayer-57406532878471 (READ-ONLY COPY).

The authoritative reference and input builder live on the scoring server;
editing this copy changes nothing except your own understanding.
"""

import jax, jax.numpy as jnp
import numpy as np

N = 10000
E = 160000
D_IN = 256
D_OUT = 256

def setup_inputs(seed: int = 0) -> dict:
    key = jax.random.key(seed)
    k1, k2, k3, k4 = jax.random.split(key, 4)
    X = jax.random.normal(k1, (N, D_IN), dtype=jnp.float32)
    # edge_index rows: [src; dst]. A (sparse COO, binary weights) is A[dst, src] = 1,
    # so spmm(A, X)[i] = sum over edges (src->dst=i) of X[src].
    edge_index = jax.random.randint(k2, (2, E), 0, N, dtype=jnp.int32)
    # Linear params, torch convention: W [out_features, in_features], b [out_features]
    W = (jax.random.normal(k3, (D_OUT, D_IN), dtype=jnp.float32) / np.sqrt(D_IN)).astype(jnp.float32)
    b = (jax.random.normal(k4, (D_OUT,), dtype=jnp.float32) * 0.01).astype(jnp.float32)
    return {"X": X, "edge_index": edge_index, "W": W, "b": b}

def reference(X, edge_index, W, b):
    # Faithful translation of: self.fc(torch.spmm(self.A, X))
    src = edge_index[0]
    dst = edge_index[1]
    gathered = jnp.take(X, src, axis=0)                      # gather  [E, D_IN]
    agg = jax.ops.segment_sum(gathered, dst, num_segments=N)  # spmm(A, X) as scatter-add [N, D_IN]
    out = agg @ W.T + b                                       # Linear  [N, D_OUT]
    return out

if __name__ == "__main__":
    import jax
    _d = setup_inputs()
    print(jax.jit(kernel)(*tuple(_d.values())))

</pallas_src>

<mosaic_0001>
#map = affine_map<(d0, d1) -> (0, 0)>
#map1 = affine_map<(d0, d1) -> (0, 0, 0, 0)>
#map2 = affine_map<(d0, d1) -> (0, 0, 0)>
module attributes {stable_mosaic.version = 14 : i64} {
  func.func @sc_kernel(%arg0: i32, %arg1: i32, %arg2: memref<10000x128xf32, #tpu.memory_space<hbm>>, %arg3: memref<10000x128xf32, #tpu.memory_space<hbm>>, %arg4: memref<2x16x90x112xi32, #tpu.memory_space<hbm>>, %arg5: memref<2x632x128xf32, #tpu.memory_space<hbm>>, %arg6: memref<10000x256xf32, #tpu.memory_space<hbm>>, %arg7: memref<3x112xi32, #tpu.memory_space<vmem>>, %arg8: memref<3x112xi32, #tpu.memory_space<vmem>>, %arg9: memref<3x112x128xf32, #tpu.memory_space<vmem>>, %arg10: memref<10112x128xf32, #tpu.memory_space<vmem_shared>>, %arg11: memref<!tpu.dma_semaphore, #tpu.memory_space<semaphore_mem>>, %arg12: memref<!tpu.dma_semaphore, #tpu.memory_space<semaphore_mem>>, %arg13: memref<!tpu.dma_semaphore, #tpu.memory_space<semaphore_mem>>, %arg14: memref<!tpu.dma_semaphore, #tpu.memory_space<semaphore_mem>>, %arg15: memref<!tpu.dma_semaphore, #tpu.memory_space<semaphore_mem>>, %arg16: memref<!tpu.dma_semaphore, #tpu.memory_space<semaphore_mem>>, %arg17: memref<!tpu.dma_semaphore, #tpu.memory_space<semaphore_mem>>, %arg18: memref<!tpu.dma_semaphore, #tpu.memory_space<semaphore_mem>>, %arg19: memref<!tpu.dma_semaphore, #tpu.memory_space<semaphore_mem>>) attributes {dimension_semantics = [#tpu.dimension_semantics<core_parallel>, #tpu.dimension_semantics<subcore_parallel>], iteration_bounds = array<i64: 2, 16>, scalar_prefetch = 0 : i64, scratch_operands = 13 : i64, tpu.core_type = #tpu.core_type<sc_vector_subcore>, window_params = [{transform_indices = #map}, {transform_indices = #map}, {transform_indices = #map1}, {transform_indices = #map2}, {transform_indices = #map}]} {
    %mul3A = arith.constant 632 : i32
    %mul3A_0 = arith.muli %arg1, %mul3A : i32
    "tpu.region"() ({
      %run_scoped3A = tpu.sem_alloc : memref<!tpu.dma_semaphore, #tpu.memory_space<semaphore_mem>>
      %dma_start3A = arith.constant 0 : i32
      %dma_start3A_22 = tpu.memref_slice %arg10[%mul3A_0, %dma_start3A] : memref<10112x128xf32, #tpu.memory_space<vmem_shared>> -> memref<632x128xf32, #tpu.memory_space<vmem_shared>>
      %dma_start3A_23 = arith.constant 0 : i32
      %dma_start3A_24 = arith.constant 0 : i32
      %dma_start3A_25 = tpu.memref_slice %arg5[%arg0, %dma_start3A_23, %dma_start3A_24] : memref<2x632x128xf32, #tpu.memory_space<hbm>> -> memref<1x632x128xf32, #tpu.memory_space<hbm>>
      %dma_start3A_26 = tpu.memref_squeeze %dma_start3A_25 : memref<1x632x128xf32, #tpu.memory_space<hbm>> -> memref<632x128xf32, #tpu.memory_space<hbm>>
      tpu.enqueue_dma source(%dma_start3A_26 : memref<632x128xf32, #tpu.memory_space<hbm>>) target(%dma_start3A_22 : memref<632x128xf32, #tpu.memory_space<vmem_shared>>) target_semaphore(%run_scoped3A : memref<!tpu.dma_semaphore, #tpu.memory_space<semaphore_mem>>)
      %dma_wait3A = arith.constant 0 : i32
      %dma_wait3A_27 = tpu.memref_slice %arg10[%mul3A_0, %dma_wait3A] : memref<10112x128xf32, #tpu.memory_space<vmem_shared>> -> memref<632x128xf32, #tpu.memory_space<vmem_shared>>
      %dma_wait3A_28 = arith.constant 0 : i32
      %dma_wait3A_29 = arith.constant 0 : i32
      %dma_wait3A_30 = tpu.memref_slice %arg5[%arg0, %dma_wait3A_28, %dma_wait3A_29] : memref<2x632x128xf32, #tpu.memory_space<hbm>> -> memref<1x632x128xf32, #tpu.memory_space<hbm>>
      %dma_wait3A_31 = tpu.memref_squeeze %dma_wait3A_30 : memref<1x632x128xf32, #tpu.memory_space<hbm>> -> memref<632x128xf32, #tpu.memory_space<hbm>>
      tpu.wait_dma2 semaphore(%run_scoped3A : memref<!tpu.dma_semaphore, #tpu.memory_space<semaphore_mem>>) src(%dma_wait3A_31 : memref<632x128xf32, #tpu.memory_space<hbm>>) dst(%dma_wait3A_27 : memref<632x128xf32, #tpu.memory_space<vmem_shared>>)
      tpu.yield
    }) : () -> ()
    %barrier3A = arith.constant 0 : index
    tpu.barrier barrier_id(%barrier3A)
    %eq3A = arith.constant 0 : i32
    %eq3A_1 = arith.cmpi eq, %arg0, %eq3A : i32
    %convert_element_type3A = arith.extui %eq3A_1 : i1 to i32
    %cond3A = arith.constant 0 : i32
    %cond3A_2 = arith.constant 1 : i32
    %cond3A_3 = arith.constant 0 : i32
    %cond3A_4 = arith.cmpi ne, %convert_element_type3A, %cond3A_3 : i32
    scf.if %cond3A_4 {
      %dma_start3A = arith.constant 0 : i32
      %dma_start3A_22 = arith.constant 0 : i32
      %dma_start3A_23 = arith.constant 0 : i32
      %dma_start3A_24 = tpu.memref_slice %arg7[%dma_start3A_22, %dma_start3A_23] : memref<3x112xi32, #tpu.memory_space<vmem>> -> memref<1x112xi32, #tpu.memory_space<vmem>>
      %dma_start3A_25 = tpu.memref_squeeze %dma_start3A_24 : memref<1x112xi32, #tpu.memory_space<vmem>> -> memref<112xi32, #tpu.memory_space<vmem>>
      %dma_start3A_26 = arith.constant 0 : i32
      %dma_start3A_27 = arith.constant 0 : i32
      %dma_start3A_28 = arith.constant 0 : i32
      %dma_start3A_29 = tpu.memref_slice %arg4[%cond3A, %dma_start3A_26, %dma_start3A_27, %dma_start3A_28] : memref<2x16x90x112xi32, #tpu.memory_space<hbm>> -> memref<1x16x90x112xi32, #tpu.memory_space<hbm>>
      %dma_start3A_30 = tpu.memref_squeeze %dma_start3A_29 : memref<1x16x90x112xi32, #tpu.memory_space<hbm>> -> memref<16x90x112xi32, #tpu.memory_space<hbm>>
      %dma_start3A_31 = arith.constant 0 : i32
      %dma_start3A_32 = tpu.memref_slice %dma_start3A_30[%arg1, %dma_start3A, %dma_start3A_31] : memref<16x90x112xi32, #tpu.memory_space<hbm>> -> memref<1x1x112xi32, #tpu.memory_space<hbm>>
      %dma_start3A_33 = tpu.memref_squeeze %dma_start3A_32 : memref<1x1x112xi32, #tpu.memory_space<hbm>> -> memref<112xi32, #tpu.memory_space<hbm>>
      %dma_start3A_34 = arith.constant 0 : i32
      %dma_start3A_35 = tpu.memref_slice %arg7[%dma_start3A_22, %dma_start3A_34] : memref<3x112xi32, #tpu.memory_space<vmem>> -> memref<1x112xi32, #tpu.memory_space<vmem>>
      %dma_start3A_36 = tpu.memref_squeeze %dma_start3A_35 : memref<1x112xi32, #tpu.memory_space<vmem>> -> memref<112xi32, #tpu.memory_space<vmem>>
      %dma_start3A_37 = arith.constant 0 : i32
      %dma_start3A_38 = arith.constant 0 : i32
      %dma_start3A_39 = arith.constant 0 : i32
      %dma_start3A_40 = tpu.memref_slice %arg4[%cond3A, %dma_start3A_37, %dma_start3A_38, %dma_start3A_39] : memref<2x16x90x112xi32, #tpu.memory_space<hbm>> -> memref<1x16x90x112xi32, #tpu.memory_space<hbm>>
      %dma_start3A_41 = tpu.memref_squeeze %dma_start3A_40 : memref<1x16x90x112xi32, #tpu.memory_space<hbm>> -> memref<16x90x112xi32, #tpu.memory_space<hbm>>
      %dma_start3A_42 = arith.constant 0 : i32
      %dma_start3A_43 = tpu.memref_slice %dma_start3A_41[%arg1, %dma_start3A, %dma_start3A_42] : memref<16x90x112xi32, #tpu.memory_space<hbm>> -> memref<1x1x112xi32, #tpu.memory_space<hbm>>
      %dma_start3A_44 = tpu.memref_squeeze %dma_start3A_43 : memref<1x1x112xi32, #tpu.memory_space<hbm>> -> memref<112xi32, #tpu.memory_space<hbm>>
      tpu.enqueue_dma source(%dma_start3A_44 : memref<112xi32, #tpu.memory_space<hbm>>) target(%dma_start3A_36 : memref<112xi32, #tpu.memory_space<vmem>>) target_semaphore(%arg11 : memref<!tpu.dma_semaphore, #tpu.memory_space<semaphore_mem>>)
      %dma_start3A_45 = arith.constant 0 : i32
      %dma_start3A_46 = arith.constant 0 : i32
      %dma_start3A_47 = arith.constant 0 : i32
      %dma_start3A_48 = tpu.memref_slice %arg8[%dma_start3A_46, %dma_start3A_47] : memref<3x112xi32, #tpu.memory_space<vmem>> -> memref<1x112xi32, #tpu.memory_space<vmem>>
      %dma_start3A_49 = tpu.memref_squeeze %dma_start3A_48 : memref<1x112xi32, #tpu.memory_space<vmem>> -> memref<112xi32, #tpu.memory_space<vmem>>
      %dma_start3A_50 = arith.constant 0 : i32
      %dma_start3A_51 = arith.constant 0 : i32
      %dma_start3A_52 = arith.constant 0 : i32
      %dma_start3A_53 = tpu.memref_slice %arg4[%cond3A_2, %dma_start3A_50, %dma_start3A_51, %dma_start3A_52] : memref<2x16x90x112xi32, #tpu.memory_space<hbm>> -> memref<1x16x90x112xi32, #tpu.memory_space<hbm>>
      %dma_start3A_54 = tpu.memref_squeeze %dma_start3A_53 : memref<1x16x90x112xi32, #tpu.memory_space<hbm>> -> memref<16x90x112xi32, #tpu.memory_space<hbm>>
      %dma_start3A_55 = arith.constant 0 : i32
      %dma_start3A_56 = tpu.memref_slice %dma_start3A_54[%arg1, %dma_start3A_45, %dma_start3A_55] : memref<16x90x112xi32, #tpu.memory_space<hbm>> -> memref<1x1x112xi32, #tpu.memory_space<hbm>>
      %dma_start3A_57 = tpu.memref_squeeze %dma_start3A_56 : memref<1x1x112xi32, #tpu.memory_space<hbm>> -> memref<112xi32, #tpu.memory_space<hbm>>
      %dma_start3A_58 = arith.constant 0 : i32
      %dma_start3A_59 = tpu.memref_slice %arg8[%dma_start3A_46, %dma_start3A_58] : memref<3x112xi32, #tpu.memory_space<vmem>> -> memref<1x112xi32, #tpu.memory_space<vmem>>
      %dma_start3A_60 = tpu.memref_squeeze %dma_start3A_59 : memref<1x112xi32, #tpu.memory_space<vmem>> -> memref<112xi32, #tpu.memory_space<vmem>>
      %dma_start3A_61 = arith.constant 0 : i32
      %dma_start3A_62 = arith.constant 0 : i32
      %dma_start3A_63 = arith.constant 0 : i32
      %dma_start3A_64 = tpu.memref_slice %arg4[%cond3A_2, %dma_start3A_61, %dma_start3A_62, %dma_start3A_63] : memref<2x16x90x112xi32, #tpu.memory_space<hbm>> -> memref<1x16x90x112xi32, #tpu.memory_space<hbm>>
      %dma_start3A_65 = tpu.memref_squeeze %dma_start3A_64 : memref<1x16x90x112xi32, #tpu.memory_space<hbm>> -> memref<16x90x112xi32, #tpu.memory_space<hbm>>
      %dma_start3A_66 = arith.constant 0 : i32
      %dma_start3A_67 = tpu.memref_slice %dma_start3A_65[%arg1, %dma_start3A_45, %dma_start3A_66] : memref<16x90x112xi32, #tpu.memory_space<hbm>> -> memref<1x1x112xi32, #tpu.memory_space<hbm>>
      %dma_start3A_68 = tpu.memref_squeeze %dma_start3A_67 : memref<1x1x112xi32, #tpu.memory_space<hbm>> -> memref<112xi32, #tpu.memory_space<hbm>>
      tpu.enqueue_dma source(%dma_start3A_68 : memref<112xi32, #tpu.memory_space<hbm>>) target(%dma_start3A_60 : memref<112xi32, #tpu.memory_space<vmem>>) target_semaphore(%arg14 : memref<!tpu.dma_semaphore, #tpu.memory_space<semaphore_mem>>)
      %dma_start3A_69 = arith.constant 1 : i32
      %dma_start3A_70 = arith.constant 1 : i32
      %dma_start3A_71 = arith.constant 0 : i32
      %dma_start3A_72 = tpu.memref_slice %arg7[%dma_start3A_70, %dma_start3A_71] : memref<3x112xi32, #tpu.memory_space<vmem>> -> memref<1x112xi32, #tpu.memory_space<vmem>>
      %dma_start3A_73 = tpu.memref_squeeze %dma_start3A_72 : memref<1x112xi32, #tpu.memory_space<vmem>> -> memref<112xi32, #tpu.memory_space<vmem>>
      %dma_start3A_74 = arith.constant 0 : i32
      %dma_start3A_75 = arith.constant 0 : i32
      %dma_start3A_76 = arith.constant 0 : i32
      %dma_start3A_77 = tpu.memref_slice %arg4[%cond3A, %dma_start3A_74, %dma_start3A_75, %dma_start3A_76] : memref<2x16x90x112xi32, #tpu.memory_space<hbm>> -> memref<1x16x90x112xi32, #tpu.memory_space<hbm>>
      %dma_start3A_78 = tpu.memref_squeeze %dma_start3A_77 : memref<1x16x90x112xi32, #tpu.memory_space<hbm>> -> memref<16x90x112xi32, #tpu.memory_space<hbm>>
      %dma_start3A_79 = arith.constant 0 : i32
      %dma_start3A_80 = tpu.memref_slice %dma_start3A_78[%arg1, %dma_start3A_69, %dma_start3A_79] : memref<16x90x112xi32, #tpu.memory_space<hbm>> -> memref<1x1x112xi32, #tpu.memory_space<hbm>>
      %dma_start3A_81 = tpu.memref_squeeze %dma_start3A_80 : memref<1x1x112xi32, #tpu.memory_space<hbm>> -> memref<112xi32, #tpu.memory_space<hbm>>
      %dma_start3A_82 = arith.constant 0 : i32
      %dma_start3A_83 = tpu.memref_slice %arg7[%dma_start3A_70, %dma_start3A_82] : memref<3x112xi32, #tpu.memory_space<vmem>> -> memref<1x112xi32, #tpu.memory_space<vmem>>
      %dma_start3A_84 = tpu.memref_squeeze %dma_start3A_83 : memref<1x112xi32, #tpu.memory_space<vmem>> -> memref<112xi32, #tpu.memory_space<vmem>>
      %dma_start3A_85 = arith.constant 0 : i32
      %dma_start3A_86 = arith.constant 0 : i32
      %dma_start3A_87 = arith.constant 0 : i32
      %dma_start3A_88 = tpu.memref_slice %arg4[%cond3A, %dma_start3A_85, %dma_start3A_86, %dma_start3A_87] : memref<2x16x90x112xi32, #tpu.memory_space<hbm>> -> memref<1x16x90x112xi32, #tpu.memory_space<hbm>>
      %dma_start3A_89 = tpu.memref_squeeze %dma_start3A_88 : memref<1x16x90x112xi32, #tpu.memory_space<hbm>> -> memref<16x90x112xi32, #tpu.memory_space<hbm>>
      %dma_start3A_90 = arith.constant 0 : i32
      %dma_start3A_91 = tpu.memref_slice %dma_start3A_89[%arg1, %dma_start3A_69, %dma_start3A_90] : memref<16x90x112xi32, #tpu.memory_space<hbm>> -> memref<1x1x112xi32, #tpu.memory_space<hbm>>
      %dma_start3A_92 = tpu.memref_squeeze %dma_start3A_91 : memref<1x1x112xi32, #tpu.memory_space<hbm>> -> memref<112xi32, #tpu.memory_space<hbm>>
      tpu.enqueue_dma source(%dma_start3A_92 : memref<112xi32, #tpu.memory_space<hbm>>) target(%dma_start3A_84 : memref<112xi32, #tpu.memory_space<vmem>>) target_semaphore(%arg12 : memref<!tpu.dma_semaphore, #tpu.memory_space<semaphore_mem>>)
      %dma_start3A_93 = arith.constant 1 : i32
      %dma_start3A_94 = arith.constant 1 : i32
      %dma_start3A_95 = arith.constant 0 : i32
      %dma_start3A_96 = tpu.memref_slice %arg8[%dma_start3A_94, %dma_start3A_95] : memref<3x112xi32, #tpu.memory_space<vmem>> -> memref<1x112xi32, #tpu.memory_space<vmem>>
      %dma_start3A_97 = tpu.memref_squeeze %dma_start3A_96 : memref<1x112xi32, #tpu.memory_space<vmem>> -> memref<112xi32, #tpu.memory_space<vmem>>
      %dma_start3A_98 = arith.constant 0 : i32
      %dma_start3A_99 = arith.constant 0 : i32
      %dma_start3A_100 = arith.constant 0 : i32
      %dma_start3A_101 = tpu.memref_slice %arg4[%cond3A_2, %dma_start3A_98, %dma_start3A_99, %dma_start3A_100] : memref<2x16x90x112xi32, #tpu.memory_space<hbm>> -> memref<1x16x90x112xi32, #tpu.memory_space<hbm>>
      %dma_start3A_102 = tpu.memref_squeeze %dma_start3A_101 : memref<1x16x90x112xi32, #tpu.memory_space<hbm>> -> memref<16x90x112xi32, #tpu.memory_space<hbm>>
      %dma_start3A_103 = arith.constant 0 : i32
      %dma_start3A_104 = tpu.memref_slice %dma_start3A_102[%arg1, %dma_start3A_93, %dma_start3A_103] : memref<16x90x112xi32, #tpu.memory_space<hbm>> -> memref<1x1x112xi32, #tpu.memory_space<hbm>>
      %dma_start3A_105 = tpu.memref_squeeze %dma_start3A_104 : memref<1x1x112xi32, #tpu.memory_space<hbm>> -> memref<112xi32, #tpu.memory_space<hbm>>
      %dma_start3A_106 = arith.constant 0 : i32
      %dma_start3A_107 = tpu.memref_slice %arg8[%dma_start3A_94, %dma_start3A_106] : memref<3x112xi32, #tpu.memory_space<vmem>> -> memref<1x112xi32, #tpu.memory_space<vmem>>
      %dma_start3A_108 = tpu.memref_squeeze %dma_start3A_107 : memref<1x112xi32, #tpu.memory_space<vmem>> -> memref<112xi32, #tpu.memory_space<vmem>>
      %dma_start3A_109 = arith.constant 0 : i32
      %dma_start3A_110 = arith.constant 0 : i32
      %dma_start3A_111 = arith.constant 0 : i32
      %dma_start3A_112 = tpu.memref_slice %arg4[%cond3A_2, %dma_start3A_109, %dma_start3A_110, %dma_start3A_111] : memref<2x16x90x112xi32, #tpu.memory_space<hbm>> -> memref<1x16x90x112xi32, #tpu.memory_space<hbm>>
      %dma_start3A_113 = tpu.memref_squeeze %dma_start3A_112 : memref<1x16x90x112xi32, #tpu.memory_space<hbm>> -> memref<16x90x112xi32, #tpu.memory_space<hbm>>
      %dma_start3A_114 = arith.constant 0 : i32
      %dma_start3A_115 = tpu.memref_slice %dma_start3A_113[%arg1, %dma_start3A_93, %dma_start3A_114] : memref<16x90x112xi32, #tpu.memory_space<hbm>> -> memref<1x1x112xi32, #tpu.memory_space<hbm>>
      %dma_start3A_116 = tpu.memref_squeeze %dma_start3A_115 : memref<1x1x112xi32, #tpu.memory_space<hbm>> -> memref<112xi32, #tpu.memory_space<hbm>>
      tpu.enqueue_dma source(%dma_start3A_116 : memref<112xi32, #tpu.memory_space<hbm>>) target(%dma_start3A_108 : memref<112xi32, #tpu.memory_space<vmem>>) target_semaphore(%arg15 : memref<!tpu.dma_semaphore, #tpu.memory_space<semaphore_mem>>)
      %dma_start3A_117 = arith.constant 2 : i32
      %dma_start3A_118 = arith.constant 2 : i32
      %dma_start3A_119 = arith.constant 0 : i32
      %dma_start3A_120 = tpu.memref_slice %arg7[%dma_start3A_118, %dma_start3A_119] : memref<3x112xi32, #tpu.memory_space<vmem>> -> memref<1x112xi32, #tpu.memory_space<vmem>>
      %dma_start3A_121 = tpu.memref_squeeze %dma_start3A_120 : memref<1x112xi32, #tpu.memory_space<vmem>> -> memref<112xi32, #tpu.memory_space<vmem>>
      %dma_start3A_122 = arith.constant 0 : i32
      %dma_start3A_123 = arith.constant 0 : i32
      %dma_start3A_124 = arith.constant 0 : i32
      %dma_start3A_125 = tpu.memref_slice %arg4[%cond3A, %dma_start3A_122, %dma_start3A_123, %dma_start3A_124] : memref<2x16x90x112xi32, #tpu.memory_space<hbm>> -> memref<1x16x90x112xi32, #tpu.memory_space<hbm>>
      %dma_start3A_126 = tpu.memref_squeeze %dma_start3A_125 : memref<1x16x90x112xi32, #tpu.memory_space<hbm>> -> memref<16x90x112xi32, #tpu.memory_space<hbm>>
      %dma_start3A_127 = arith.constant 0 : i32
      %dma_start3A_128 = tpu.memref_slice %dma_start3A_126[%arg1, %dma_start3A_117, %dma_start3A_127] : memref<16x90x112xi32, #tpu.memory_space<hbm>> -> memref<1x1x112xi32, #tpu.memory_space<hbm>>
      %dma_start3A_129 = tpu.memref_squeeze %dma_start3A_128 : memref<1x1x112xi32, #tpu.memory_space<hbm>> -> memref<112xi32, #tpu.memory_space<hbm>>
      %dma_start3A_130 = arith.constant 0 : i32
      %dma_start3A_131 = tpu.memref_slice %arg7[%dma_start3A_118, %dma_start3A_130] : memref<3x112xi32, #tpu.memory_space<vmem>> -> memref<1x112xi32, #tpu.memory_space<vmem>>
      %dma_start3A_132 = tpu.memref_squeeze %dma_start3A_131 : memref<1x112xi32, #tpu.memory_space<vmem>> -> memref<112xi32, #tpu.memory_space<vmem>>
      %dma_start3A_133 = arith.constant 0 : i32
      %dma_start3A_134 = arith.constant 0 : i32
      %dma_start3A_135 = arith.constant 0 : i32
      %dma_start3A_136 = tpu.memref_slice %arg4[%cond3A, %dma_start3A_133, %dma_start3A_134, %dma_start3A_135] : memref<2x16x90x112xi32, #tpu.memory_space<hbm>> -> memref<1x16x90x112xi32, #tpu.memory_space<hbm>>
      %dma_start3A_137 = tpu.memref_squeeze %dma_start3A_136 : memref<1x16x90x112xi32, #tpu.memory_space<hbm>> -> memref<16x90x112xi32, #tpu.memory_space<hbm>>
      %dma_start3A_138 = arith.constant 0 : i32
      %dma_start3A_139 = tpu.memref_slice %dma_start3A_137[%arg1, %dma_start3A_117, %dma_start3A_138] : memref<16x90x112xi32, #tpu.memory_space<hbm>> -> memref<1x1x112xi32, #tpu.memory_space<hbm>>
      %dma_start3A_140 = tpu.memref_squeeze %dma_start3A_139 : memref<1x1x112xi32, #tpu.memory_space<hbm>> -> memref<112xi32, #tpu.memory_space<hbm>>
      tpu.enqueue_dma source(%dma_start3A_140 : memref<112xi32, #tpu.memory_space<hbm>>) target(%dma_start3A_132 : memref<112xi32, #tpu.memory_space<vmem>>) target_semaphore(%arg13 : memref<!tpu.dma_semaphore, #tpu.memory_space<semaphore_mem>>)
      %dma_start3A_141 = arith.constant 2 : i32
      %dma_start3A_142 = arith.constant 2 : i32
      %dma_start3A_143 = arith.constant 0 : i32
      %dma_start3A_144 = tpu.memref_slice %arg8[%dma_start3A_142, %dma_start3A_143] : memref<3x112xi32, #tpu.memory_space<vmem>> -> memref<1x112xi32, #tpu.memory_space<vmem>>
      %dma_start3A_145 = tpu.memref_squeeze %dma_start3A_144 : memref<1x112xi32, #tpu.memory_space<vmem>> -> memref<112xi32, #tpu.memory_space<vmem>>
      %dma_start3A_146 = arith.constant 0 : i32
      %dma_start3A_147 = arith.constant 0 : i32
      %dma_start3A_148 = arith.constant 0 : i32
      %dma_start3A_149 = tpu.memref_slice %arg4[%cond3A_2, %dma_start3A_146, %dma_start3A_147, %dma_start3A_148] : memref<2x16x90x112xi32, #tpu.memory_space<hbm>> -> memref<1x16x90x112xi32, #tpu.memory_space<hbm>>
      %dma_start3A_150 = tpu.memref_squeeze %dma_start3A_149 : memref<1x16x90x112xi32, #tpu.memory_space<hbm>> -> memref<16x90x112xi32, #tpu.memory_space<hbm>>
      %dma_start3A_151 = arith.constant 0 : i32
      %dma_start3A_152 = tpu.memref_slice %dma_start3A_150[%arg1, %dma_start3A_141, %dma_start3A_151] : memref<16x90x112xi32, #tpu.memory_space<hbm>> -> memref<1x1x112xi32, #tpu.memory_space<hbm>>
      %dma_start3A_153 = tpu.memref_squeeze %dma_start3A_152 : memref<1x1x112xi32, #tpu.memory_space<hbm>> -> memref<112xi32, #tpu.memory_space<hbm>>
      %dma_start3A_154 = arith.constant 0 : i32
      %dma_start3A_155 = tpu.memref_slice %arg8[%dma_start3A_142, %dma_start3A_154] : memref<3x112xi32, #tpu.memory_space<vmem>> -> memref<1x112xi32, #tpu.memory_space<vmem>>
      %dma_start3A_156 = tpu.memref_squeeze %dma_start3A_155 : memref<1x112xi32, #tpu.memory_space<vmem>> -> memref<112xi32, #tpu.memory_space<vmem>>
      %dma_start3A_157 = arith.constant 0 : i32
      %dma_start3A_158 = arith.constant 0 : i32
      %dma_start3A_159 = arith.constant 0 : i32
      %dma_start3A_160 = tpu.memref_slice %arg4[%cond3A_2, %dma_start3A_157, %dma_start3A_158, %dma_start3A_159] : memref<2x16x90x112xi32, #tpu.memory_space<hbm>> -> memref<1x16x90x112xi32, #tpu.memory_space<hbm>>
      %dma_start3A_161 = tpu.memref_squeeze %dma_start3A_160 : memref<1x16x90x112xi32, #tpu.memory_space<hbm>> -> memref<16x90x112xi32, #tpu.memory_space<hbm>>
      %dma_start3A_162 = arith.constant 0 : i32
      %dma_start3A_163 = tpu.memref_slice %dma_start3A_161[%arg1, %dma_start3A_141, %dma_start3A_162] : memref<16x90x112xi32, #tpu.memory_space<hbm>> -> memref<1x1x112xi32, #tpu.memory_space<hbm>>
      %dma_start3A_164 = tpu.memref_squeeze %dma_start3A_163 : memref<1x1x112xi32, #tpu.memory_space<hbm>> -> memref<112xi32, #tpu.memory_space<hbm>>
      tpu.enqueue_dma source(%dma_start3A_164 : memref<112xi32, #tpu.memory_space<hbm>>) target(%dma_start3A_156 : memref<112xi32, #tpu.memory_space<vmem>>) target_semaphore(%arg16 : memref<!tpu.dma_semaphore, #tpu.memory_space<semaphore_mem>>)
      %dma_wait3A = arith.constant 0 : i32
      %dma_wait3A_165 = arith.constant 0 : i32
      %dma_wait3A_166 = arith.constant 0 : i32
      %dma_wait3A_167 = tpu.memref_slice %arg7[%dma_wait3A_165, %dma_wait3A_166] : memref<3x112xi32, #tpu.memory_space<vmem>> -> memref<1x112xi32, #tpu.memory_space<vmem>>
      %dma_wait3A_168 = tpu.memref_squeeze %dma_wait3A_167 : memref<1x112xi32, #tpu.memory_space<vmem>> -> memref<112xi32, #tpu.memory_space<vmem>>
      %dma_wait3A_169 = arith.constant 0 : i32
      %dma_wait3A_170 = arith.constant 0 : i32
      %dma_wait3A_171 = arith.constant 0 : i32
      %dma_wait3A_172 = tpu.memref_slice %arg4[%cond3A, %dma_wait3A_169, %dma_wait3A_170, %dma_wait3A_171] : memref<2x16x90x112xi32, #tpu.memory_space<hbm>> -> memref<1x16x90x112xi32, #tpu.memory_space<hbm>>
      %dma_wait3A_173 = tpu.memref_squeeze %dma_wait3A_172 : memref<1x16x90x112xi32, #tpu.memory_space<hbm>> -> memref<16x90x112xi32, #tpu.memory_space<hbm>>
      %dma_wait3A_174 = arith.constant 0 : i32
      %dma_wait3A_175 = tpu.memref_slice %dma_wait3A_173[%arg1, %dma_wait3A, %dma_wait3A_174] : memref<16x90x112xi32, #tpu.memory_space<hbm>> -> memref<1x1x112xi32, #tpu.memory_space<hbm>>
      %dma_wait3A_176 = tpu.memref_squeeze %dma_wait3A_175 : memref<1x1x112xi32, #tpu.memory_space<hbm>> -> memref<112xi32, #tpu.memory_space<hbm>>
      %dma_wait3A_177 = arith.constant 0 : i32
      %dma_wait3A_178 = tpu.memref_slice %arg7[%dma_wait3A_165, %dma_wait3A_177] : memref<3x112xi32, #tpu.memory_space<vmem>> -> memref<1x112xi32, #tpu.memory_space<vmem>>
      %dma_wait3A_179 = tpu.memref_squeeze %dma_wait3A_178 : memref<1x112xi32, #tpu.memory_space<vmem>> -> memref<112xi32, #tpu.memory_space<vmem>>
      %dma_wait3A_180 = arith.constant 0 : i32
      %dma_wait3A_181 = arith.constant 0 : i32
      %dma_wait3A_182 = arith.constant 0 : i32
      %dma_wait3A_183 = tpu.memref_slice %arg4[%cond3A, %dma_wait3A_180, %dma_wait3A_181, %dma_wait3A_182] : memref<2x16x90x112xi32, #tpu.memory_space<hbm>> -> memref<1x16x90x112xi32, #tpu.memory_space<hbm>>
      %dma_wait3A_184 = tpu.memref_squeeze %dma_wait3A_183 : memref<1x16x90x112xi32, #tpu.memory_space<hbm>> -> memref<16x90x112xi32, #tpu.memory_space<hbm>>
      %dma_wait3A_185 = arith.constant 0 : i32
      %dma_wait3A_186 = tpu.memref_slice %dma_wait3A_184[%arg1, %dma_wait3A, %dma_wait3A_185] : memref<16x90x112xi32, #tpu.memory_space<hbm>> -> memref<1x1x112xi32, #tpu.memory_space<hbm>>
      %dma_wait3A_187 = tpu.memref_squeeze %dma_wait3A_186 : memref<1x1x112xi32, #tpu.memory_space<hbm>> -> memref<112xi32, #tpu.memory_space<hbm>>
      tpu.wait_dma2 semaphore(%arg11 : memref<!tpu.dma_semaphore, #tpu.memory_space<semaphore_mem>>) src(%dma_wait3A_187 : memref<112xi32, #tpu.memory_space<hbm>>) dst(%dma_wait3A_179 : memref<112xi32, #tpu.memory_space<vmem>>)
      %dma_start3A_188 = arith.constant 0 : i32
      %dma_start3A_189 = arith.constant 0 : i32
      %dma_start3A_190 = arith.constant 0 : i32
      %dma_start3A_191 = arith.constant 0 : i32
      %dma_start3A_192 = tpu.memref_slice %arg9[%dma_start3A_189, %dma_start3A_190, %dma_start3A_191] : memref<3x112x128xf32, #tpu.memory_space<vmem>> -> memref<1x112x128xf32, #tpu.memory_space<vmem>>
      %dma_start3A_193 = tpu.memref_squeeze %dma_start3A_192 : memref<1x112x128xf32, #tpu.memory_space<vmem>> -> memref<112x128xf32, #tpu.memory_space<vmem>>
      %dma_start3A_194 = arith.constant 0 : i32
      %dma_start3A_195 = tpu.memref_slice %arg7[%dma_start3A_188, %dma_start3A_194] : memref<3x112xi32, #tpu.memory_space<vmem>> -> memref<1x112xi32, #tpu.memory_space<vmem>>
      %dma_start3A_196 = tpu.memref_squeeze %dma_start3A_195 : memref<1x112xi32, #tpu.memory_space<vmem>> -> memref<112xi32, #tpu.memory_space<vmem>>
      %dma_start3A_197 = arith.constant 0 : i32
      %dma_start3A_198 = arith.constant 0 : i32
      %dma_start3A_199 = tpu.memref_slice %arg2[%dma_start3A_197, %dma_start3A_198] : memref<10000x128xf32, #tpu.memory_space<hbm>> -> memref<10000x128xf32, #tpu.memory_space<hbm>>
      tpu.enqueue_indirect_dma source(%dma_start3A_199 : memref<10000x128xf32, #tpu.memory_space<hbm>>) target(%dma_start3A_193 : memref<112x128xf32, #tpu.memory_space<vmem>>) offsets(%dma_start3A_196 : memref<112xi32, #tpu.memory_space<vmem>>) semaphore(%arg17 : memref<!tpu.dma_semaphore, #tpu.memory_space<semaphore_mem>>)
      %dma_wait3A_200 = arith.constant 1 : i32
      %dma_wait3A_201 = arith.constant 1 : i32
      %dma_wait3A_202 = arith.constant 0 : i32
      %dma_wait3A_203 = tpu.memref_slice %arg7[%dma_wait3A_201, %dma_wait3A_202] : memref<3x112xi32, #tpu.memory_space<vmem>> -> memref<1x112xi32, #tpu.memory_space<vmem>>
      %dma_wait3A_204 = tpu.memref_squeeze %dma_wait3A_203 : memref<1x112xi32, #tpu.memory_space<vmem>> -> memref<112xi32, #tpu.memory_space<vmem>>
      %dma_wait3A_205 = arith.constant 0 : i32
      %dma_wait3A_206 = arith.constant 0 : i32
      %dma_wait3A_207 = arith.constant 0 : i32
      %dma_wait3A_208 = tpu.memref_slice %arg4[%cond3A, %dma_wait3A_205, %dma_wait3A_206, %dma_wait3A_207] : memref<2x16x90x112xi32, #tpu.memory_space<hbm>> -> memref<1x16x90x112xi32, #tpu.memory_space<hbm>>
      %dma_wait3A_209 = tpu.memref_squeeze %dma_wait3A_208 : memref<1x16x90x112xi32, #tpu.memory_space<hbm>> -> memref<16x90x112xi32, #tpu.memory_space<hbm>>
      %dma_wait3A_210 = arith.constant 0 : i32
      %dma_wait3A_211 = tpu.memref_slice %dma_wait3A_209[%arg1, %dma_wait3A_200, %dma_wait3A_210] : memref<16x90x112xi32, #tpu.memory_space<hbm>> -> memref<1x1x112xi32, #tpu.memory_space<hbm>>
      %dma_wait3A_212 = tpu.memref_squeeze %dma_wait3A_211 : memref<1x1x112xi32, #tpu.memory_space<hbm>> -> memref<112xi32, #tpu.memory_space<hbm>>
      %dma_wait3A_213 = arith.constant 0 : i32
      %dma_wait3A_214 = tpu.memref_slice %arg7[%dma_wait3A_201, %dma_wait3A_213] : memref<3x112xi32, #tpu.memory_space<vmem>> -> memref<1x112xi32, #tpu.memory_space<vmem>>
      %dma_wait3A_215 = tpu.memref_squeeze %dma_wait3A_214 : memref<1x112xi32, #tpu.memory_space<vmem>> -> memref<112xi32, #tpu.memory_space<vmem>>
      %dma_wait3A_216 = arith.constant 0 : i32
      %dma_wait3A_217 = arith.constant 0 : i32
      %dma_wait3A_218 = arith.constant 0 : i32
      %dma_wait3A_219 = tpu.memref_slice %arg4[%cond3A, %dma_wait3A_216, %dma_wait3A_217, %dma_wait3A_218] : memref<2x16x90x112xi32, #tpu.memory_space<hbm>> -> memref<1x16x90x112xi32, #tpu.memory_space<hbm>>
      %dma_wait3A_220 = tpu.memref_squeeze %dma_wait3A_219 : memref<1x16x90x112xi32, #tpu.memory_space<hbm>> -> memref<16x90x112xi32, #tpu.memory_space<hbm>>
      %dma_wait3A_221 = arith.constant 0 : i32
      %dma_wait3A_222 = tpu.memref_slice %dma_wait3A_220[%arg1, %dma_wait3A_200, %dma_wait3A_221] : memref<16x90x112xi32, #tpu.memory_space<hbm>> -> memref<1x1x112xi32, #tpu.memory_space<hbm>>
      %dma_wait3A_223 = tpu.memref_squeeze %dma_wait3A_222 : memref<1x1x112xi32, #tpu.memory_space<hbm>> -> memref<112xi32, #tpu.memory_space<hbm>>
      tpu.wait_dma2 semaphore(%arg12 : memref<!tpu.dma_semaphore, #tpu.memory_space<semaphore_mem>>) src(%dma_wait3A_223 : memref<112xi32, #tpu.memory_space<hbm>>) dst(%dma_wait3A_215 : memref<112xi32, #tpu.memory_space<vmem>>)
      %dma_start3A_224 = arith.constant 1 : i32
      %dma_start3A_225 = arith.constant 1 : i32
      %dma_start3A_226 = arith.constant 0 : i32
      %dma_start3A_227 = arith.constant 0 : i32
      %dma_start3A_228 = tpu.memref_slice %arg9[%dma_start3A_225, %dma_start3A_226, %dma_start3A_227] : memref<3x112x128xf32, #tpu.memory_space<vmem>> -> memref<1x112x128xf32, #tpu.memory_space<vmem>>
      %dma_start3A_229 = tpu.memref_squeeze %dma_start3A_228 : memref<1x112x128xf32, #tpu.memory_space<vmem>> -> memref<112x128xf32, #tpu.memory_space<vmem>>
      %dma_start3A_230 = arith.constant 0 : i32
      %dma_start3A_231 = tpu.memref_slice %arg7[%dma_start3A_224, %dma_start3A_230] : memref<3x112xi32, #tpu.memory_space<vmem>> -> memref<1x112xi32, #tpu.memory_space<vmem>>
      %dma_start3A_232 = tpu.memref_squeeze %dma_start3A_231 : memref<1x112xi32, #tpu.memory_space<vmem>> -> memref<112xi32, #tpu.memory_space<vmem>>
      %dma_start3A_233 = arith.constant 0 : i32
      %dma_start3A_234 = arith.constant 0 : i32
      %dma_start3A_235 = tpu.memref_slice %arg2[%dma_start3A_233, %dma_start3A_234] : memref<10000x128xf32, #tpu.memory_space<hbm>> -> memref<10000x128xf32, #tpu.memory_space<hbm>>
      tpu.enqueue_indirect_dma source(%dma_start3A_235 : memref<10000x128xf32, #tpu.memory_space<hbm>>) target(%dma_start3A_229 : memref<112x128xf32, #tpu.memory_space<vmem>>) offsets(%dma_start3A_232 : memref<112xi32, #tpu.memory_space<vmem>>) semaphore(%arg18 : memref<!tpu.dma_semaphore, #tpu.memory_space<semaphore_mem>>)
      %dma_wait3A_236 = arith.constant 2 : i32
      %dma_wait3A_237 = arith.constant 2 : i32
      %dma_wait3A_238 = arith.constant 0 : i32
      %dma_wait3A_239 = tpu.memref_slice %arg7[%dma_wait3A_237, %dma_wait3A_238] : memref<3x112xi32, #tpu.memory_space<vmem>> -> memref<1x112xi32, #tpu.memory_space<vmem>>
      %dma_wait3A_240 = tpu.memref_squeeze %dma_wait3A_239 : memref<1x112xi32, #tpu.memory_space<vmem>> -> memref<112xi32, #tpu.memory_space<vmem>>
      %dma_wait3A_241 = arith.constant 0 : i32
      %dma_wait3A_242 = arith.constant 0 : i32
      %dma_wait3A_243 = arith.constant 0 : i32
      %dma_wait3A_244 = tpu.memref_slice %arg4[%cond3A, %dma_wait3A_241, %dma_wait3A_242, %dma_wait3A_243] : memref<2x16x90x112xi32, #tpu.memory_space<hbm>> -> memref<1x16x90x112xi32, #tpu.memory_space<hbm>>
      %dma_wait3A_245 = tpu.memref_squeeze %dma_wait3A_244 : memref<1x16x90x112xi32, #tpu.memory_space<hbm>> -> memref<16x90x112xi32, #tpu.memory_space<hbm>>
      %dma_wait3A_246 = arith.constant 0 : i32
      %dma_wait3A_247 = tpu.memref_slice %dma_wait3A_245[%arg1, %dma_wait3A_236, %dma_wait3A_246] : memref<16x90x112xi32, #tpu.memory_space<hbm>> -> memref<1x1x112xi32, #tpu.memory_space<hbm>>
      %dma_wait3A_248 = tpu.memref_squeeze %dma_wait3A_247 : memref<1x1x112xi32, #tpu.memory_space<hbm>> -> memref<112xi32, #tpu.memory_space<hbm>>
      %dma_wait3A_249 = arith.constant 0 : i32
      %dma_wait3A_250 = tpu.memref_slice %arg7[%dma_wait3A_237, %dma_wait3A_249] : memref<3x112xi32, #tpu.memory_space<vmem>> -> memref<1x112xi32, #tpu.memory_space<vmem>>
      %dma_wait3A_251 = tpu.memref_squeeze %dma_wait3A_250 : memref<1x112xi32, #tpu.memory_space<vmem>> -> memref<112xi32, #tpu.memory_space<vmem>>
      %dma_wait3A_252 = arith.constant 0 : i32
      %dma_wait3A_253 = arith.constant 0 : i32
      %dma_wait3A_254 = arith.constant 0 : i32
      %dma_wait3A_255 = tpu.memref_slice %arg4[%cond3A, %dma_wait3A_252, %dma_wait3A_253, %dma_wait3A_254] : memref<2x16x90x112xi32, #tpu.memory_space<hbm>> -> memref<1x16x90x112xi32, #tpu.memory_space<hbm>>
      %dma_wait3A_256 = tpu.memref_squeeze %dma_wait3A_255 : memref<1x16x90x112xi32, #tpu.memory_space<hbm>> -> memref<16x90x112xi32, #tpu.memory_space<hbm>>
      %dma_wait3A_257 = arith.constant 0 : i32
      %dma_wait3A_258 = tpu.memref_slice %dma_wait3A_256[%arg1, %dma_wait3A_236, %dma_wait3A_257] : memref<16x90x112xi32, #tpu.memory_space<hbm>> -> memref<1x1x112xi32, #tpu.memory_space<hbm>>
      %dma_wait3A_259 = tpu.memref_squeeze %dma_wait3A_258 : memref<1x1x112xi32, #tpu.memory_space<hbm>> -> memref<112xi32, #tpu.memory_space<hbm>>
      tpu.wait_dma2 semaphore(%arg13 : memref<!tpu.dma_semaphore, #tpu.memory_space<semaphore_mem>>) src(%dma_wait3A_259 : memref<112xi32, #tpu.memory_space<hbm>>) dst(%dma_wait3A_251 : memref<112xi32, #tpu.memory_space<vmem>>)
      %dma_start3A_260 = arith.constant 2 : i32
      %dma_start3A_261 = arith.constant 2 : i32
      %dma_start3A_262 = arith.constant 0 : i32
      %dma_start3A_263 = arith.constant 0 : i32
      %dma_start3A_264 = tpu.memref_slice %arg9[%dma_start3A_261, %dma_start3A_262, %dma_start3A_263] : memref<3x112x128xf32, #tpu.memory_space<vmem>> -> memref<1x112x128xf32, #tpu.memory_space<vmem>>
      %dma_start3A_265 = tpu.memref_squeeze %dma_start3A_264 : memref<1x112x128xf32, #tpu.memory_space<vmem>> -> memref<112x128xf32, #tpu.memory_space<vmem>>
      %dma_start3A_266 = arith.constant 0 : i32
      %dma_start3A_267 = tpu.memref_slice %arg7[%dma_start3A_260, %dma_start3A_266] : memref<3x112xi32, #tpu.memory_space<vmem>> -> memref<1x112xi32, #tpu.memory_space<vmem>>
      %dma_start3A_268 = tpu.memref_squeeze %dma_start3A_267 : memref<1x112xi32, #tpu.memory_space<vmem>> -> memref<112xi32, #tpu.memory_space<vmem>>
      %dma_start3A_269 = arith.constant 0 : i32
      %dma_start3A_270 = arith.constant 0 : i32
      %dma_start3A_271 = tpu.memref_slice %arg2[%dma_start3A_269, %dma_start3A_270] : memref<10000x128xf32, #tpu.memory_space<hbm>> -> memref<10000x128xf32, #tpu.memory_space<hbm>>
      tpu.enqueue_indirect_dma source(%dma_start3A_271 : memref<10000x128xf32, #tpu.memory_space<hbm>>) target(%dma_start3A_265 : memref<112x128xf32, #tpu.memory_space<vmem>>) offsets(%dma_start3A_268 : memref<112xi32, #tpu.memory_space<vmem>>) semaphore(%arg19 : memref<!tpu.dma_semaphore, #tpu.memory_space<semaphore_mem>>)
      %scan3A = arith.constant 0 : i32
      %scan3A_272 = arith.constant 0 : i32
      %scan3A_273 = arith.constant 30 : i32
      %scan3A_274 = arith.addi %scan3A_272, %scan3A_273 : i32
      %scan3A_275 = arith.constant 1 : i32
      scf.for %scan3A_277 = %scan3A_272 to %scan3A_274 step %scan3A_275  : i32 {
        %mul3A_278 = arith.constant 3 : i32
        %mul3A_279 = arith.muli %mul3A_278, %scan3A_277 : i32
        %add3A = arith.constant 0 : i32
        %add3A_280 = arith.addi %mul3A_279, %add3A : i32
        %dma_wait3A_281 = arith.constant 0 : i32
        %dma_wait3A_282 = arith.constant 0 : i32
        %dma_wait3A_283 = arith.constant 0 : i32
        %dma_wait3A_284 = arith.constant 0 : i32
        %dma_wait3A_285 = tpu.memref_slice %arg9[%dma_wait3A_282, %dma_wait3A_283, %dma_wait3A_284] : memref<3x112x128xf32, #tpu.memory_space<vmem>> -> memref<1x112x128xf32, #tpu.memory_space<vmem>>
        %dma_wait3A_286 = tpu.memref_squeeze %dma_wait3A_285 : memref<1x112x128xf32, #tpu.memory_space<vmem>> -> memref<112x128xf32, #tpu.memory_space<vmem>>
        %dma_wait3A_287 = arith.constant 0 : i32
        %dma_wait3A_288 = tpu.memref_slice %arg7[%dma_wait3A_281, %dma_wait3A_287] : memref<3x112xi32, #tpu.memory_space<vmem>> -> memref<1x112xi32, #tpu.memory_space<vmem>>
        %dma_wait3A_289 = tpu.memref_squeeze %dma_wait3A_288 : memref<1x112xi32, #tpu.memory_space<vmem>> -> memref<112xi32, #tpu.memory_space<vmem>>
        %dma_wait3A_290 = arith.constant 0 : i32
        %dma_wait3A_291 = arith.constant 0 : i32
        %dma_wait3A_292 = tpu.memref_slice %arg2[%dma_wait3A_290, %dma_wait3A_291] : memref<10000x128xf32, #tpu.memory_space<hbm>> -> memref<10000x128xf32, #tpu.memory_space<hbm>>
        tpu.wait_indirect_dma semaphore(%arg17 : memref<!tpu.dma_semaphore, #tpu.memory_space<semaphore_mem>>) src(%dma_wait3A_292 : memref<10000x128xf32, #tpu.memory_space<hbm>>) dst(%dma_wait3A_286 : memref<112x128xf32, #tpu.memory_space<vmem>>)
        %add3A_293 = arith.constant 3 : i32
        %add3A_294 = arith.addi %add3A_280, %add3A_293 : i32
        %lt3A_295 = arith.constant 90 : i32
        %lt3A_296 = arith.cmpi slt, %add3A_294, %lt3A_295 : i32
        %convert_element_type3A_297 = arith.extui %lt3A_296 : i1 to i32
        %cond3A_298 = arith.constant 0 : i32
        %cond3A_299 = arith.cmpi ne, %convert_element_type3A_297, %cond3A_298 : i32
        scf.if %cond3A_299 {
          %add3A_437 = arith.constant 3 : i32
          %add3A_438 = arith.addi %add3A_280, %add3A_437 : i32
          %dma_start3A_439 = arith.constant 0 : i32
          %dma_start3A_440 = arith.constant 0 : i32
          %dma_start3A_441 = tpu.memref_slice %arg7[%dma_start3A_439, %dma_start3A_440] : memref<3x112xi32, #tpu.memory_space<vmem>> -> memref<1x112xi32, #tpu.memory_space<vmem>>
          %dma_start3A_442 = tpu.memref_squeeze %dma_start3A_441 : memref<1x112xi32, #tpu.memory_space<vmem>> -> memref<112xi32, #tpu.memory_space<vmem>>
          %dma_start3A_443 = arith.constant 0 : i32
          %dma_start3A_444 = arith.constant 0 : i32
          %dma_start3A_445 = arith.constant 0 : i32
          %dma_start3A_446 = tpu.memref_slice %arg4[%cond3A, %dma_start3A_443, %dma_start3A_444, %dma_start3A_445] : memref<2x16x90x112xi32, #tpu.memory_space<hbm>> -> memref<1x16x90x112xi32, #tpu.memory_space<hbm>>
          %dma_start3A_447 = tpu.memref_squeeze %dma_start3A_446 : memref<1x16x90x112xi32, #tpu.memory_space<hbm>> -> memref<16x90x112xi32, #tpu.memory_space<hbm>>
          %dma_start3A_448 = arith.constant 0 : i32
          %dma_start3A_449 = tpu.memref_slice %dma_start3A_447[%arg1, %add3A_438, %dma_start3A_448] : memref<16x90x112xi32, #tpu.memory_space<hbm>> -> memref<1x1x112xi32, #tpu.memory_space<hbm>>
          %dma_start3A_450 = tpu.memref_squeeze %dma_start3A_449 : memref<1x1x112xi32, #tpu.memory_space<hbm>> -> memref<112xi32, #tpu.memory_space<hbm>>
          %dma_start3A_451 = arith.constant 0 : i32
          %dma_start3A_452 = tpu.memref_slice %arg7[%dma_start3A_439, %dma_start3A_451] : memref<3x112xi32, #tpu.memory_space<vmem>> -> memref<1x112xi32, #tpu.memory_space<vmem>>
          %dma_start3A_453 = tpu.memref_squeeze %dma_start3A_452 : memref<1x112xi32, #tpu.memory_space<vmem>> -> memref<112xi32, #tpu.memory_space<vmem>>
          %dma_start3A_454 = arith.constant 0 : i32
          %dma_start3A_455 = arith.constant 0 : i32
          %dma_start3A_456 = arith.constant 0 : i32
          %dma_start3A_457 = tpu.memref_slice %arg4[%cond3A, %dma_start3A_454, %dma_start3A_455, %dma_start3A_456] : memref<2x16x90x112xi32, #tpu.memory_space<hbm>> -> memref<1x16x90x112xi32, #tpu.memory_space<hbm>>
          %dma_start3A_458 = tpu.memref_squeeze %dma_start3A_457 : memref<1x16x90x112xi32, #tpu.memory_space<hbm>> -> memref<16x90x112xi32, #tpu.memory_space<hbm>>
          %dma_start3A_459 = arith.constant 0 : i32
          %dma_start3A_460 = tpu.memref_slice %dma_start3A_458[%arg1, %add3A_438, %dma_start3A_459] : memref<16x90x112xi32, #tpu.memory_space<hbm>> -> memref<1x1x112xi32, #tpu.memory_space<hbm>>
          %dma_start3A_461 = tpu.memref_squeeze %dma_start3A_460 : memref<1x1x112xi32, #tpu.memory_space<hbm>> -> memref<112xi32, #tpu.memory_space<hbm>>
          tpu.enqueue_dma source(%dma_start3A_461 : memref<112xi32, #tpu.memory_space<hbm>>) target(%dma_start3A_453 : memref<112xi32, #tpu.memory_space<vmem>>) target_semaphore(%arg11 : memref<!tpu.dma_semaphore, #tpu.memory_space<semaphore_mem>>)
        } else {
        }
        %dma_wait3A_300 = arith.constant 0 : i32
        %dma_wait3A_301 = arith.constant 0 : i32
        %dma_wait3A_302 = tpu.memref_slice %arg8[%dma_wait3A_300, %dma_wait3A_301] : memref<3x112xi32, #tpu.memory_space<vmem>> -> memref<1x112xi32, #tpu.memory_space<vmem>>
        %dma_wait3A_303 = tpu.memref_squeeze %dma_wait3A_302 : memref<1x112xi32, #tpu.memory_space<vmem>> -> memref<112xi32, #tpu.memory_space<vmem>>
        %dma_wait3A_304 = arith.constant 0 : i32
        %dma_wait3A_305 = arith.constant 0 : i32
        %dma_wait3A_306 = arith.constant 0 : i32
        %dma_wait3A_307 = tpu.memref_slice %arg4[%cond3A_2, %dma_wait3A_304, %dma_wait3A_305, %dma_wait3A_306] : memref<2x16x90x112xi32, #tpu.memory_space<hbm>> -> memref<1x16x90x112xi32, #tpu.memory_space<hbm>>
        %dma_wait3A_308 = tpu.memref_squeeze %dma_wait3A_307 : memref<1x16x90x112xi32, #tpu.memory_space<hbm>> -> memref<16x90x112xi32, #tpu.memory_space<hbm>>
        %dma_wait3A_309 = arith.constant 0 : i32
        %dma_wait3A_310 = tpu.memref_slice %dma_wait3A_308[%arg1, %add3A_280, %dma_wait3A_309] : memref<16x90x112xi32, #tpu.memory_space<hbm>> -> memref<1x1x112xi32, #tpu.memory_space<hbm>>
        %dma_wait3A_311 = tpu.memref_squeeze %dma_wait3A_310 : memref<1x1x112xi32, #tpu.memory_space<hbm>> -> memref<112xi32, #tpu.memory_space<hbm>>
        %dma_wait3A_312 = arith.constant 0 : i32
        %dma_wait3A_313 = tpu.memref_slice %arg8[%dma_wait3A_300, %dma_wait3A_312] : memref<3x112xi32, #tpu.memory_space<vmem>> -> memref<1x112xi32, #tpu.memory_space<vmem>>
        %dma_wait3A_314 = tpu.memref_squeeze %dma_wait3A_313 : memref<1x112xi32, #tpu.memory_space<vmem>> -> memref<112xi32, #tpu.memory_space<vmem>>
        %dma_wait3A_315 = arith.constant 0 : i32
        %dma_wait3A_316 = arith.constant 0 : i32
        %dma_wait3A_317 = arith.constant 0 : i32
        %dma_wait3A_318 = tpu.memref_slice %arg4[%cond3A_2, %dma_wait3A_315, %dma_wait3A_316, %dma_wait3A_317] : memref<2x16x90x112xi32, #tpu.memory_space<hbm>> -> memref<1x16x90x112xi32, #tpu.memory_space<hbm>>
        %dma_wait3A_319 = tpu.memref_squeeze %dma_wait3A_318 : memref<1x16x90x112xi32, #tpu.memory_space<hbm>> -> memref<16x90x112xi32, #tpu.memory_space<hbm>>
        %dma_wait3A_320 = arith.constant 0 : i32
        %dma_wait3A_321 = tpu.memref_slice %dma_wait3A_319[%arg1, %add3A_280, %dma_wait3A_320] : memref<16x90x112xi32, #tpu.memory_space<hbm>> -> memref<1x1x112xi32, #tpu.memory_space<hbm>>
        %dma_wait3A_322 = tpu.memref_squeeze %dma_wait3A_321 : memref<1x1x112xi32, #tpu.memory_space<hbm>> -> memref<112xi32, #tpu.memory_space<hbm>>
        tpu.wait_dma2 semaphore(%arg14 : memref<!tpu.dma_semaphore, #tpu.memory_space<semaphore_mem>>) src(%dma_wait3A_322 : memref<112xi32, #tpu.memory_space<hbm>>) dst(%dma_wait3A_314 : memref<112xi32, #tpu.memory_space<vmem>>)
        %run_scoped3A = arith.constant 0 : i32
        %run_scoped3A_323 = arith.constant 0 : i32
        "tpu.region"() ({
          %run_scoped3A_437 = tpu.sem_alloc : memref<!tpu.dma_semaphore, #tpu.memory_space<semaphore_mem>>
          %dma_start3A_438 = arith.constant 0 : i32
          %dma_start3A_439 = arith.constant 0 : i32
          %dma_start3A_440 = tpu.memref_slice %arg9[%run_scoped3A, %dma_start3A_438, %dma_start3A_439] : memref<3x112x128xf32, #tpu.memory_space<vmem>> -> memref<1x112x128xf32, #tpu.memory_space<vmem>>
          %dma_start3A_441 = tpu.memref_squeeze %dma_start3A_440 : memref<1x112x128xf32, #tpu.memory_space<vmem>> -> memref<112x128xf32, #tpu.memory_space<vmem>>
          %dma_start3A_442 = arith.constant 0 : i32
          %dma_start3A_443 = tpu.memref_slice %arg8[%run_scoped3A_323, %dma_start3A_442] : memref<3x112xi32, #tpu.memory_space<vmem>> -> memref<1x112xi32, #tpu.memory_space<vmem>>
          %dma_start3A_444 = tpu.memref_squeeze %dma_start3A_443 : memref<1x112xi32, #tpu.memory_space<vmem>> -> memref<112xi32, #tpu.memory_space<vmem>>
          %dma_start3A_445 = arith.constant 0 : i32
          %dma_start3A_446 = arith.constant 0 : i32
          %dma_start3A_447 = tpu.memref_slice %arg10[%dma_start3A_445, %dma_start3A_446] : memref<10112x128xf32, #tpu.memory_space<vmem_shared>> -> memref<10112x128xf32, #tpu.memory_space<vmem_shared>>
          tpu.enqueue_indirect_dma source(%dma_start3A_441 : memref<112x128xf32, #tpu.memory_space<vmem>>) target(%dma_start3A_447 : memref<10112x128xf32, #tpu.memory_space<vmem_shared>>) offsets(%dma_start3A_444 : memref<112xi32, #tpu.memory_space<vmem>>) semaphore(%run_scoped3A_437 : memref<!tpu.dma_semaphore, #tpu.memory_space<semaphore_mem>>) {add = true}
          %dma_wait3A_448 = arith.constant 0 : i32
          %dma_wait3A_449 = arith.constant 0 : i32
          %dma_wait3A_450 = tpu.memref_slice %arg9[%run_scoped3A, %dma_wait3A_448, %dma_wait3A_449] : memref<3x112x128xf32, #tpu.memory_space<vmem>> -> memref<1x112x128xf32, #tpu.memory_space<vmem>>
          %dma_wait3A_451 = tpu.memref_squeeze %dma_wait3A_450 : memref<1x112x128xf32, #tpu.memory_space<vmem>> -> memref<112x128xf32, #tpu.memory_space<vmem>>
          %dma_wait3A_452 = arith.constant 0 : i32
          %dma_wait3A_453 = tpu.memref_slice %arg8[%run_scoped3A_323, %dma_wait3A_452] : memref<3x112xi32, #tpu.memory_space<vmem>> -> memref<1x112xi32, #tpu.memory_space<vmem>>
          %dma_wait3A_454 = tpu.memref_squeeze %dma_wait3A_453 : memref<1x112xi32, #tpu.memory_space<vmem>> -> memref<112xi32, #tpu.memory_space<vmem>>
          %dma_wait3A_455 = arith.constant 0 : i32
          %dma_wait3A_456 = arith.constant 0 : i32
          %dma_wait3A_457 = tpu.memref_slice %arg10[%dma_wait3A_455, %dma_wait3A_456] : memref<10112x128xf32, #tpu.memory_space<vmem_shared>> -> memref<10112x128xf32, #tpu.memory_space<vmem_shared>>
          tpu.wait_indirect_dma semaphore(%run_scoped3A_437 : memref<!tpu.dma_semaphore, #tpu.memory_space<semaphore_mem>>) src(%dma_wait3A_451 : memref<112x128xf32, #tpu.memory_space<vmem>>) dst(%dma_wait3A_457 : memref<10112x128xf32, #tpu.memory_space<vmem_shared>>)
          tpu.yield
        }) : () -> ()
        %add3A_324 = arith.constant 3 : i32
        %add3A_325 = arith.addi %add3A_280, %add3A_324 : i32
        %lt3A_326 = arith.constant 90 : i32
        %lt3A_327 = arith.cmpi slt, %add3A_325, %lt3A_326 : i32
        %convert_element_type3A_328 = arith.extui %lt3A_327 : i1 to i32
        %cond3A_329 = arith.constant 0 : i32
        %cond3A_330 = arith.cmpi ne, %convert_element_type3A_328, %cond3A_329 : i32
        scf.if %cond3A_330 {
          %add3A_437 = arith.constant 3 : i32
          %add3A_438 = arith.addi %add3A_280, %add3A_437 : i32
          %dma_start3A_439 = arith.constant 0 : i32
          %dma_start3A_440 = arith.constant 0 : i32
          %dma_start3A_441 = tpu.memref_slice %arg8[%dma_start3A_439, %dma_start3A_440] : memref<3x112xi32, #tpu.memory_space<vmem>> -> memref<1x112xi32, #tpu.memory_space<vmem>>
          %dma_start3A_442 = tpu.memref_squeeze %dma_start3A_441 : memref<1x112xi32, #tpu.memory_space<vmem>> -> memref<112xi32, #tpu.memory_space<vmem>>
          %dma_start3A_443 = arith.constant 0 : i32
          %dma_start3A_444 = arith.constant 0 : i32
          %dma_start3A_445 = arith.constant 0 : i32
          %dma_start3A_446 = tpu.memref_slice %arg4[%cond3A_2, %dma_start3A_443, %dma_start3A_444, %dma_start3A_445] : memref<2x16x90x112xi32, #tpu.memory_space<hbm>> -> memref<1x16x90x112xi32, #tpu.memory_space<hbm>>
          %dma_start3A_447 = tpu.memref_squeeze %dma_start3A_446 : memref<1x16x90x112xi32, #tpu.memory_space<hbm>> -> memref<16x90x112xi32, #tpu.memory_space<hbm>>
          %dma_start3A_448 = arith.constant 0 : i32
          %dma_start3A_449 = tpu.memref_slice %dma_start3A_447[%arg1, %add3A_438, %dma_start3A_448] : memref<16x90x112xi32, #tpu.memory_space<hbm>> -> memref<1x1x112xi32, #tpu.memory_space<hbm>>
          %dma_start3A_450 = tpu.memref_squeeze %dma_start3A_449 : memref<1x1x112xi32, #tpu.memory_space<hbm>> -> memref<112xi32, #tpu.memory_space<hbm>>
          %dma_start3A_451 = arith.constant 0 : i32
          %dma_start3A_452 = tpu.memref_slice %arg8[%dma_start3A_439, %dma_start3A_451] : memref<3x112xi32, #tpu.memory_space<vmem>> -> memref<1x112xi32, #tpu.memory_space<vmem>>
          %dma_start3A_453 = tpu.memref_squeeze %dma_start3A_452 : memref<1x112xi32, #tpu.memory_space<vmem>> -> memref<112xi32, #tpu.memory_space<vmem>>
          %dma_start3A_454 = arith.constant 0 : i32
          %dma_start3A_455 = arith.constant 0 : i32
          %dma_start3A_456 = arith.constant 0 : i32
          %dma_start3A_457 = tpu.memref_slice %arg4[%cond3A_2, %dma_start3A_454, %dma_start3A_455, %dma_start3A_456] : memref<2x16x90x112xi32, #tpu.memory_space<hbm>> -> memref<1x16x90x112xi32, #tpu.memory_space<hbm>>
          %dma_start3A_458 = tpu.memref_squeeze %dma_start3A_457 : memref<1x16x90x112xi32, #tpu.memory_space<hbm>> -> memref<16x90x112xi32, #tpu.memory_space<hbm>>
          %dma_start3A_459 = arith.constant 0 : i32
          %dma_start3A_460 = tpu.memref_slice %dma_start3A_458[%arg1, %add3A_438, %dma_start3A_459] : memref<16x90x112xi32, #tpu.memory_space<hbm>> -> memref<1x1x112xi32, #tpu.memory_space<hbm>>
          %dma_start3A_461 = tpu.memref_squeeze %dma_start3A_460 : memref<1x1x112xi32, #tpu.memory_space<hbm>> -> memref<112xi32, #tpu.memory_space<hbm>>
          tpu.enqueue_dma source(%dma_start3A_461 : memref<112xi32, #tpu.memory_space<hbm>>) target(%dma_start3A_453 : memref<112xi32, #tpu.memory_space<vmem>>) target_semaphore(%arg14 : memref<!tpu.dma_semaphore, #tpu.memory_space<semaphore_mem>>)
          %add3A_462 = arith.constant 3 : i32
          %add3A_463 = arith.addi %add3A_280, %add3A_462 : i32
          %dma_wait3A_464 = arith.constant 0 : i32
          %dma_wait3A_465 = arith.constant 0 : i32
          %dma_wait3A_466 = tpu.memref_slice %arg7[%dma_wait3A_464, %dma_wait3A_465] : memref<3x112xi32, #tpu.memory_space<vmem>> -> memref<1x112xi32, #tpu.memory_space<vmem>>
          %dma_wait3A_467 = tpu.memref_squeeze %dma_wait3A_466 : memref<1x112xi32, #tpu.memory_space<vmem>> -> memref<112xi32, #tpu.memory_space<vmem>>
          %dma_wait3A_468 = arith.constant 0 : i32
          %dma_wait3A_469 = arith.constant 0 : i32
          %dma_wait3A_470 = arith.constant 0 : i32
          %dma_wait3A_471 = tpu.memref_slice %arg4[%cond3A, %dma_wait3A_468, %dma_wait3A_469, %dma_wait3A_470] : memref<2x16x90x112xi32, #tpu.memory_space<hbm>> -> memref<1x16x90x112xi32, #tpu.memory_space<hbm>>
          %dma_wait3A_472 = tpu.memref_squeeze %dma_wait3A_471 : memref<1x16x90x112xi32, #tpu.memory_space<hbm>> -> memref<16x90x112xi32, #tpu.memory_space<hbm>>
          %dma_wait3A_473 = arith.constant 0 : i32
          %dma_wait3A_474 = tpu.memref_slice %dma_wait3A_472[%arg1, %add3A_463, %dma_wait3A_473] : memref<16x90x112xi32, #tpu.memory_space<hbm>> -> memref<1x1x112xi32, #tpu.memory_space<hbm>>
          %dma_wait3A_475 = tpu.memref_squeeze %dma_wait3A_474 : memref<1x1x112xi32, #tpu.memory_space<hbm>> -> memref<112xi32, #tpu.memory_space<hbm>>
          %dma_wait3A_476 = arith.constant 0 : i32
          %dma_wait3A_477 = tpu.memref_slice %arg7[%dma_wait3A_464, %dma_wait3A_476] : memref<3x112xi32, #tpu.memory_space<vmem>> -> memref<1x112xi32, #tpu.memory_space<vmem>>
          %dma_wait3A_478 = tpu.memref_squeeze %dma_wait3A_477 : memref<1x112xi32, #tpu.memory_space<vmem>> -> memref<112xi32, #tpu.memory_space<vmem>>
          %dma_wait3A_479 = arith.constant 0 : i32
          %dma_wait3A_480 = arith.constant 0 : i32
          %dma_wait3A_481 = arith.constant 0 : i32
          %dma_wait3A_482 = tpu.memref_slice %arg4[%cond3A, %dma_wait3A_479, %dma_wait3A_480, %dma_wait3A_481] : memref<2x16x90x112xi32, #tpu.memory_space<hbm>> -> memref<1x16x90x112xi32, #tpu.memory_space<hbm>>
          %dma_wait3A_483 = tpu.memref_squeeze %dma_wait3A_482 : memref<1x16x90x112xi32, #tpu.memory_space<hbm>> -> memref<16x90x112xi32, #tpu.memory_space<hbm>>
          %dma_wait3A_484 = arith.constant 0 : i32
          %dma_wait3A_485 = tpu.memref_slice %dma_wait3A_483[%arg1, %add3A_463, %dma_wait3A_484] : memref<16x90x112xi32, #tpu.memory_space<hbm>> -> memref<1x1x112xi32, #tpu.memory_space<hbm>>
          %dma_wait3A_486 = tpu.memref_squeeze %dma_wait3A_485 : memref<1x1x112xi32, #tpu.memory_space<hbm>> -> memref<112xi32, #tpu.memory_space<hbm>>
          tpu.wait_dma2 semaphore(%arg11 : memref<!tpu.dma_semaphore, #tpu.memory_space<semaphore_mem>>) src(%dma_wait3A_486 : memref<112xi32, #tpu.memory_space<hbm>>) dst(%dma_wait3A_478 : memref<112xi32, #tpu.memory_space<vmem>>)
          %dma_start3A_487 = arith.constant 0 : i32
          %dma_start3A_488 = arith.constant 0 : i32
          %dma_start3A_489 = arith.constant 0 : i32
          %dma_start3A_490 = arith.constant 0 : i32
          %dma_start3A_491 = tpu.memref_slice %arg9[%dma_start3A_488, %dma_start3A_489, %dma_start3A_490] : memref<3x112x128xf32, #tpu.memory_space<vmem>> -> memref<1x112x128xf32, #tpu.memory_space<vmem>>
          %dma_start3A_492 = tpu.memref_squeeze %dma_start3A_491 : memref<1x112x128xf32, #tpu.memory_space<vmem>> -> memref<112x128xf32, #tpu.memory_space<vmem>>
          %dma_start3A_493 = arith.constant 0 : i32
          %dma_start3A_494 = tpu.memref_slice %arg7[%dma_start3A_487, %dma_start3A_493] : memref<3x112xi32, #tpu.memory_space<vmem>> -> memref<1x112xi32, #tpu.memory_space<vmem>>
          %dma_start3A_495 = tpu.memref_squeeze %dma_start3A_494 : memref<1x112xi32, #tpu.memory_space<vmem>> -> memref<112xi32, #tpu.memory_space<vmem>>
          %dma_start3A_496 = arith.constant 0 : i32
          %dma_start3A_497 = arith.constant 0 : i32
          %dma_start3A_498 = tpu.memref_slice %arg2[%dma_start3A_496, %dma_start3A_497] : memref<10000x128xf32, #tpu.memory_space<hbm>> -> memref<10000x128xf32, #tpu.memory_space<hbm>>
          tpu.enqueue_indirect_dma source(%dma_start3A_498 : memref<10000x128xf32, #tpu.memory_space<hbm>>) target(%dma_start3A_492 : memref<112x128xf32, #tpu.memory_space<vmem>>) offsets(%dma_start3A_495 : memref<112xi32, #tpu.memory_space<vmem>>) semaphore(%arg17 : memref<!tpu.dma_semaphore, #tpu.memory_space<semaphore_mem>>)
        } else {
        }
        %add3A_331 = arith.constant 1 : i32
        %add3A_332 = arith.addi %mul3A_279, %add3A_331 : i32
        %dma_wait3A_333 = arith.constant 1 : i32
        %dma_wait3A_334 = arith.constant 1 : i32
        %dma_wait3A_335 = arith.constant 0 : i32
        %dma_wait3A_336 = arith.constant 0 : i32
        %dma_wait3A_337 = tpu.memref_slice %arg9[%dma_wait3A_334, %dma_wait3A_335, %dma_wait3A_336] : memref<3x112x128xf32, #tpu.memory_space<vmem>> -> memref<1x112x128xf32, #tpu.memory_space<vmem>>
        %dma_wait3A_338 = tpu.memref_squeeze %dma_wait3A_337 : memref<1x112x128xf32, #tpu.memory_space<vmem>> -> memref<112x128xf32, #tpu.memory_space<vmem>>
        %dma_wait3A_339 = arith.constant 0 : i32
        %dma_wait3A_340 = tpu.memref_slice %arg7[%dma_wait3A_333, %dma_wait3A_339] : memref<3x112xi32, #tpu.memory_space<vmem>> -> memref<1x112xi32, #tpu.memory_space<vmem>>
        %dma_wait3A_341 = tpu.memref_squeeze %dma_wait3A_340 : memref<1x112xi32, #tpu.memory_space<vmem>> -> memref<112xi32, #tpu.memory_space<vmem>>
        %dma_wait3A_342 = arith.constant 0 : i32
        %dma_wait3A_343 = arith.constant 0 : i32
        %dma_wait3A_344 = tpu.memref_slice %arg2[%dma_wait3A_342, %dma_wait3A_343] : memref<10000x128xf32, #tpu.memory_space<hbm>> -> memref<10000x128xf32, #tpu.memory_space<hbm>>
        tpu.wait_indirect_dma semaphore(%arg18 : memref<!tpu.dma_semaphore, #tpu.memory_space<semaphore_mem>>) src(%dma_wait3A_344 : memref<10000x128xf32, #tpu.memory_space<hbm>>) dst(%dma_wait3A_338 : memref<112x128xf32, #tpu.memory_space<vmem>>)
        %add3A_345 = arith.constant 3 : i32
        %add3A_346 = arith.addi %add3A_332, %add3A_345 : i32
        %lt3A_347 = arith.constant 90 : i32
        %lt3A_348 = arith.cmpi slt, %add3A_346, %lt3A_347 : i32
        %convert_element_type3A_349 = arith.extui %lt3A_348 : i1 to i32
        %cond3A_350 = arith.constant 0 : i32
        %cond3A_351 = arith.cmpi ne, %convert_element_type3A_349, %cond3A_350 : i32
        scf.if %cond3A_351 {
          %add3A_437 = arith.constant 3 : i32
          %add3A_438 = arith.addi %add3A_332, %add3A_437 : i32
          %dma_start3A_439 = arith.constant 1 : i32
          %dma_start3A_440 = arith.constant 0 : i32
          %dma_start3A_441 = tpu.memref_slice %arg7[%dma_start3A_439, %dma_start3A_440] : memref<3x112xi32, #tpu.memory_space<vmem>> -> memref<1x112xi32, #tpu.memory_space<vmem>>
          %dma_start3A_442 = tpu.memref_squeeze %dma_start3A_441 : memref<1x112xi32, #tpu.memory_space<vmem>> -> memref<112xi32, #tpu.memory_space<vmem>>
          %dma_start3A_443 = arith.constant 0 : i32
          %dma_start3A_444 = arith.constant 0 : i32
          %dma_start3A_445 = arith.constant 0 : i32
          %dma_start3A_446 = tpu.memref_slice %arg4[%cond3A, %dma_start3A_443, %dma_start3A_444, %dma_start3A_445] : memref<2x16x90x112xi32, #tpu.memory_space<hbm>> -> memref<1x16x90x112xi32, #tpu.memory_space<hbm>>
          %dma_start3A_447 = tpu.memref_squeeze %dma_start3A_446 : memref<1x16x90x112xi32, #tpu.memory_space<hbm>> -> memref<16x90x112xi32, #tpu.memory_space<hbm>>
          %dma_start3A_448 = arith.constant 0 : i32
          %dma_start3A_449 = tpu.memref_slice %dma_start3A_447[%arg1, %add3A_438, %dma_start3A_448] : memref<16x90x112xi32, #tpu.memory_space<hbm>> -> memref<1x1x112xi32, #tpu.memory_space<hbm>>
          %dma_start3A_450 = tpu.memref_squeeze %dma_start3A_449 : memref<1x1x112xi32, #tpu.memory_space<hbm>> -> memref<112xi32, #tpu.memory_space<hbm>>
          %dma_start3A_451 = arith.constant 0 : i32
          %dma_start3A_452 = tpu.memref_slice %arg7[%dma_start3A_439, %dma_start3A_451] : memref<3x112xi32, #tpu.memory_space<vmem>> -> memref<1x112xi32, #tpu.memory_space<vmem>>
          %dma_start3A_453 = tpu.memref_squeeze %dma_start3A_452 : memref<1x112xi32, #tpu.memory_space<vmem>> -> memref<112xi32, #tpu.memory_space<vmem>>
          %dma_start3A_454 = arith.constant 0 : i32
          %dma_start3A_455 = arith.constant 0 : i32
          %dma_start3A_456 = arith.constant 0 : i32
          %dma_start3A_457 = tpu.memref_slice %arg4[%cond3A, %dma_start3A_454, %dma_start3A_455, %dma_start3A_456] : memref<2x16x90x112xi32, #tpu.memory_space<hbm>> -> memref<1x16x90x112xi32, #tpu.memory_space<hbm>>
          %dma_start3A_458 = tpu.memref_squeeze %dma_start3A_457 : memref<1x16x90x112xi32, #tpu.memory_space<hbm>> -> memref<16x90x112xi32, #tpu.memory_space<hbm>>
          %dma_start3A_459 = arith.constant 0 : i32
          %dma_start3A_460 = tpu.memref_slice %dma_start3A_458[%arg1, %add3A_438, %dma_start3A_459] : memref<16x90x112xi32, #tpu.memory_space<hbm>> -> memref<1x1x112xi32, #tpu.memory_space<hbm>>
          %dma_start3A_461 = tpu.memref_squeeze %dma_start3A_460 : memref<1x1x112xi32, #tpu.memory_space<hbm>> -> memref<112xi32, #tpu.memory_space<hbm>>
          tpu.enqueue_dma source(%dma_start3A_461 : memref<112xi32, #tpu.memory_space<hbm>>) target(%dma_start3A_453 : memref<112xi32, #tpu.memory_space<vmem>>) target_semaphore(%arg12 : memref<!tpu.dma_semaphore, #tpu.memory_space<semaphore_mem>>)
        } else {
        }
        %dma_wait3A_352 = arith.constant 1 : i32
        %dma_wait3A_353 = arith.constant 0 : i32
        %dma_wait3A_354 = tpu.memref_slice %arg8[%dma_wait3A_352, %dma_wait3A_353] : memref<3x112xi32, #tpu.memory_space<vmem>> -> memref<1x112xi32, #tpu.memory_space<vmem>>
        %dma_wait3A_355 = tpu.memref_squeeze %dma_wait3A_354 : memref<1x112xi32, #tpu.memory_space<vmem>> -> memref<112xi32, #tpu.memory_space<vmem>>
        %dma_wait3A_356 = arith.constant 0 : i32
        %dma_wait3A_357 = arith.constant 0 : i32
        %dma_wait3A_358 = arith.constant 0 : i32
        %dma_wait3A_359 = tpu.memref_slice %arg4[%cond3A_2, %dma_wait3A_356, %dma_wait3A_357, %dma_wait3A_358] : memref<2x16x90x112xi32, #tpu.memory_space<hbm>> -> memref<1x16x90x112xi32, #tpu.memory_space<hbm>>
        %dma_wait3A_360 = tpu.memref_squeeze %dma_wait3A_359 : memref<1x16x90x112xi32, #tpu.memory_space<hbm>> -> memref<16x90x112xi32, #tpu.memory_space<hbm>>
        %dma_wait3A_361 = arith.constant 0 : i32
        %dma_wait3A_362 = tpu.memref_slice %dma_wait3A_360[%arg1, %add3A_332, %dma_wait3A_361] : memref<16x90x112xi32, #tpu.memory_space<hbm>> -> memref<1x1x112xi32, #tpu.memory_space<hbm>>
        %dma_wait3A_363 = tpu.memref_squeeze %dma_wait3A_362 : memref<1x1x112xi32, #tpu.memory_space<hbm>> -> memref<112xi32, #tpu.memory_space<hbm>>
        %dma_wait3A_364 = arith.constant 0 : i32
        %dma_wait3A_365 = tpu.memref_slice %arg8[%dma_wait3A_352, %dma_wait3A_364] : memref<3x112xi32, #tpu.memory_space<vmem>> -> memref<1x112xi32, #tpu.memory_space<vmem>>
        %dma_wait3A_366 = tpu.memref_squeeze %dma_wait3A_365 : memref<1x112xi32, #tpu.memory_space<vmem>> -> memref<112xi32, #tpu.memory_space<vmem>>
        %dma_wait3A_367 = arith.constant 0 : i32
        %dma_wait3A_368 = arith.constant 0 : i32
        %dma_wait3A_369 = arith.constant 0 : i32
        %dma_wait3A_370 = tpu.memref_slice %arg4[%cond3A_2, %dma_wait3A_367, %dma_wait3A_368, %dma_wait3A_369] : memref<2x16x90x112xi32, #tpu.memory_space<hbm>> -> memref<1x16x90x112xi32, #tpu.memory_space<hbm>>
        %dma_wait3A_371 = tpu.memref_squeeze %dma_wait3A_370 : memref<1x16x90x112xi32, #tpu.memory_space<hbm>> -> memref<16x90x112xi32, #tpu.memory_space<hbm>>
        %dma_wait3A_372 = arith.constant 0 : i32
        %dma_wait3A_373 = tpu.memref_slice %dma_wait3A_371[%arg1, %add3A_332, %dma_wait3A_372] : memref<16x90x112xi32, #tpu.memory_space<hbm>> -> memref<1x1x112xi32, #tpu.memory_space<hbm>>
        %dma_wait3A_374 = tpu.memref_squeeze %dma_wait3A_373 : memref<1x1x112xi32, #tpu.memory_space<hbm>> -> memref<112xi32, #tpu.memory_space<hbm>>
        tpu.wait_dma2 semaphore(%arg15 : memref<!tpu.dma_semaphore, #tpu.memory_space<semaphore_mem>>) src(%dma_wait3A_374 : memref<112xi32, #tpu.memory_space<hbm>>) dst(%dma_wait3A_366 : memref<112xi32, #tpu.memory_space<vmem>>)
        %run_scoped3A_375 = arith.constant 1 : i32
        %run_scoped3A_376 = arith.constant 1 : i32
        "tpu.region"() ({
          %run_scoped3A_437 = tpu.sem_alloc : memref<!tpu.dma_semaphore, #tpu.memory_space<semaphore_mem>>
          %dma_start3A_438 = arith.constant 0 : i32
          %dma_start3A_439 = arith.constant 0 : i32
          %dma_start3A_440 = tpu.memref_slice %arg9[%run_scoped3A_375, %dma_start3A_438, %dma_start3A_439] : memref<3x112x128xf32, #tpu.memory_space<vmem>> -> memref<1x112x128xf32, #tpu.memory_space<vmem>>
          %dma_start3A_441 = tpu.memref_squeeze %dma_start3A_440 : memref<1x112x128xf32, #tpu.memory_space<vmem>> -> memref<112x128xf32, #tpu.memory_space<vmem>>
          %dma_start3A_442 = arith.constant 0 : i32
          %dma_start3A_443 = tpu.memref_slice %arg8[%run_scoped3A_376, %dma_start3A_442] : memref<3x112xi32, #tpu.memory_space<vmem>> -> memref<1x112xi32, #tpu.memory_space<vmem>>
          %dma_start3A_444 = tpu.memref_squeeze %dma_start3A_443 : memref<1x112xi32, #tpu.memory_space<vmem>> -> memref<112xi32, #tpu.memory_space<vmem>>
          %dma_start3A_445 = arith.constant 0 : i32
          %dma_start3A_446 = arith.constant 0 : i32
          %dma_start3A_447 = tpu.memref_slice %arg10[%dma_start3A_445, %dma_start3A_446] : memref<10112x128xf32, #tpu.memory_space<vmem_shared>> -> memref<10112x128xf32, #tpu.memory_space<vmem_shared>>
          tpu.enqueue_indirect_dma source(%dma_start3A_441 : memref<112x128xf32, #tpu.memory_space<vmem>>) target(%dma_start3A_447 : memref<10112x128xf32, #tpu.memory_space<vmem_shared>>) offsets(%dma_start3A_444 : memref<112xi32, #tpu.memory_space<vmem>>) semaphore(%run_scoped3A_437 : memref<!tpu.dma_semaphore, #tpu.memory_space<semaphore_mem>>) {add = true}
          %dma_wait3A_448 = arith.constant 0 : i32
          %dma_wait3A_449 = arith.constant 0 : i32
          %dma_wait3A_450 = tpu.memref_slice %arg9[%run_scoped3A_375, %dma_wait3A_448, %dma_wait3A_449] : memref<3x112x128xf32, #tpu.memory_space<vmem>> -> memref<1x112x128xf32, #tpu.memory_space<vmem>>
          %dma_wait3A_451 = tpu.memref_squeeze %dma_wait3A_450 : memref<1x112x128xf32, #tpu.memory_space<vmem>> -> memref<112x128xf32, #tpu.memory_space<vmem>>
          %dma_wait3A_452 = arith.constant 0 : i32
          %dma_wait3A_453 = tpu.memref_slice %arg8[%run_scoped3A_376, %dma_wait3A_452] : memref<3x112xi32, #tpu.memory_space<vmem>> -> memref<1x112xi32, #tpu.memory_space<vmem>>
          %dma_wait3A_454 = tpu.memref_squeeze %dma_wait3A_453 : memref<1x112xi32, #tpu.memory_space<vmem>> -> memref<112xi32, #tpu.memory_space<vmem>>
          %dma_wait3A_455 = arith.constant 0 : i32
          %dma_wait3A_456 = arith.constant 0 : i32
          %dma_wait3A_457 = tpu.memref_slice %arg10[%dma_wait3A_455, %dma_wait3A_456] : memref<10112x128xf32, #tpu.memory_space<vmem_shared>> -> memref<10112x128xf32, #tpu.memory_space<vmem_shared>>
          tpu.wait_indirect_dma semaphore(%run_scoped3A_437 : memref<!tpu.dma_semaphore, #tpu.memory_space<semaphore_mem>>) src(%dma_wait3A_451 : memref<112x128xf32, #tpu.memory_space<vmem>>) dst(%dma_wait3A_457 : memref<10112x128xf32, #tpu.memory_space<vmem_shared>>)
          tpu.yield
        }) : () -> ()
        %add3A_377 = arith.constant 3 : i32
        %add3A_378 = arith.addi %add3A_332, %add3A_377 : i32
        %lt3A_379 = arith.constant 90 : i32
        %lt3A_380 = arith.cmpi slt, %add3A_378, %lt3A_379 : i32
        %convert_element_type3A_381 = arith.extui %lt3A_380 : i1 to i32
        %cond3A_382 = arith.constant 0 : i32
        %cond3A_383 = arith.cmpi ne, %convert_element_type3A_381, %cond3A_382 : i32
        scf.if %cond3A_383 {
          %add3A_437 = arith.constant 3 : i32
          %add3A_438 = arith.addi %add3A_332, %add3A_437 : i32
          %dma_start3A_439 = arith.constant 1 : i32
          %dma_start3A_440 = arith.constant 0 : i32
          %dma_start3A_441 = tpu.memref_slice %arg8[%dma_start3A_439, %dma_start3A_440] : memref<3x112xi32, #tpu.memory_space<vmem>> -> memref<1x112xi32, #tpu.memory_space<vmem>>
          %dma_start3A_442 = tpu.memref_squeeze %dma_start3A_441 : memref<1x112xi32, #tpu.memory_space<vmem>> -> memref<112xi32, #tpu.memory_space<vmem>>
          %dma_start3A_443 = arith.constant 0 : i32
          %dma_start3A_444 = arith.constant 0 : i32
          %dma_start3A_445 = arith.constant 0 : i32
          %dma_start3A_446 = tpu.memref_slice %arg4[%cond3A_2, %dma_start3A_443, %dma_start3A_444, %dma_start3A_445] : memref<2x16x90x112xi32, #tpu.memory_space<hbm>> -> memref<1x16x90x112xi32, #tpu.memory_space<hbm>>
          %dma_start3A_447 = tpu.memref_squeeze %dma_start3A_446 : memref<1x16x90x112xi32, #tpu.memory_space<hbm>> -> memref<16x90x112xi32, #tpu.memory_space<hbm>>
          %dma_start3A_448 = arith.constant 0 : i32
          %dma_start3A_449 = tpu.memref_slice %dma_start3A_447[%arg1, %add3A_438, %dma_start3A_448] : memref<16x90x112xi32, #tpu.memory_space<hbm>> -> memref<1x1x112xi32, #tpu.memory_space<hbm>>
          %dma_start3A_450 = tpu.memref_squeeze %dma_start3A_449 : memref<1x1x112xi32, #tpu.memory_space<hbm>> -> memref<112xi32, #tpu.memory_space<hbm>>
          %dma_start3A_451 = arith.constant 0 : i32
          %dma_start3A_452 = tpu.memref_slice %arg8[%dma_start3A_439, %dma_start3A_451] : memref<3x112xi32, #tpu.memory_space<vmem>> -> memref<1x112xi32, #tpu.memory_space<vmem>>
          %dma_start3A_453 = tpu.memref_squeeze %dma_start3A_452 : memref<1x112xi32, #tpu.memory_space<vmem>> -> memref<112xi32, #tpu.memory_space<vmem>>
          %dma_start3A_454 = arith.constant 0 : i32
          %dma_start3A_455 = arith.constant 0 : i32
          %dma_start3A_456 = arith.constant 0 : i32
          %dma_start3A_457 = tpu.memref_slice %arg4[%cond3A_2, %dma_start3A_454, %dma_start3A_455, %dma_start3A_456] : memref<2x16x90x112xi32, #tpu.memory_space<hbm>> -> memref<1x16x90x112xi32, #tpu.memory_space<hbm>>
          %dma_start3A_458 = tpu.memref_squeeze %dma_start3A_457 : memref<1x16x90x112xi32, #tpu.memory_space<hbm>> -> memref<16x90x112xi32, #tpu.memory_space<hbm>>
          %dma_start3A_459 = arith.constant 0 : i32
          %dma_start3A_460 = tpu.memref_slice %dma_start3A_458[%arg1, %add3A_438, %dma_start3A_459] : memref<16x90x112xi32, #tpu.memory_space<hbm>> -> memref<1x1x112xi32, #tpu.memory_space<hbm>>
          %dma_start3A_461 = tpu.memref_squeeze %dma_start3A_460 : memref<1x1x112xi32, #tpu.memory_space<hbm>> -> memref<112xi32, #tpu.memory_space<hbm>>
          tpu.enqueue_dma source(%dma_start3A_461 : memref<112xi32, #tpu.memory_space<hbm>>) target(%dma_start3A_453 : memref<112xi32, #tpu.memory_space<vmem>>) target_semaphore(%arg15 : memref<!tpu.dma_semaphore, #tpu.memory_space<semaphore_mem>>)
          %add3A_462 = arith.constant 3 : i32
          %add3A_463 = arith.addi %add3A_332, %add3A_462 : i32
          %dma_wait3A_464 = arith.constant 1 : i32
          %dma_wait3A_465 = arith.constant 0 : i32
          %dma_wait3A_466 = tpu.memref_slice %arg7[%dma_wait3A_464, %dma_wait3A_465] : memref<3x112xi32, #tpu.memory_space<vmem>> -> memref<1x112xi32, #tpu.memory_space<vmem>>
          %dma_wait3A_467 = tpu.memref_squeeze %dma_wait3A_466 : memref<1x112xi32, #tpu.memory_space<vmem>> -> memref<112xi32, #tpu.memory_space<vmem>>
          %dma_wait3A_468 = arith.constant 0 : i32
          %dma_wait3A_469 = arith.constant 0 : i32
          %dma_wait3A_470 = arith.constant 0 : i32
          %dma_wait3A_471 = tpu.memref_slice %arg4[%cond3A, %dma_wait3A_468, %dma_wait3A_469, %dma_wait3A_470] : memref<2x16x90x112xi32, #tpu.memory_space<hbm>> -> memref<1x16x90x112xi32, #tpu.memory_space<hbm>>
          %dma_wait3A_472 = tpu.memref_squeeze %dma_wait3A_471 : memref<1x16x90x112xi32, #tpu.memory_space<hbm>> -> memref<16x90x112xi32, #tpu.memory_space<hbm>>
          %dma_wait3A_473 = arith.constant 0 : i32
          %dma_wait3A_474 = tpu.memref_slice %dma_wait3A_472[%arg1, %add3A_463, %dma_wait3A_473] : memref<16x90x112xi32, #tpu.memory_space<hbm>> -> memref<1x1x112xi32, #tpu.memory_space<hbm>>
          %dma_wait3A_475 = tpu.memref_squeeze %dma_wait3A_474 : memref<1x1x112xi32, #tpu.memory_space<hbm>> -> memref<112xi32, #tpu.memory_space<hbm>>
          %dma_wait3A_476 = arith.constant 0 : i32
          %dma_wait3A_477 = tpu.memref_slice %arg7[%dma_wait3A_464, %dma_wait3A_476] : memref<3x112xi32, #tpu.memory_space<vmem>> -> memref<1x112xi32, #tpu.memory_space<vmem>>
          %dma_wait3A_478 = tpu.memref_squeeze %dma_wait3A_477 : memref<1x112xi32, #tpu.memory_space<vmem>> -> memref<112xi32, #tpu.memory_space<vmem>>
          %dma_wait3A_479 = arith.constant 0 : i32
          %dma_wait3A_480 = arith.constant 0 : i32
          %dma_wait3A_481 = arith.constant 0 : i32
          %dma_wait3A_482 = tpu.memref_slice %arg4[%cond3A, %dma_wait3A_479, %dma_wait3A_480, %dma_wait3A_481] : memref<2x16x90x112xi32, #tpu.memory_space<hbm>> -> memref<1x16x90x112xi32, #tpu.memory_space<hbm>>
          %dma_wait3A_483 = tpu.memref_squeeze %dma_wait3A_482 : memref<1x16x90x112xi32, #tpu.memory_space<hbm>> -> memref<16x90x112xi32, #tpu.memory_space<hbm>>
          %dma_wait3A_484 = arith.constant 0 : i32
          %dma_wait3A_485 = tpu.memref_slice %dma_wait3A_483[%arg1, %add3A_463, %dma_wait3A_484] : memref<16x90x112xi32, #tpu.memory_space<hbm>> -> memref<1x1x112xi32, #tpu.memory_space<hbm>>
          %dma_wait3A_486 = tpu.memref_squeeze %dma_wait3A_485 : memref<1x1x112xi32, #tpu.memory_space<hbm>> -> memref<112xi32, #tpu.memory_space<hbm>>
          tpu.wait_dma2 semaphore(%arg12 : memref<!tpu.dma_semaphore, #tpu.memory_space<semaphore_mem>>) src(%dma_wait3A_486 : memref<112xi32, #tpu.memory_space<hbm>>) dst(%dma_wait3A_478 : memref<112xi32, #tpu.memory_space<vmem>>)
          %dma_start3A_487 = arith.constant 1 : i32
          %dma_start3A_488 = arith.constant 1 : i32
          %dma_start3A_489 = arith.constant 0 : i32
          %dma_start3A_490 = arith.constant 0 : i32
          %dma_start3A_491 = tpu.memref_slice %arg9[%dma_start3A_488, %dma_start3A_489, %dma_start3A_490] : memref<3x112x128xf32, #tpu.memory_space<vmem>> -> memref<1x112x128xf32, #tpu.memory_space<vmem>>
          %dma_start3A_492 = tpu.memref_squeeze %dma_start3A_491 : memref<1x112x128xf32, #tpu.memory_space<vmem>> -> memref<112x128xf32, #tpu.memory_space<vmem>>
          %dma_start3A_493 = arith.constant 0 : i32
          %dma_start3A_494 = tpu.memref_slice %arg7[%dma_start3A_487, %dma_start3A_493] : memref<3x112xi32, #tpu.memory_space<vmem>> -> memref<1x112xi32, #tpu.memory_space<vmem>>
          %dma_start3A_495 = tpu.memref_squeeze %dma_start3A_494 : memref<1x112xi32, #tpu.memory_space<vmem>> -> memref<112xi32, #tpu.memory_space<vmem>>
          %dma_start3A_496 = arith.constant 0 : i32
          %dma_start3A_497 = arith.constant 0 : i32
          %dma_start3A_498 = tpu.memref_slice %arg2[%dma_start3A_496, %dma_start3A_497] : memref<10000x128xf32, #tpu.memory_space<hbm>> -> memref<10000x128xf32, #tpu.memory_space<hbm>>
          tpu.enqueue_indirect_dma source(%dma_start3A_498 : memref<10000x128xf32, #tpu.memory_space<hbm>>) target(%dma_start3A_492 : memref<112x128xf32, #tpu.memory_space<vmem>>) offsets(%dma_start3A_495 : memref<112xi32, #tpu.memory_space<vmem>>) semaphore(%arg18 : memref<!tpu.dma_semaphore, #tpu.memory_space<semaphore_mem>>)
        } else {
        }
        %add3A_384 = arith.constant 2 : i32
        %add3A_385 = arith.addi %mul3A_279, %add3A_384 : i32
        %dma_wait3A_386 = arith.constant 2 : i32
        %dma_wait3A_387 = arith.constant 2 : i32
        %dma_wait3A_388 = arith.constant 0 : i32
        %dma_wait3A_389 = arith.constant 0 : i32
        %dma_wait3A_390 = tpu.memref_slice %arg9[%dma_wait3A_387, %dma_wait3A_388, %dma_wait3A_389] : memref<3x112x128xf32, #tpu.memory_space<vmem>> -> memref<1x112x128xf32, #tpu.memory_space<vmem>>
        %dma_wait3A_391 = tpu.memref_squeeze %dma_wait3A_390 : memref<1x112x128xf32, #tpu.memory_space<vmem>> -> memref<112x128xf32, #tpu.memory_space<vmem>>
        %dma_wait3A_392 = arith.constant 0 : i32
        %dma_wait3A_393 = tpu.memref_slice %arg7[%dma_wait3A_386, %dma_wait3A_392] : memref<3x112xi32, #tpu.memory_space<vmem>> -> memref<1x112xi32, #tpu.memory_space<vmem>>
        %dma_wait3A_394 = tpu.memref_squeeze %dma_wait3A_393 : memref<1x112xi32, #tpu.memory_space<vmem>> -> memref<112xi32, #tpu.memory_space<vmem>>
        %dma_wait3A_395 = arith.constant 0 : i32
        %dma_wait3A_396 = arith.constant 0 : i32
        %dma_wait3A_397 = tpu.memref_slice %arg2[%dma_wait3A_395, %dma_wait3A_396] : memref<10000x128xf32, #tpu.memory_space<hbm>> -> memref<10000x128xf32, #tpu.memory_space<hbm>>
        tpu.wait_indirect_dma semaphore(%arg19 : memref<!tpu.dma_semaphore, #tpu.memory_space<semaphore_mem>>) src(%dma_wait3A_397 : memref<10000x128xf32, #tpu.memory_space<hbm>>) dst(%dma_wait3A_391 : memref<112x128xf32, #tpu.memory_space<vmem>>)
        %add3A_398 = arith.constant 3 : i32
        %add3A_399 = arith.addi %add3A_385, %add3A_398 : i32
        %lt3A_400 = arith.constant 90 : i32
        %lt3A_401 = arith.cmpi slt, %add3A_399, %lt3A_400 : i32
        %convert_element_type3A_402 = arith.extui %lt3A_401 : i1 to i32
        %cond3A_403 = arith.constant 0 : i32
        %cond3A_404 = arith.cmpi ne, %convert_element_type3A_402, %cond3A_403 : i32
        scf.if %cond3A_404 {
          %add3A_437 = arith.constant 3 : i32
          %add3A_438 = arith.addi %add3A_385, %add3A_437 : i32
          %dma_start3A_439 = arith.constant 2 : i32
          %dma_start3A_440 = arith.constant 0 : i32
          %dma_start3A_441 = tpu.memref_slice %arg7[%dma_start3A_439, %dma_start3A_440] : memref<3x112xi32, #tpu.memory_space<vmem>> -> memref<1x112xi32, #tpu.memory_space<vmem>>
          %dma_start3A_442 = tpu.memref_squeeze %dma_start3A_441 : memref<1x112xi32, #tpu.memory_space<vmem>> -> memref<112xi32, #tpu.memory_space<vmem>>
          %dma_start3A_443 = arith.constant 0 : i32
          %dma_start3A_444 = arith.constant 0 : i32
          %dma_start3A_445 = arith.constant 0 : i32
          %dma_start3A_446 = tpu.memref_slice %arg4[%cond3A, %dma_start3A_443, %dma_start3A_444, %dma_start3A_445] : memref<2x16x90x112xi32, #tpu.memory_space<hbm>> -> memref<1x16x90x112xi32, #tpu.memory_space<hbm>>
          %dma_start3A_447 = tpu.memref_squeeze %dma_start3A_446 : memref<1x16x90x112xi32, #tpu.memory_space<hbm>> -> memref<16x90x112xi32, #tpu.memory_space<hbm>>
          %dma_start3A_448 = arith.constant 0 : i32
          %dma_start3A_449 = tpu.memref_slice %dma_start3A_447[%arg1, %add3A_438, %dma_start3A_448] : memref<16x90x112xi32, #tpu.memory_space<hbm>> -> memref<1x1x112xi32, #tpu.memory_space<hbm>>
          %dma_start3A_450 = tpu.memref_squeeze %dma_start3A_449 : memref<1x1x112xi32, #tpu.memory_space<hbm>> -> memref<112xi32, #tpu.memory_space<hbm>>
          %dma_start3A_451 = arith.constant 0 : i32
          %dma_start3A_452 = tpu.memref_slice %arg7[%dma_start3A_439, %dma_start3A_451] : memref<3x112xi32, #tpu.memory_space<vmem>> -> memref<1x112xi32, #tpu.memory_space<vmem>>
          %dma_start3A_453 = tpu.memref_squeeze %dma_start3A_452 : memref<1x112xi32, #tpu.memory_space<vmem>> -> memref<112xi32, #tpu.memory_space<vmem>>
          %dma_start3A_454 = arith.constant 0 : i32
          %dma_start3A_455 = arith.constant 0 : i32
          %dma_start3A_456 = arith.constant 0 : i32
          %dma_start3A_457 = tpu.memref_slice %arg4[%cond3A, %dma_start3A_454, %dma_start3A_455, %dma_start3A_456] : memref<2x16x90x112xi32, #tpu.memory_space<hbm>> -> memref<1x16x90x112xi32, #tpu.memory_space<hbm>>
          %dma_start3A_458 = tpu.memref_squeeze %dma_start3A_457 : memref<1x16x90x112xi32, #tpu.memory_space<hbm>> -> memref<16x90x112xi32, #tpu.memory_space<hbm>>
          %dma_start3A_459 = arith.constant 0 : i32
          %dma_start3A_460 = tpu.memref_slice %dma_start3A_458[%arg1, %add3A_438, %dma_start3A_459] : memref<16x90x112xi32, #tpu.memory_space<hbm>> -> memref<1x1x112xi32, #tpu.memory_space<hbm>>
          %dma_start3A_461 = tpu.memref_squeeze %dma_start3A_460 : memref<1x1x112xi32, #tpu.memory_space<hbm>> -> memref<112xi32, #tpu.memory_space<hbm>>
          tpu.enqueue_dma source(%dma_start3A_461 : memref<112xi32, #tpu.memory_space<hbm>>) target(%dma_start3A_453 : memref<112xi32, #tpu.memory_space<vmem>>) target_semaphore(%arg13 : memref<!tpu.dma_semaphore, #tpu.memory_space<semaphore_mem>>)
        } else {
        }
        %dma_wait3A_405 = arith.constant 2 : i32
        %dma_wait3A_406 = arith.constant 0 : i32
        %dma_wait3A_407 = tpu.memref_slice %arg8[%dma_wait3A_405, %dma_wait3A_406] : memref<3x112xi32, #tpu.memory_space<vmem>> -> memref<1x112xi32, #tpu.memory_space<vmem>>
        %dma_wait3A_408 = tpu.memref_squeeze %dma_wait3A_407 : memref<1x112xi32, #tpu.memory_space<vmem>> -> memref<112xi32, #tpu.memory_space<vmem>>
        %dma_wait3A_409 = arith.constant 0 : i32
        %dma_wait3A_410 = arith.constant 0 : i32
        %dma_wait3A_411 = arith.constant 0 : i32
        %dma_wait3A_412 = tpu.memref_slice %arg4[%cond3A_2, %dma_wait3A_409, %dma_wait3A_410, %dma_wait3A_411] : memref<2x16x90x112xi32, #tpu.memory_space<hbm>> -> memref<1x16x90x112xi32, #tpu.memory_space<hbm>>
        %dma_wait3A_413 = tpu.memref_squeeze %dma_wait3A_412 : memref<1x16x90x112xi32, #tpu.memory_space<hbm>> -> memref<16x90x112xi32, #tpu.memory_space<hbm>>
        %dma_wait3A_414 = arith.constant 0 : i32
        %dma_wait3A_415 = tpu.memref_slice %dma_wait3A_413[%arg1, %add3A_385, %dma_wait3A_414] : memref<16x90x112xi32, #tpu.memory_space<hbm>> -> memref<1x1x112xi32, #tpu.memory_space<hbm>>
        %dma_wait3A_416 = tpu.memref_squeeze %dma_wait3A_415 : memref<1x1x112xi32, #tpu.memory_space<hbm>> -> memref<112xi32, #tpu.memory_space<hbm>>
        %dma_wait3A_417 = arith.constant 0 : i32
        %dma_wait3A_418 = tpu.memref_slice %arg8[%dma_wait3A_405, %dma_wait3A_417] : memref<3x112xi32, #tpu.memory_space<vmem>> -> memref<1x112xi32, #tpu.memory_space<vmem>>
        %dma_wait3A_419 = tpu.memref_squeeze %dma_wait3A_418 : memref<1x112xi32, #tpu.memory_space<vmem>> -> memref<112xi32, #tpu.memory_space<vmem>>
        %dma_wait3A_420 = arith.constant 0 : i32
        %dma_wait3A_421 = arith.constant 0 : i32
        %dma_wait3A_422 = arith.constant 0 : i32
        %dma_wait3A_423 = tpu.memref_slice %arg4[%cond3A_2, %dma_wait3A_420, %dma_wait3A_421, %dma_wait3A_422] : memref<2x16x90x112xi32, #tpu.memory_space<hbm>> -> memref<1x16x90x112xi32, #tpu.memory_space<hbm>>
        %dma_wait3A_424 = tpu.memref_squeeze %dma_wait3A_423 : memref<1x16x90x112xi32, #tpu.memory_space<hbm>> -> memref<16x90x112xi32, #tpu.memory_space<hbm>>
        %dma_wait3A_425 = arith.constant 0 : i32
        %dma_wait3A_426 = tpu.memref_slice %dma_wait3A_424[%arg1, %add3A_385, %dma_wait3A_425] : memref<16x90x112xi32, #tpu.memory_space<hbm>> -> memref<1x1x112xi32, #tpu.memory_space<hbm>>
        %dma_wait3A_427 = tpu.memref_squeeze %dma_wait3A_426 : memref<1x1x112xi32, #tpu.memory_space<hbm>> -> memref<112xi32, #tpu.memory_space<hbm>>
        tpu.wait_dma2 semaphore(%arg16 : memref<!tpu.dma_semaphore, #tpu.memory_space<semaphore_mem>>) src(%dma_wait3A_427 : memref<112xi32, #tpu.memory_space<hbm>>) dst(%dma_wait3A_419 : memref<112xi32, #tpu.memory_space<vmem>>)
        %run_scoped3A_428 = arith.constant 2 : i32
        %run_scoped3A_429 = arith.constant 2 : i32
        "tpu.region"() ({
          %run_scoped3A_437 = tpu.sem_alloc : memref<!tpu.dma_semaphore, #tpu.memory_space<semaphore_mem>>
          %dma_start3A_438 = arith.constant 0 : i32
          %dma_start3A_439 = arith.constant 0 : i32
          %dma_start3A_440 = tpu.memref_slice %arg9[%run_scoped3A_428, %dma_start3A_438, %dma_start3A_439] : memref<3x112x128xf32, #tpu.memory_space<vmem>> -> memref<1x112x128xf32, #tpu.memory_space<vmem>>
          %dma_start3A_441 = tpu.memref_squeeze %dma_start3A_440 : memref<1x112x128xf32, #tpu.memory_space<vmem>> -> memref<112x128xf32, #tpu.memory_space<vmem>>
          %dma_start3A_442 = arith.constant 0 : i32
          %dma_start3A_443 = tpu.memref_slice %arg8[%run_scoped3A_429, %dma_start3A_442] : memref<3x112xi32, #tpu.memory_space<vmem>> -> memref<1x112xi32, #tpu.memory_space<vmem>>
          %dma_start3A_444 = tpu.memref_squeeze %dma_start3A_443 : memref<1x112xi32, #tpu.memory_space<vmem>> -> memref<112xi32, #tpu.memory_space<vmem>>
          %dma_start3A_445 = arith.constant 0 : i32
          %dma_start3A_446 = arith.constant 0 : i32
          %dma_start3A_447 = tpu.memref_slice %arg10[%dma_start3A_445, %dma_start3A_446] : memref<10112x128xf32, #tpu.memory_space<vmem_shared>> -> memref<10112x128xf32, #tpu.memory_space<vmem_shared>>
          tpu.enqueue_indirect_dma source(%dma_start3A_441 : memref<112x128xf32, #tpu.memory_space<vmem>>) target(%dma_start3A_447 : memref<10112x128xf32, #tpu.memory_space<vmem_shared>>) offsets(%dma_start3A_444 : memref<112xi32, #tpu.memory_space<vmem>>) semaphore(%run_scoped3A_437 : memref<!tpu.dma_semaphore, #tpu.memory_space<semaphore_mem>>) {add = true}
          %dma_wait3A_448 = arith.constant 0 : i32
          %dma_wait3A_449 = arith.constant 0 : i32
          %dma_wait3A_450 = tpu.memref_slice %arg9[%run_scoped3A_428, %dma_wait3A_448, %dma_wait3A_449] : memref<3x112x128xf32, #tpu.memory_space<vmem>> -> memref<1x112x128xf32, #tpu.memory_space<vmem>>
          %dma_wait3A_451 = tpu.memref_squeeze %dma_wait3A_450 : memref<1x112x128xf32, #tpu.memory_space<vmem>> -> memref<112x128xf32, #tpu.memory_space<vmem>>
          %dma_wait3A_452 = arith.constant 0 : i32
          %dma_wait3A_453 = tpu.memref_slice %arg8[%run_scoped3A_429, %dma_wait3A_452] : memref<3x112xi32, #tpu.memory_space<vmem>> -> memref<1x112xi32, #tpu.memory_space<vmem>>
          %dma_wait3A_454 = tpu.memref_squeeze %dma_wait3A_453 : memref<1x112xi32, #tpu.memory_space<vmem>> -> memref<112xi32, #tpu.memory_space<vmem>>
          %dma_wait3A_455 = arith.constant 0 : i32
          %dma_wait3A_456 = arith.constant 0 : i32
          %dma_wait3A_457 = tpu.memref_slice %arg10[%dma_wait3A_455, %dma_wait3A_456] : memref<10112x128xf32, #tpu.memory_space<vmem_shared>> -> memref<10112x128xf32, #tpu.memory_space<vmem_shared>>
          tpu.wait_indirect_dma semaphore(%run_scoped3A_437 : memref<!tpu.dma_semaphore, #tpu.memory_space<semaphore_mem>>) src(%dma_wait3A_451 : memref<112x128xf32, #tpu.memory_space<vmem>>) dst(%dma_wait3A_457 : memref<10112x128xf32, #tpu.memory_space<vmem_shared>>)
          tpu.yield
        }) : () -> ()
        %add3A_430 = arith.constant 3 : i32
        %add3A_431 = arith.addi %add3A_385, %add3A_430 : i32
        %lt3A_432 = arith.constant 90 : i32
        %lt3A_433 = arith.cmpi slt, %add3A_431, %lt3A_432 : i32
        %convert_element_type3A_434 = arith.extui %lt3A_433 : i1 to i32
        %cond3A_435 = arith.constant 0 : i32
        %cond3A_436 = arith.cmpi ne, %convert_element_type3A_434, %cond3A_435 : i32
        scf.if %cond3A_436 {
          %add3A_437 = arith.constant 3 : i32
          %add3A_438 = arith.addi %add3A_385, %add3A_437 : i32
          %dma_start3A_439 = arith.constant 2 : i32
          %dma_start3A_440 = arith.constant 0 : i32
          %dma_start3A_441 = tpu.memref_slice %arg8[%dma_start3A_439, %dma_start3A_440] : memref<3x112xi32, #tpu.memory_space<vmem>> -> memref<1x112xi32, #tpu.memory_space<vmem>>
          %dma_start3A_442 = tpu.memref_squeeze %dma_start3A_441 : memref<1x112xi32, #tpu.memory_space<vmem>> -> memref<112xi32, #tpu.memory_space<vmem>>
          %dma_start3A_443 = arith.constant 0 : i32
          %dma_start3A_444 = arith.constant 0 : i32
          %dma_start3A_445 = arith.constant 0 : i32
          %dma_start3A_446 = tpu.memref_slice %arg4[%cond3A_2, %dma_start3A_443, %dma_start3A_444, %dma_start3A_445] : memref<2x16x90x112xi32, #tpu.memory_space<hbm>> -> memref<1x16x90x112xi32, #tpu.memory_space<hbm>>
          %dma_start3A_447 = tpu.memref_squeeze %dma_start3A_446 : memref<1x16x90x112xi32, #tpu.memory_space<hbm>> -> memref<16x90x112xi32, #tpu.memory_space<hbm>>
          %dma_start3A_448 = arith.constant 0 : i32
          %dma_start3A_449 = tpu.memref_slice %dma_start3A_447[%arg1, %add3A_438, %dma_start3A_448] : memref<16x90x112xi32, #tpu.memory_space<hbm>> -> memref<1x1x112xi32, #tpu.memory_space<hbm>>
          %dma_start3A_450 = tpu.memref_squeeze %dma_start3A_449 : memref<1x1x112xi32, #tpu.memory_space<hbm>> -> memref<112xi32, #tpu.memory_space<hbm>>
          %dma_start3A_451 = arith.constant 0 : i32
          %dma_start3A_452 = tpu.memref_slice %arg8[%dma_start3A_439, %dma_start3A_451] : memref<3x112xi32, #tpu.memory_space<vmem>> -> memref<1x112xi32, #tpu.memory_space<vmem>>
          %dma_start3A_453 = tpu.memref_squeeze %dma_start3A_452 : memref<1x112xi32, #tpu.memory_space<vmem>> -> memref<112xi32, #tpu.memory_space<vmem>>
          %dma_start3A_454 = arith.constant 0 : i32
          %dma_start3A_455 = arith.constant 0 : i32
          %dma_start3A_456 = arith.constant 0 : i32
          %dma_start3A_457 = tpu.memref_slice %arg4[%cond3A_2, %dma_start3A_454, %dma_start3A_455, %dma_start3A_456] : memref<2x16x90x112xi32, #tpu.memory_space<hbm>> -> memref<1x16x90x112xi32, #tpu.memory_space<hbm>>
          %dma_start3A_458 = tpu.memref_squeeze %dma_start3A_457 : memref<1x16x90x112xi32, #tpu.memory_space<hbm>> -> memref<16x90x112xi32, #tpu.memory_space<hbm>>
          %dma_start3A_459 = arith.constant 0 : i32
          %dma_start3A_460 = tpu.memref_slice %dma_start3A_458[%arg1, %add3A_438, %dma_start3A_459] : memref<16x90x112xi32, #tpu.memory_space<hbm>> -> memref<1x1x112xi32, #tpu.memory_space<hbm>>
          %dma_start3A_461 = tpu.memref_squeeze %dma_start3A_460 : memref<1x1x112xi32, #tpu.memory_space<hbm>> -> memref<112xi32, #tpu.memory_space<hbm>>
          tpu.enqueue_dma source(%dma_start3A_461 : memref<112xi32, #tpu.memory_space<hbm>>) target(%dma_start3A_453 : memref<112xi32, #tpu.memory_space<vmem>>) target_semaphore(%arg16 : memref<!tpu.dma_semaphore, #tpu.memory_space<semaphore_mem>>)
          %add3A_462 = arith.constant 3 : i32
          %add3A_463 = arith.addi %add3A_385, %add3A_462 : i32
          %dma_wait3A_464 = arith.constant 2 : i32
          %dma_wait3A_465 = arith.constant 0 : i32
          %dma_wait3A_466 = tpu.memref_slice %arg7[%dma_wait3A_464, %dma_wait3A_465] : memref<3x112xi32, #tpu.memory_space<vmem>> -> memref<1x112xi32, #tpu.memory_space<vmem>>
          %dma_wait3A_467 = tpu.memref_squeeze %dma_wait3A_466 : memref<1x112xi32, #tpu.memory_space<vmem>> -> memref<112xi32, #tpu.memory_space<vmem>>
          %dma_wait3A_468 = arith.constant 0 : i32
          %dma_wait3A_469 = arith.constant 0 : i32
          %dma_wait3A_470 = arith.constant 0 : i32
          %dma_wait3A_471 = tpu.memref_slice %arg4[%cond3A, %dma_wait3A_468, %dma_wait3A_469, %dma_wait3A_470] : memref<2x16x90x112xi32, #tpu.memory_space<hbm>> -> memref<1x16x90x112xi32, #tpu.memory_space<hbm>>
          %dma_wait3A_472 = tpu.memref_squeeze %dma_wait3A_471 : memref<1x16x90x112xi32, #tpu.memory_space<hbm>> -> memref<16x90x112xi32, #tpu.memory_space<hbm>>
          %dma_wait3A_473 = arith.constant 0 : i32
          %dma_wait3A_474 = tpu.memref_slice %dma_wait3A_472[%arg1, %add3A_463, %dma_wait3A_473] : memref<16x90x112xi32, #tpu.memory_space<hbm>> -> memref<1x1x112xi32, #tpu.memory_space<hbm>>
          %dma_wait3A_475 = tpu.memref_squeeze %dma_wait3A_474 : memref<1x1x112xi32, #tpu.memory_space<hbm>> -> memref<112xi32, #tpu.memory_space<hbm>>
          %dma_wait3A_476 = arith.constant 0 : i32
          %dma_wait3A_477 = tpu.memref_slice %arg7[%dma_wait3A_464, %dma_wait3A_476] : memref<3x112xi32, #tpu.memory_space<vmem>> -> memref<1x112xi32, #tpu.memory_space<vmem>>
          %dma_wait3A_478 = tpu.memref_squeeze %dma_wait3A_477 : memref<1x112xi32, #tpu.memory_space<vmem>> -> memref<112xi32, #tpu.memory_space<vmem>>
          %dma_wait3A_479 = arith.constant 0 : i32
          %dma_wait3A_480 = arith.constant 0 : i32
          %dma_wait3A_481 = arith.constant 0 : i32
          %dma_wait3A_482 = tpu.memref_slice %arg4[%cond3A, %dma_wait3A_479, %dma_wait3A_480, %dma_wait3A_481] : memref<2x16x90x112xi32, #tpu.memory_space<hbm>> -> memref<1x16x90x112xi32, #tpu.memory_space<hbm>>
          %dma_wait3A_483 = tpu.memref_squeeze %dma_wait3A_482 : memref<1x16x90x112xi32, #tpu.memory_space<hbm>> -> memref<16x90x112xi32, #tpu.memory_space<hbm>>
          %dma_wait3A_484 = arith.constant 0 : i32
          %dma_wait3A_485 = tpu.memref_slice %dma_wait3A_483[%arg1, %add3A_463, %dma_wait3A_484] : memref<16x90x112xi32, #tpu.memory_space<hbm>> -> memref<1x1x112xi32, #tpu.memory_space<hbm>>
          %dma_wait3A_486 = tpu.memref_squeeze %dma_wait3A_485 : memref<1x1x112xi32, #tpu.memory_space<hbm>> -> memref<112xi32, #tpu.memory_space<hbm>>
          tpu.wait_dma2 semaphore(%arg13 : memref<!tpu.dma_semaphore, #tpu.memory_space<semaphore_mem>>) src(%dma_wait3A_486 : memref<112xi32, #tpu.memory_space<hbm>>) dst(%dma_wait3A_478 : memref<112xi32, #tpu.memory_space<vmem>>)
          %dma_start3A_487 = arith.constant 2 : i32
          %dma_start3A_488 = arith.constant 2 : i32
          %dma_start3A_489 = arith.constant 0 : i32
          %dma_start3A_490 = arith.constant 0 : i32
          %dma_start3A_491 = tpu.memref_slice %arg9[%dma_start3A_488, %dma_start3A_489, %dma_start3A_490] : memref<3x112x128xf32, #tpu.memory_space<vmem>> -> memref<1x112x128xf32, #tpu.memory_space<vmem>>
          %dma_start3A_492 = tpu.memref_squeeze %dma_start3A_491 : memref<1x112x128xf32, #tpu.memory_space<vmem>> -> memref<112x128xf32, #tpu.memory_space<vmem>>
          %dma_start3A_493 = arith.constant 0 : i32
          %dma_start3A_494 = tpu.memref_slice %arg7[%dma_start3A_487, %dma_start3A_493] : memref<3x112xi32, #tpu.memory_space<vmem>> -> memref<1x112xi32, #tpu.memory_space<vmem>>
          %dma_start3A_495 = tpu.memref_squeeze %dma_start3A_494 : memref<1x112xi32, #tpu.memory_space<vmem>> -> memref<112xi32, #tpu.memory_space<vmem>>
          %dma_start3A_496 = arith.constant 0 : i32
          %dma_start3A_497 = arith.constant 0 : i32
          %dma_start3A_498 = tpu.memref_slice %arg2[%dma_start3A_496, %dma_start3A_497] : memref<10000x128xf32, #tpu.memory_space<hbm>> -> memref<10000x128xf32, #tpu.memory_space<hbm>>
          tpu.enqueue_indirect_dma source(%dma_start3A_498 : memref<10000x128xf32, #tpu.memory_space<hbm>>) target(%dma_start3A_492 : memref<112x128xf32, #tpu.memory_space<vmem>>) offsets(%dma_start3A_495 : memref<112xi32, #tpu.memory_space<vmem>>) semaphore(%arg19 : memref<!tpu.dma_semaphore, #tpu.memory_space<semaphore_mem>>)
        } else {
        }
      }
      %scan3A_276 = arith.constant 30 : i32
    } else {
    }
    %eq3A_5 = arith.constant 1 : i32
    %eq3A_6 = arith.cmpi eq, %arg0, %eq3A_5 : i32
    %convert_element_type3A_7 = arith.extui %eq3A_6 : i1 to i32
    %cond3A_8 = arith.constant 0 : i32
    %cond3A_9 = arith.constant 1 : i32
    %cond3A_10 = arith.constant 0 : i32
    %cond3A_11 = arith.cmpi ne, %convert_element_type3A_7, %cond3A_10 : i32
    scf.if %cond3A_11 {
      %dma_start3A = arith.constant 0 : i32
      %dma_start3A_22 = arith.constant 0 : i32
      %dma_start3A_23 = arith.constant 0 : i32
      %dma_start3A_24 = tpu.memref_slice %arg7[%dma_start3A_22, %dma_start3A_23] : memref<3x112xi32, #tpu.memory_space<vmem>> -> memref<1x112xi32, #tpu.memory_space<vmem>>
      %dma_start3A_25 = tpu.memref_squeeze %dma_start3A_24 : memref<1x112xi32, #tpu.memory_space<vmem>> -> memref<112xi32, #tpu.memory_space<vmem>>
      %dma_start3A_26 = arith.constant 0 : i32
      %dma_start3A_27 = arith.constant 0 : i32
      %dma_start3A_28 = arith.constant 0 : i32
      %dma_start3A_29 = tpu.memref_slice %arg4[%cond3A_8, %dma_start3A_26, %dma_start3A_27, %dma_start3A_28] : memref<2x16x90x112xi32, #tpu.memory_space<hbm>> -> memref<1x16x90x112xi32, #tpu.memory_space<hbm>>
      %dma_start3A_30 = tpu.memref_squeeze %dma_start3A_29 : memref<1x16x90x112xi32, #tpu.memory_space<hbm>> -> memref<16x90x112xi32, #tpu.memory_space<hbm>>
      %dma_start3A_31 = arith.constant 0 : i32
      %dma_start3A_32 = tpu.memref_slice %dma_start3A_30[%arg1, %dma_start3A, %dma_start3A_31] : memref<16x90x112xi32, #tpu.memory_space<hbm>> -> memref<1x1x112xi32, #tpu.memory_space<hbm>>
      %dma_start3A_33 = tpu.memref_squeeze %dma_start3A_32 : memref<1x1x112xi32, #tpu.memory_space<hbm>> -> memref<112xi32, #tpu.memory_space<hbm>>
      %dma_start3A_34 = arith.constant 0 : i32
      %dma_start3A_35 = tpu.memref_slice %arg7[%dma_start3A_22, %dma_start3A_34] : memref<3x112xi32, #tpu.memory_space<vmem>> -> memref<1x112xi32, #tpu.memory_space<vmem>>
      %dma_start3A_36 = tpu.memref_squeeze %dma_start3A_35 : memref<1x112xi32, #tpu.memory_space<vmem>> -> memref<112xi32, #tpu.memory_space<vmem>>
      %dma_start3A_37 = arith.constant 0 : i32
      %dma_start3A_38 = arith.constant 0 : i32
      %dma_start3A_39 = arith.constant 0 : i32
      %dma_start3A_40 = tpu.memref_slice %arg4[%cond3A_8, %dma_start3A_37, %dma_start3A_38, %dma_start3A_39] : memref<2x16x90x112xi32, #tpu.memory_space<hbm>> -> memref<1x16x90x112xi32, #tpu.memory_space<hbm>>
      %dma_start3A_41 = tpu.memref_squeeze %dma_start3A_40 : memref<1x16x90x112xi32, #tpu.memory_space<hbm>> -> memref<16x90x112xi32, #tpu.memory_space<hbm>>
      %dma_start3A_42 = arith.constant 0 : i32
      %dma_start3A_43 = tpu.memref_slice %dma_start3A_41[%arg1, %dma_start3A, %dma_start3A_42] : memref<16x90x112xi32, #tpu.memory_space<hbm>> -> memref<1x1x112xi32, #tpu.memory_space<hbm>>
      %dma_start3A_44 = tpu.memref_squeeze %dma_start3A_43 : memref<1x1x112xi32, #tpu.memory_space<hbm>> -> memref<112xi32, #tpu.memory_space<hbm>>
      tpu.enqueue_dma source(%dma_start3A_44 : memref<112xi32, #tpu.memory_space<hbm>>) target(%dma_start3A_36 : memref<112xi32, #tpu.memory_space<vmem>>) target_semaphore(%arg11 : memref<!tpu.dma_semaphore, #tpu.memory_space<semaphore_mem>>)
      %dma_start3A_45 = arith.constant 0 : i32
      %dma_start3A_46 = arith.constant 0 : i32
      %dma_start3A_47 = arith.constant 0 : i32
      %dma_start3A_48 = tpu.memref_slice %arg8[%dma_start3A_46, %dma_start3A_47] : memref<3x112xi32, #tpu.memory_space<vmem>> -> memref<1x112xi32, #tpu.memory_space<vmem>>
      %dma_start3A_49 = tpu.memref_squeeze %dma_start3A_48 : memref<1x112xi32, #tpu.memory_space<vmem>> -> memref<112xi32, #tpu.memory_space<vmem>>
      %dma_start3A_50 = arith.constant 0 : i32
      %dma_start3A_51 = arith.constant 0 : i32
      %dma_start3A_52 = arith.constant 0 : i32
      %dma_start3A_53 = tpu.memref_slice %arg4[%cond3A_9, %dma_start3A_50, %dma_start3A_51, %dma_start3A_52] : memref<2x16x90x112xi32, #tpu.memory_space<hbm>> -> memref<1x16x90x112xi32, #tpu.memory_space<hbm>>
      %dma_start3A_54 = tpu.memref_squeeze %dma_start3A_53 : memref<1x16x90x112xi32, #tpu.memory_space<hbm>> -> memref<16x90x112xi32, #tpu.memory_space<hbm>>
      %dma_start3A_55 = arith.constant 0 : i32
      %dma_start3A_56 = tpu.memref_slice %dma_start3A_54[%arg1, %dma_start3A_45, %dma_start3A_55] : memref<16x90x112xi32, #tpu.memory_space<hbm>> -> memref<1x1x112xi32, #tpu.memory_space<hbm>>
      %dma_start3A_57 = tpu.memref_squeeze %dma_start3A_56 : memref<1x1x112xi32, #tpu.memory_space<hbm>> -> memref<112xi32, #tpu.memory_space<hbm>>
      %dma_start3A_58 = arith.constant 0 : i32
      %dma_start3A_59 = tpu.memref_slice %arg8[%dma_start3A_46, %dma_start3A_58] : memref<3x112xi32, #tpu.memory_space<vmem>> -> memref<1x112xi32, #tpu.memory_space<vmem>>
      %dma_start3A_60 = tpu.memref_squeeze %dma_start3A_59 : memref<1x112xi32, #tpu.memory_space<vmem>> -> memref<112xi32, #tpu.memory_space<vmem>>
      %dma_start3A_61 = arith.constant 0 : i32
      %dma_start3A_62 = arith.constant 0 : i32
      %dma_start3A_63 = arith.constant 0 : i32
      %dma_start3A_64 = tpu.memref_slice %arg4[%cond3A_9, %dma_start3A_61, %dma_start3A_62, %dma_start3A_63] : memref<2x16x90x112xi32, #tpu.memory_space<hbm>> -> memref<1x16x90x112xi32, #tpu.memory_space<hbm>>
      %dma_start3A_65 = tpu.memref_squeeze %dma_start3A_64 : memref<1x16x90x112xi32, #tpu.memory_space<hbm>> -> memref<16x90x112xi32, #tpu.memory_space<hbm>>
      %dma_start3A_66 = arith.constant 0 : i32
      %dma_start3A_67 = tpu.memref_slice %dma_start3A_65[%arg1, %dma_start3A_45, %dma_start3A_66] : memref<16x90x112xi32, #tpu.memory_space<hbm>> -> memref<1x1x112xi32, #tpu.memory_space<hbm>>
      %dma_start3A_68 = tpu.memref_squeeze %dma_start3A_67 : memref<1x1x112xi32, #tpu.memory_space<hbm>> -> memref<112xi32, #tpu.memory_space<hbm>>
      tpu.enqueue_dma source(%dma_start3A_68 : memref<112xi32, #tpu.memory_space<hbm>>) target(%dma_start3A_60 : memref<112xi32, #tpu.memory_space<vmem>>) target_semaphore(%arg14 : memref<!tpu.dma_semaphore, #tpu.memory_space<semaphore_mem>>)
      %dma_start3A_69 = arith.constant 1 : i32
      %dma_start3A_70 = arith.constant 1 : i32
      %dma_start3A_71 = arith.constant 0 : i32
      %dma_start3A_72 = tpu.memref_slice %arg7[%dma_start3A_70, %dma_start3A_71] : memref<3x112xi32, #tpu.memory_space<vmem>> -> memref<1x112xi32, #tpu.memory_space<vmem>>
      %dma_start3A_73 = tpu.memref_squeeze %dma_start3A_72 : memref<1x112xi32, #tpu.memory_space<vmem>> -> memref<112xi32, #tpu.memory_space<vmem>>
      %dma_start3A_74 = arith.constant 0 : i32
      %dma_start3A_75 = arith.constant 0 : i32
      %dma_start3A_76 = arith.constant 0 : i32
      %dma_start3A_77 = tpu.memref_slice %arg4[%cond3A_8, %dma_start3A_74, %dma_start3A_75, %dma_start3A_76] : memref<2x16x90x112xi32, #tpu.memory_space<hbm>> -> memref<1x16x90x112xi32, #tpu.memory_space<hbm>>
      %dma_start3A_78 = tpu.memref_squeeze %dma_start3A_77 : memref<1x16x90x112xi32, #tpu.memory_space<hbm>> -> memref<16x90x112xi32, #tpu.memory_space<hbm>>
      %dma_start3A_79 = arith.constant 0 : i32
      %dma_start3A_80 = tpu.memref_slice %dma_start3A_78[%arg1, %dma_start3A_69, %dma_start3A_79] : memref<16x90x112xi32, #tpu.memory_space<hbm>> -> memref<1x1x112xi32, #tpu.memory_space<hbm>>
      %dma_start3A_81 = tpu.memref_squeeze %dma_start3A_80 : memref<1x1x112xi32, #tpu.memory_space<hbm>> -> memref<112xi32, #tpu.memory_space<hbm>>
      %dma_start3A_82 = arith.constant 0 : i32
      %dma_start3A_83 = tpu.memref_slice %arg7[%dma_start3A_70, %dma_start3A_82] : memref<3x112xi32, #tpu.memory_space<vmem>> -> memref<1x112xi32, #tpu.memory_space<vmem>>
      %dma_start3A_84 = tpu.memref_squeeze %dma_start3A_83 : memref<1x112xi32, #tpu.memory_space<vmem>> -> memref<112xi32, #tpu.memory_space<vmem>>
      %dma_start3A_85 = arith.constant 0 : i32
      %dma_start3A_86 = arith.constant 0 : i32
      %dma_start3A_87 = arith.constant 0 : i32
      %dma_start3A_88 = tpu.memref_slice %arg4[%cond3A_8, %dma_start3A_85, %dma_start3A_86, %dma_start3A_87] : memref<2x16x90x112xi32, #tpu.memory_space<hbm>> -> memref<1x16x90x112xi32, #tpu.memory_space<hbm>>
      %dma_start3A_89 = tpu.memref_squeeze %dma_start3A_88 : memref<1x16x90x112xi32, #tpu.memory_space<hbm>> -> memref<16x90x112xi32, #tpu.memory_space<hbm>>
      %dma_start3A_90 = arith.constant 0 : i32
      %dma_start3A_91 = tpu.memref_slice %dma_start3A_89[%arg1, %dma_start3A_69, %dma_start3A_90] : memref<16x90x112xi32, #tpu.memory_space<hbm>> -> memref<1x1x112xi32, #tpu.memory_space<hbm>>
      %dma_start3A_92 = tpu.memref_squeeze %dma_start3A_91 : memref<1x1x112xi32, #tpu.memory_space<hbm>> -> memref<112xi32, #tpu.memory_space<hbm>>
      tpu.enqueue_dma source(%dma_start3A_92 : memref<112xi32, #tpu.memory_space<hbm>>) target(%dma_start3A_84 : memref<112xi32, #tpu.memory_space<vmem>>) target_semaphore(%arg12 : memref<!tpu.dma_semaphore, #tpu.memory_space<semaphore_mem>>)
      %dma_start3A_93 = arith.constant 1 : i32
      %dma_start3A_94 = arith.constant 1 : i32
      %dma_start3A_95 = arith.constant 0 : i32
      %dma_start3A_96 = tpu.memref_slice %arg8[%dma_start3A_94, %dma_start3A_95] : memref<3x112xi32, #tpu.memory_space<vmem>> -> memref<1x112xi32, #tpu.memory_space<vmem>>
      %dma_start3A_97 = tpu.memref_squeeze %dma_start3A_96 : memref<1x112xi32, #tpu.memory_space<vmem>> -> memref<112xi32, #tpu.memory_space<vmem>>
      %dma_start3A_98 = arith.constant 0 : i32
      %dma_start3A_99 = arith.constant 0 : i32
      %dma_start3A_100 = arith.constant 0 : i32
      %dma_start3A_101 = tpu.memref_slice %arg4[%cond3A_9, %dma_start3A_98, %dma_start3A_99, %dma_start3A_100] : memref<2x16x90x112xi32, #tpu.memory_space<hbm>> -> memref<1x16x90x112xi32, #tpu.memory_space<hbm>>
      %dma_start3A_102 = tpu.memref_squeeze %dma_start3A_101 : memref<1x16x90x112xi32, #tpu.memory_space<hbm>> -> memref<16x90x112xi32, #tpu.memory_space<hbm>>
      %dma_start3A_103 = arith.constant 0 : i32
      %dma_start3A_104 = tpu.memref_slice %dma_start3A_102[%arg1, %dma_start3A_93, %dma_start3A_103] : memref<16x90x112xi32, #tpu.memory_space<hbm>> -> memref<1x1x112xi32, #tpu.memory_space<hbm>>
      %dma_start3A_105 = tpu.memref_squeeze %dma_start3A_104 : memref<1x1x112xi32, #tpu.memory_space<hbm>> -> memref<112xi32, #tpu.memory_space<hbm>>
      %dma_start3A_106 = arith.constant 0 : i32
      %dma_start3A_107 = tpu.memref_slice %arg8[%dma_start3A_94, %dma_start3A_106] : memref<3x112xi32, #tpu.memory_space<vmem>> -> memref<1x112xi32, #tpu.memory_space<vmem>>
      %dma_start3A_108 = tpu.memref_squeeze %dma_start3A_107 : memref<1x112xi32, #tpu.memory_space<vmem>> -> memref<112xi32, #tpu.memory_space<vmem>>
      %dma_start3A_109 = arith.constant 0 : i32
      %dma_start3A_110 = arith.constant 0 : i32
      %dma_start3A_111 = arith.constant 0 : i32
      %dma_start3A_112 = tpu.memref_slice %arg4[%cond3A_9, %dma_start3A_109, %dma_start3A_110, %dma_start3A_111] : memref<2x16x90x112xi32, #tpu.memory_space<hbm>> -> memref<1x16x90x112xi32, #tpu.memory_space<hbm>>
      %dma_start3A_113 = tpu.memref_squeeze %dma_start3A_112 : memref<1x16x90x112xi32, #tpu.memory_space<hbm>> -> memref<16x90x112xi32, #tpu.memory_space<hbm>>
      %dma_start3A_114 = arith.constant 0 : i32
      %dma_start3A_115 = tpu.memref_slice %dma_start3A_113[%arg1, %dma_start3A_93, %dma_start3A_114] : memref<16x90x112xi32, #tpu.memory_space<hbm>> -> memref<1x1x112xi32, #tpu.memory_space<hbm>>
      %dma_start3A_116 = tpu.memref_squeeze %dma_start3A_115 : memref<1x1x112xi32, #tpu.memory_space<hbm>> -> memref<112xi32, #tpu.memory_space<hbm>>
      tpu.enqueue_dma source(%dma_start3A_116 : memref<112xi32, #tpu.memory_space<hbm>>) target(%dma_start3A_108 : memref<112xi32, #tpu.memory_space<vmem>>) target_semaphore(%arg15 : memref<!tpu.dma_semaphore, #tpu.memory_space<semaphore_mem>>)
      %dma_start3A_117 = arith.constant 2 : i32
      %dma_start3A_118 = arith.constant 2 : i32
      %dma_start3A_119 = arith.constant 0 : i32
      %dma_start3A_120 = tpu.memref_slice %arg7[%dma_start3A_118, %dma_start3A_119] : memref<3x112xi32, #tpu.memory_space<vmem>> -> memref<1x112xi32, #tpu.memory_space<vmem>>
      %dma_start3A_121 = tpu.memref_squeeze %dma_start3A_120 : memref<1x112xi32, #tpu.memory_space<vmem>> -> memref<112xi32, #tpu.memory_space<vmem>>
      %dma_start3A_122 = arith.constant 0 : i32
      %dma_start3A_123 = arith.constant 0 : i32
      %dma_start3A_124 = arith.constant 0 : i32
      %dma_start3A_125 = tpu.memref_slice %arg4[%cond3A_8, %dma_start3A_122, %dma_start3A_123, %dma_start3A_124] : memref<2x16x90x112xi32, #tpu.memory_space<hbm>> -> memref<1x16x90x112xi32, #tpu.memory_space<hbm>>
      %dma_start3A_126 = tpu.memref_squeeze %dma_start3A_125 : memref<1x16x90x112xi32, #tpu.memory_space<hbm>> -> memref<16x90x112xi32, #tpu.memory_space<hbm>>
      %dma_start3A_127 = arith.constant 0 : i32
      %dma_start3A_128 = tpu.memref_slice %dma_start3A_126[%arg1, %dma_start3A_117, %dma_start3A_127] : memref<16x90x112xi32, #tpu.memory_space<hbm>> -> memref<1x1x112xi32, #tpu.memory_space<hbm>>
      %dma_start3A_129 = tpu.memref_squeeze %dma_start3A_128 : memref<1x1x112xi32, #tpu.memory_space<hbm>> -> memref<112xi32, #tpu.memory_space<hbm>>
      %dma_start3A_130 = arith.constant 0 : i32
      %dma_start3A_131 = tpu.memref_slice %arg7[%dma_start3A_118, %dma_start3A_130] : memref<3x112xi32, #tpu.memory_space<vmem>> -> memref<1x112xi32, #tpu.memory_space<vmem>>
      %dma_start3A_132 = tpu.memref_squeeze %dma_start3A_131 : memref<1x112xi32, #tpu.memory_space<vmem>> -> memref<112xi32, #tpu.memory_space<vmem>>
      %dma_start3A_133 = arith.constant 0 : i32
      %dma_start3A_134 = arith.constant 0 : i32
      %dma_start3A_135 = arith.constant 0 : i32
      %dma_start3A_136 = tpu.memref_slice %arg4[%cond3A_8, %dma_start3A_133, %dma_start3A_134, %dma_start3A_135] : memref<2x16x90x112xi32, #tpu.memory_space<hbm>> -> memref<1x16x90x112xi32, #tpu.memory_space<hbm>>
      %dma_start3A_137 = tpu.memref_squeeze %dma_start3A_136 : memref<1x16x90x112xi32, #tpu.memory_space<hbm>> -> memref<16x90x112xi32, #tpu.memory_space<hbm>>
      %dma_start3A_138 = arith.constant 0 : i32
      %dma_start3A_139 = tpu.memref_slice %dma_start3A_137[%arg1, %dma_start3A_117, %dma_start3A_138] : memref<16x90x112xi32, #tpu.memory_space<hbm>> -> memref<1x1x112xi32, #tpu.memory_space<hbm>>
      %dma_start3A_140 = tpu.memref_squeeze %dma_start3A_139 : memref<1x1x112xi32, #tpu.memory_space<hbm>> -> memref<112xi32, #tpu.memory_space<hbm>>
      tpu.enqueue_dma source(%dma_start3A_140 : memref<112xi32, #tpu.memory_space<hbm>>) target(%dma_start3A_132 : memref<112xi32, #tpu.memory_space<vmem>>) target_semaphore(%arg13 : memref<!tpu.dma_semaphore, #tpu.memory_space<semaphore_mem>>)
      %dma_start3A_141 = arith.constant 2 : i32
      %dma_start3A_142 = arith.constant 2 : i32
      %dma_start3A_143 = arith.constant 0 : i32
      %dma_start3A_144 = tpu.memref_slice %arg8[%dma_start3A_142, %dma_start3A_143] : memref<3x112xi32, #tpu.memory_space<vmem>> -> memref<1x112xi32, #tpu.memory_space<vmem>>
      %dma_start3A_145 = tpu.memref_squeeze %dma_start3A_144 : memref<1x112xi32, #tpu.memory_space<vmem>> -> memref<112xi32, #tpu.memory_space<vmem>>
      %dma_start3A_146 = arith.constant 0 : i32
      %dma_start3A_147 = arith.constant 0 : i32
      %dma_start3A_148 = arith.constant 0 : i32
      %dma_start3A_149 = tpu.memref_slice %arg4[%cond3A_9, %dma_start3A_146, %dma_start3A_147, %dma_start3A_148] : memref<2x16x90x112xi32, #tpu.memory_space<hbm>> -> memref<1x16x90x112xi32, #tpu.memory_space<hbm>>
      %dma_start3A_150 = tpu.memref_squeeze %dma_start3A_149 : memref<1x16x90x112xi32, #tpu.memory_space<hbm>> -> memref<16x90x112xi32, #tpu.memory_space<hbm>>
      %dma_start3A_151 = arith.constant 0 : i32
      %dma_start3A_152 = tpu.memref_slice %dma_start3A_150[%arg1, %dma_start3A_141, %dma_start3A_151] : memref<16x90x112xi32, #tpu.memory_space<hbm>> -> memref<1x1x112xi32, #tpu.memory_space<hbm>>
      %dma_start3A_153 = tpu.memref_squeeze %dma_start3A_152 : memref<1x1x112xi32, #tpu.memory_space<hbm>> -> memref<112xi32, #tpu.memory_space<hbm>>
      %dma_start3A_154 = arith.constant 0 : i32
      %dma_start3A_155 = tpu.memref_slice %arg8[%dma_start3A_142, %dma_start3A_154] : memref<3x112xi32, #tpu.memory_space<vmem>> -> memref<1x112xi32, #tpu.memory_space<vmem>>
      %dma_start3A_156 = tpu.memref_squeeze %dma_start3A_155 : memref<1x112xi32, #tpu.memory_space<vmem>> -> memref<112xi32, #tpu.memory_space<vmem>>
      %dma_start3A_157 = arith.constant 0 : i32
      %dma_start3A_158 = arith.constant 0 : i32
      %dma_start3A_159 = arith.constant 0 : i32
      %dma_start3A_160 = tpu.memref_slice %arg4[%cond3A_9, %dma_start3A_157, %dma_start3A_158, %dma_start3A_159] : memref<2x16x90x112xi32, #tpu.memory_space<hbm>> -> memref<1x16x90x112xi32, #tpu.memory_space<hbm>>
      %dma_start3A_161 = tpu.memref_squeeze %dma_start3A_160 : memref<1x16x90x112xi32, #tpu.memory_space<hbm>> -> memref<16x90x112xi32, #tpu.memory_space<hbm>>
      %dma_start3A_162 = arith.constant 0 : i32
      %dma_start3A_163 = tpu.memref_slice %dma_start3A_161[%arg1, %dma_start3A_141, %dma_start3A_162] : memref<16x90x112xi32, #tpu.memory_space<hbm>> -> memref<1x1x112xi32, #tpu.memory_space<hbm>>
      %dma_start3A_164 = tpu.memref_squeeze %dma_start3A_163 : memref<1x1x112xi32, #tpu.memory_space<hbm>> -> memref<112xi32, #tpu.memory_space<hbm>>
      tpu.enqueue_dma source(%dma_start3A_164 : memref<112xi32, #tpu.memory_space<hbm>>) target(%dma_start3A_156 : memref<112xi32, #tpu.memory_space<vmem>>) target_semaphore(%arg16 : memref<!tpu.dma_semaphore, #tpu.memory_space<semaphore_mem>>)
      %dma_wait3A = arith.constant 0 : i32
      %dma_wait3A_165 = arith.constant 0 : i32
      %dma_wait3A_166 = arith.constant 0 : i32
      %dma_wait3A_167 = tpu.memref_slice %arg7[%dma_wait3A_165, %dma_wait3A_166] : memref<3x112xi32, #tpu.memory_space<vmem>> -> memref<1x112xi32, #tpu.memory_space<vmem>>
      %dma_wait3A_168 = tpu.memref_squeeze %dma_wait3A_167 : memref<1x112xi32, #tpu.memory_space<vmem>> -> memref<112xi32, #tpu.memory_space<vmem>>
      %dma_wait3A_169 = arith.constant 0 : i32
      %dma_wait3A_170 = arith.constant 0 : i32
      %dma_wait3A_171 = arith.constant 0 : i32
      %dma_wait3A_172 = tpu.memref_slice %arg4[%cond3A_8, %dma_wait3A_169, %dma_wait3A_170, %dma_wait3A_171] : memref<2x16x90x112xi32, #tpu.memory_space<hbm>> -> memref<1x16x90x112xi32, #tpu.memory_space<hbm>>
      %dma_wait3A_173 = tpu.memref_squeeze %dma_wait3A_172 : memref<1x16x90x112xi32, #tpu.memory_space<hbm>> -> memref<16x90x112xi32, #tpu.memory_space<hbm>>
      %dma_wait3A_174 = arith.constant 0 : i32
      %dma_wait3A_175 = tpu.memref_slice %dma_wait3A_173[%arg1, %dma_wait3A, %dma_wait3A_174] : memref<16x90x112xi32, #tpu.memory_space<hbm>> -> memref<1x1x112xi32, #tpu.memory_space<hbm>>
      %dma_wait3A_176 = tpu.memref_squeeze %dma_wait3A_175 : memref<1x1x112xi32, #tpu.memory_space<hbm>> -> memref<112xi32, #tpu.memory_space<hbm>>
      %dma_wait3A_177 = arith.constant 0 : i32
      %dma_wait3A_178 = tpu.memref_slice %arg7[%dma_wait3A_165, %dma_wait3A_177] : memref<3x112xi32, #tpu.memory_space<vmem>> -> memref<1x112xi32, #tpu.memory_space<vmem>>
      %dma_wait3A_179 = tpu.memref_squeeze %dma_wait3A_178 : memref<1x112xi32, #tpu.memory_space<vmem>> -> memref<112xi32, #tpu.memory_space<vmem>>
      %dma_wait3A_180 = arith.constant 0 : i32
      %dma_wait3A_181 = arith.constant 0 : i32
      %dma_wait3A_182 = arith.constant 0 : i32
      %dma_wait3A_183 = tpu.memref_slice %arg4[%cond3A_8, %dma_wait3A_180, %dma_wait3A_181, %dma_wait3A_182] : memref<2x16x90x112xi32, #tpu.memory_space<hbm>> -> memref<1x16x90x112xi32, #tpu.memory_space<hbm>>
      %dma_wait3A_184 = tpu.memref_squeeze %dma_wait3A_183 : memref<1x16x90x112xi32, #tpu.memory_space<hbm>> -> memref<16x90x112xi32, #tpu.memory_space<hbm>>
      %dma_wait3A_185 = arith.constant 0 : i32
      %dma_wait3A_186 = tpu.memref_slice %dma_wait3A_184[%arg1, %dma_wait3A, %dma_wait3A_185] : memref<16x90x112xi32, #tpu.memory_space<hbm>> -> memref<1x1x112xi32, #tpu.memory_space<hbm>>
      %dma_wait3A_187 = tpu.memref_squeeze %dma_wait3A_186 : memref<1x1x112xi32, #tpu.memory_space<hbm>> -> memref<112xi32, #tpu.memory_space<hbm>>
      tpu.wait_dma2 semaphore(%arg11 : memref<!tpu.dma_semaphore, #tpu.memory_space<semaphore_mem>>) src(%dma_wait3A_187 : memref<112xi32, #tpu.memory_space<hbm>>) dst(%dma_wait3A_179 : memref<112xi32, #tpu.memory_space<vmem>>)
      %dma_start3A_188 = arith.constant 0 : i32
      %dma_start3A_189 = arith.constant 0 : i32
      %dma_start3A_190 = arith.constant 0 : i32
      %dma_start3A_191 = arith.constant 0 : i32
      %dma_start3A_192 = tpu.memref_slice %arg9[%dma_start3A_189, %dma_start3A_190, %dma_start3A_191] : memref<3x112x128xf32, #tpu.memory_space<vmem>> -> memref<1x112x128xf32, #tpu.memory_space<vmem>>
      %dma_start3A_193 = tpu.memref_squeeze %dma_start3A_192 : memref<1x112x128xf32, #tpu.memory_space<vmem>> -> memref<112x128xf32, #tpu.memory_space<vmem>>
      %dma_start3A_194 = arith.constant 0 : i32
      %dma_start3A_195 = tpu.memref_slice %arg7[%dma_start3A_188, %dma_start3A_194] : memref<3x112xi32, #tpu.memory_space<vmem>> -> memref<1x112xi32, #tpu.memory_space<vmem>>
      %dma_start3A_196 = tpu.memref_squeeze %dma_start3A_195 : memref<1x112xi32, #tpu.memory_space<vmem>> -> memref<112xi32, #tpu.memory_space<vmem>>
      %dma_start3A_197 = arith.constant 0 : i32
      %dma_start3A_198 = arith.constant 0 : i32
      %dma_start3A_199 = tpu.memref_slice %arg3[%dma_start3A_197, %dma_start3A_198] : memref<10000x128xf32, #tpu.memory_space<hbm>> -> memref<10000x128xf32, #tpu.memory_space<hbm>>
      tpu.enqueue_indirect_dma source(%dma_start3A_199 : memref<10000x128xf32, #tpu.memory_space<hbm>>) target(%dma_start3A_193 : memref<112x128xf32, #tpu.memory_space<vmem>>) offsets(%dma_start3A_196 : memref<112xi32, #tpu.memory_space<vmem>>) semaphore(%arg17 : memref<!tpu.dma_semaphore, #tpu.memory_space<semaphore_mem>>)
      %dma_wait3A_200 = arith.constant 1 : i32
      %dma_wait3A_201 = arith.constant 1 : i32
      %dma_wait3A_202 = arith.constant 0 : i32
      %dma_wait3A_203 = tpu.memref_slice %arg7[%dma_wait3A_201, %dma_wait3A_202] : memref<3x112xi32, #tpu.memory_space<vmem>> -> memref<1x112xi32, #tpu.memory_space<vmem>>
      %dma_wait3A_204 = tpu.memref_squeeze %dma_wait3A_203 : memref<1x112xi32, #tpu.memory_space<vmem>> -> memref<112xi32, #tpu.memory_space<vmem>>
      %dma_wait3A_205 = arith.constant 0 : i32
      %dma_wait3A_206 = arith.constant 0 : i32
      %dma_wait3A_207 = arith.constant 0 : i32
      %dma_wait3A_208 = tpu.memref_slice %arg4[%cond3A_8, %dma_wait3A_205, %dma_wait3A_206, %dma_wait3A_207] : memref<2x16x90x112xi32, #tpu.memory_space<hbm>> -> memref<1x16x90x112xi32, #tpu.memory_space<hbm>>
      %dma_wait3A_209 = tpu.memref_squeeze %dma_wait3A_208 : memref<1x16x90x112xi32, #tpu.memory_space<hbm>> -> memref<16x90x112xi32, #tpu.memory_space<hbm>>
      %dma_wait3A_210 = arith.constant 0 : i32
      %dma_wait3A_211 = tpu.memref_slice %dma_wait3A_209[%arg1, %dma_wait3A_200, %dma_wait3A_210] : memref<16x90x112xi32, #tpu.memory_space<hbm>> -> memref<1x1x112xi32, #tpu.memory_space<hbm>>
      %dma_wait3A_212 = tpu.memref_squeeze %dma_wait3A_211 : memref<1x1x112xi32, #tpu.memory_space<hbm>> -> memref<112xi32, #tpu.memory_space<hbm>>
      %dma_wait3A_213 = arith.constant 0 : i32
      %dma_wait3A_214 = tpu.memref_slice %arg7[%dma_wait3A_201, %dma_wait3A_213] : memref<3x112xi32, #tpu.memory_space<vmem>> -> memref<1x112xi32, #tpu.memory_space<vmem>>
      %dma_wait3A_215 = tpu.memref_squeeze %dma_wait3A_214 : memref<1x112xi32, #tpu.memory_space<vmem>> -> memref<112xi32, #tpu.memory_space<vmem>>
      %dma_wait3A_216 = arith.constant 0 : i32
      %dma_wait3A_217 = arith.constant 0 : i32
      %dma_wait3A_218 = arith.constant 0 : i32
      %dma_wait3A_219 = tpu.memref_slice %arg4[%cond3A_8, %dma_wait3A_216, %dma_wait3A_217, %dma_wait3A_218] : memref<2x16x90x112xi32, #tpu.memory_space<hbm>> -> memref<1x16x90x112xi32, #tpu.memory_space<hbm>>
      %dma_wait3A_220 = tpu.memref_squeeze %dma_wait3A_219 : memref<1x16x90x112xi32, #tpu.memory_space<hbm>> -> memref<16x90x112xi32, #tpu.memory_space<hbm>>
      %dma_wait3A_221 = arith.constant 0 : i32
      %dma_wait3A_222 = tpu.memref_slice %dma_wait3A_220[%arg1, %dma_wait3A_200, %dma_wait3A_221] : memref<16x90x112xi32, #tpu.memory_space<hbm>> -> memref<1x1x112xi32, #tpu.memory_space<hbm>>
      %dma_wait3A_223 = tpu.memref_squeeze %dma_wait3A_222 : memref<1x1x112xi32, #tpu.memory_space<hbm>> -> memref<112xi32, #tpu.memory_space<hbm>>
      tpu.wait_dma2 semaphore(%arg12 : memref<!tpu.dma_semaphore, #tpu.memory_space<semaphore_mem>>) src(%dma_wait3A_223 : memref<112xi32, #tpu.memory_space<hbm>>) dst(%dma_wait3A_215 : memref<112xi32, #tpu.memory_space<vmem>>)
      %dma_start3A_224 = arith.constant 1 : i32
      %dma_start3A_225 = arith.constant 1 : i32
      %dma_start3A_226 = arith.constant 0 : i32
      %dma_start3A_227 = arith.constant 0 : i32
      %dma_start3A_228 = tpu.memref_slice %arg9[%dma_start3A_225, %dma_start3A_226, %dma_start3A_227] : memref<3x112x128xf32, #tpu.memory_space<vmem>> -> memref<1x112x128xf32, #tpu.memory_space<vmem>>
      %dma_start3A_229 = tpu.memref_squeeze %dma_start3A_228 : memref<1x112x128xf32, #tpu.memory_space<vmem>> -> memref<112x128xf32, #tpu.memory_space<vmem>>
      %dma_start3A_230 = arith.constant 0 : i32
      %dma_start3A_231 = tpu.memref_slice %arg7[%dma_start3A_224, %dma_start3A_230] : memref<3x112xi32, #tpu.memory_space<vmem>> -> memref<1x112xi32, #tpu.memory_space<vmem>>
      %dma_start3A_232 = tpu.memref_squeeze %dma_start3A_231 : memref<1x112xi32, #tpu.memory_space<vmem>> -> memref<112xi32, #tpu.memory_space<vmem>>
      %dma_start3A_233 = arith.constant 0 : i32
      %dma_start3A_234 = arith.constant 0 : i32
      %dma_start3A_235 = tpu.memref_slice %arg3[%dma_start3A_233, %dma_start3A_234] : memref<10000x128xf32, #tpu.memory_space<hbm>> -> memref<10000x128xf32, #tpu.memory_space<hbm>>
      tpu.enqueue_indirect_dma source(%dma_start3A_235 : memref<10000x128xf32, #tpu.memory_space<hbm>>) target(%dma_start3A_229 : memref<112x128xf32, #tpu.memory_space<vmem>>) offsets(%dma_start3A_232 : memref<112xi32, #tpu.memory_space<vmem>>) semaphore(%arg18 : memref<!tpu.dma_semaphore, #tpu.memory_space<semaphore_mem>>)
      %dma_wait3A_236 = arith.constant 2 : i32
      %dma_wait3A_237 = arith.constant 2 : i32
      %dma_wait3A_238 = arith.constant 0 : i32
      %dma_wait3A_239 = tpu.memref_slice %arg7[%dma_wait3A_237, %dma_wait3A_238] : memref<3x112xi32, #tpu.memory_space<vmem>> -> memref<1x112xi32, #tpu.memory_space<vmem>>
      %dma_wait3A_240 = tpu.memref_squeeze %dma_wait3A_239 : memref<1x112xi32, #tpu.memory_space<vmem>> -> memref<112xi32, #tpu.memory_space<vmem>>
      %dma_wait3A_241 = arith.constant 0 : i32
      %dma_wait3A_242 = arith.constant 0 : i32
      %dma_wait3A_243 = arith.constant 0 : i32
      %dma_wait3A_244 = tpu.memref_slice %arg4[%cond3A_8, %dma_wait3A_241, %dma_wait3A_242, %dma_wait3A_243] : memref<2x16x90x112xi32, #tpu.memory_space<hbm>> -> memref<1x16x90x112xi32, #tpu.memory_space<hbm>>
      %dma_wait3A_245 = tpu.memref_squeeze %dma_wait3A_244 : memref<1x16x90x112xi32, #tpu.memory_space<hbm>> -> memref<16x90x112xi32, #tpu.memory_space<hbm>>
      %dma_wait3A_246 = arith.constant 0 : i32
      %dma_wait3A_247 = tpu.memref_slice %dma_wait3A_245[%arg1, %dma_wait3A_236, %dma_wait3A_246] : memref<16x90x112xi32, #tpu.memory_space<hbm>> -> memref<1x1x112xi32, #tpu.memory_space<hbm>>
      %dma_wait3A_248 = tpu.memref_squeeze %dma_wait3A_247 : memref<1x1x112xi32, #tpu.memory_space<hbm>> -> memref<112xi32, #tpu.memory_space<hbm>>
      %dma_wait3A_249 = arith.constant 0 : i32
      %dma_wait3A_250 = tpu.memref_slice %arg7[%dma_wait3A_237, %dma_wait3A_249] : memref<3x112xi32, #tpu.memory_space<vmem>> -> memref<1x112xi32, #tpu.memory_space<vmem>>
      %dma_wait3A_251 = tpu.memref_squeeze %dma_wait3A_250 : memref<1x112xi32, #tpu.memory_space<vmem>> -> memref<112xi32, #tpu.memory_space<vmem>>
      %dma_wait3A_252 = arith.constant 0 : i32
      %dma_wait3A_253 = arith.constant 0 : i32
      %dma_wait3A_254 = arith.constant 0 : i32
      %dma_wait3A_255 = tpu.memref_slice %arg4[%cond3A_8, %dma_wait3A_252, %dma_wait3A_253, %dma_wait3A_254] : memref<2x16x90x112xi32, #tpu.memory_space<hbm>> -> memref<1x16x90x112xi32, #tpu.memory_space<hbm>>
      %dma_wait3A_256 = tpu.memref_squeeze %dma_wait3A_255 : memref<1x16x90x112xi32, #tpu.memory_space<hbm>> -> memref<16x90x112xi32, #tpu.memory_space<hbm>>
      %dma_wait3A_257 = arith.constant 0 : i32
      %dma_wait3A_258 = tpu.memref_slice %dma_wait3A_256[%arg1, %dma_wait3A_236, %dma_wait3A_257] : memref<16x90x112xi32, #tpu.memory_space<hbm>> -> memref<1x1x112xi32, #tpu.memory_space<hbm>>
      %dma_wait3A_259 = tpu.memref_squeeze %dma_wait3A_258 : memref<1x1x112xi32, #tpu.memory_space<hbm>> -> memref<112xi32, #tpu.memory_space<hbm>>
      tpu.wait_dma2 semaphore(%arg13 : memref<!tpu.dma_semaphore, #tpu.memory_space<semaphore_mem>>) src(%dma_wait3A_259 : memref<112xi32, #tpu.memory_space<hbm>>) dst(%dma_wait3A_251 : memref<112xi32, #tpu.memory_space<vmem>>)
      %dma_start3A_260 = arith.constant 2 : i32
      %dma_start3A_261 = arith.constant 2 : i32
      %dma_start3A_262 = arith.constant 0 : i32
      %dma_start3A_263 = arith.constant 0 : i32
      %dma_start3A_264 = tpu.memref_slice %arg9[%dma_start3A_261, %dma_start3A_262, %dma_start3A_263] : memref<3x112x128xf32, #tpu.memory_space<vmem>> -> memref<1x112x128xf32, #tpu.memory_space<vmem>>
      %dma_start3A_265 = tpu.memref_squeeze %dma_start3A_264 : memref<1x112x128xf32, #tpu.memory_space<vmem>> -> memref<112x128xf32, #tpu.memory_space<vmem>>
      %dma_start3A_266 = arith.constant 0 : i32
      %dma_start3A_267 = tpu.memref_slice %arg7[%dma_start3A_260, %dma_start3A_266] : memref<3x112xi32, #tpu.memory_space<vmem>> -> memref<1x112xi32, #tpu.memory_space<vmem>>
      %dma_start3A_268 = tpu.memref_squeeze %dma_start3A_267 : memref<1x112xi32, #tpu.memory_space<vmem>> -> memref<112xi32, #tpu.memory_space<vmem>>
      %dma_start3A_269 = arith.constant 0 : i32
      %dma_start3A_270 = arith.constant 0 : i32
      %dma_start3A_271 = tpu.memref_slice %arg3[%dma_start3A_269, %dma_start3A_270] : memref<10000x128xf32, #tpu.memory_space<hbm>> -> memref<10000x128xf32, #tpu.memory_space<hbm>>
      tpu.enqueue_indirect_dma source(%dma_start3A_271 : memref<10000x128xf32, #tpu.memory_space<hbm>>) target(%dma_start3A_265 : memref<112x128xf32, #tpu.memory_space<vmem>>) offsets(%dma_start3A_268 : memref<112xi32, #tpu.memory_space<vmem>>) semaphore(%arg19 : memref<!tpu.dma_semaphore, #tpu.memory_space<semaphore_mem>>)
      %scan3A = arith.constant 0 : i32
      %scan3A_272 = arith.constant 0 : i32
      %scan3A_273 = arith.constant 30 : i32
      %scan3A_274 = arith.addi %scan3A_272, %scan3A_273 : i32
      %scan3A_275 = arith.constant 1 : i32
      scf.for %scan3A_277 = %scan3A_272 to %scan3A_274 step %scan3A_275  : i32 {
        %mul3A_278 = arith.constant 3 : i32
        %mul3A_279 = arith.muli %mul3A_278, %scan3A_277 : i32
        %add3A = arith.constant 0 : i32
        %add3A_280 = arith.addi %mul3A_279, %add3A : i32
        %dma_wait3A_281 = arith.constant 0 : i32
        %dma_wait3A_282 = arith.constant 0 : i32
        %dma_wait3A_283 = arith.constant 0 : i32
        %dma_wait3A_284 = arith.constant 0 : i32
        %dma_wait3A_285 = tpu.memref_slice %arg9[%dma_wait3A_282, %dma_wait3A_283, %dma_wait3A_284] : memref<3x112x128xf32, #tpu.memory_space<vmem>> -> memref<1x112x128xf32, #tpu.memory_space<vmem>>
        %dma_wait3A_286 = tpu.memref_squeeze %dma_wait3A_285 : memref<1x112x128xf32, #tpu.memory_space<vmem>> -> memref<112x128xf32, #tpu.memory_space<vmem>>
        %dma_wait3A_287 = arith.constant 0 : i32
        %dma_wait3A_288 = tpu.memref_slice %arg7[%dma_wait3A_281, %dma_wait3A_287] : memref<3x112xi32, #tpu.memory_space<vmem>> -> memref<1x112xi32, #tpu.memory_space<vmem>>
        %dma_wait3A_289 = tpu.memref_squeeze %dma_wait3A_288 : memref<1x112xi32, #tpu.memory_space<vmem>> -> memref<112xi32, #tpu.memory_space<vmem>>
        %dma_wait3A_290 = arith.constant 0 : i32
        %dma_wait3A_291 = arith.constant 0 : i32
        %dma_wait3A_292 = tpu.memref_slice %arg3[%dma_wait3A_290, %dma_wait3A_291] : memref<10000x128xf32, #tpu.memory_space<hbm>> -> memref<10000x128xf32, #tpu.memory_space<hbm>>
        tpu.wait_indirect_dma semaphore(%arg17 : memref<!tpu.dma_semaphore, #tpu.memory_space<semaphore_mem>>) src(%dma_wait3A_292 : memref<10000x128xf32, #tpu.memory_space<hbm>>) dst(%dma_wait3A_286 : memref<112x128xf32, #tpu.memory_space<vmem>>)
        %add3A_293 = arith.constant 3 : i32
        %add3A_294 = arith.addi %add3A_280, %add3A_293 : i32
        %lt3A_295 = arith.constant 90 : i32
        %lt3A_296 = arith.cmpi slt, %add3A_294, %lt3A_295 : i32
        %convert_element_type3A_297 = arith.extui %lt3A_296 : i1 to i32
        %cond3A_298 = arith.constant 0 : i32
        %cond3A_299 = arith.cmpi ne, %convert_element_type3A_297, %cond3A_298 : i32
        scf.if %cond3A_299 {
          %add3A_437 = arith.constant 3 : i32
          %add3A_438 = arith.addi %add3A_280, %add3A_437 : i32
          %dma_start3A_439 = arith.constant 0 : i32
          %dma_start3A_440 = arith.constant 0 : i32
          %dma_start3A_441 = tpu.memref_slice %arg7[%dma_start3A_439, %dma_start3A_440] : memref<3x112xi32, #tpu.memory_space<vmem>> -> memref<1x112xi32, #tpu.memory_space<vmem>>
          %dma_start3A_442 = tpu.memref_squeeze %dma_start3A_441 : memref<1x112xi32, #tpu.memory_space<vmem>> -> memref<112xi32, #tpu.memory_space<vmem>>
          %dma_start3A_443 = arith.constant 0 : i32
          %dma_start3A_444 = arith.constant 0 : i32
          %dma_start3A_445 = arith.constant 0 : i32
          %dma_start3A_446 = tpu.memref_slice %arg4[%cond3A_8, %dma_start3A_443, %dma_start3A_444, %dma_start3A_445] : memref<2x16x90x112xi32, #tpu.memory_space<hbm>> -> memref<1x16x90x112xi32, #tpu.memory_space<hbm>>
          %dma_start3A_447 = tpu.memref_squeeze %dma_start3A_446 : memref<1x16x90x112xi32, #tpu.memory_space<hbm>> -> memref<16x90x112xi32, #tpu.memory_space<hbm>>
          %dma_start3A_448 = arith.constant 0 : i32
          %dma_start3A_449 = tpu.memref_slice %dma_start3A_447[%arg1, %add3A_438, %dma_start3A_448] : memref<16x90x112xi32, #tpu.memory_space<hbm>> -> memref<1x1x112xi32, #tpu.memory_space<hbm>>
          %dma_start3A_450 = tpu.memref_squeeze %dma_start3A_449 : memref<1x1x112xi32, #tpu.memory_space<hbm>> -> memref<112xi32, #tpu.memory_space<hbm>>
          %dma_start3A_451 = arith.constant 0 : i32
          %dma_start3A_452 = tpu.memref_slice %arg7[%dma_start3A_439, %dma_start3A_451] : memref<3x112xi32, #tpu.memory_space<vmem>> -> memref<1x112xi32, #tpu.memory_space<vmem>>
          %dma_start3A_453 = tpu.memref_squeeze %dma_start3A_452 : memref<1x112xi32, #tpu.memory_space<vmem>> -> memref<112xi32, #tpu.memory_space<vmem>>
          %dma_start3A_454 = arith.constant 0 : i32
          %dma_start3A_455 = arith.constant 0 : i32
          %dma_start3A_456 = arith.constant 0 : i32
          %dma_start3A_457 = tpu.memref_slice %arg4[%cond3A_8, %dma_start3A_454, %dma_start3A_455, %dma_start3A_456] : memref<2x16x90x112xi32, #tpu.memory_space<hbm>> -> memref<1x16x90x112xi32, #tpu.memory_space<hbm>>
          %dma_start3A_458 = tpu.memref_squeeze %dma_start3A_457 : memref<1x16x90x112xi32, #tpu.memory_space<hbm>> -> memref<16x90x112xi32, #tpu.memory_space<hbm>>
          %dma_start3A_459 = arith.constant 0 : i32
          %dma_start3A_460 = tpu.memref_slice %dma_start3A_458[%arg1, %add3A_438, %dma_start3A_459] : memref<16x90x112xi32, #tpu.memory_space<hbm>> -> memref<1x1x112xi32, #tpu.memory_space<hbm>>
          %dma_start3A_461 = tpu.memref_squeeze %dma_start3A_460 : memref<1x1x112xi32, #tpu.memory_space<hbm>> -> memref<112xi32, #tpu.memory_space<hbm>>
          tpu.enqueue_dma source(%dma_start3A_461 : memref<112xi32, #tpu.memory_space<hbm>>) target(%dma_start3A_453 : memref<112xi32, #tpu.memory_space<vmem>>) target_semaphore(%arg11 : memref<!tpu.dma_semaphore, #tpu.memory_space<semaphore_mem>>)
        } else {
        }
        %dma_wait3A_300 = arith.constant 0 : i32
        %dma_wait3A_301 = arith.constant 0 : i32
        %dma_wait3A_302 = tpu.memref_slice %arg8[%dma_wait3A_300, %dma_wait3A_301] : memref<3x112xi32, #tpu.memory_space<vmem>> -> memref<1x112xi32, #tpu.memory_space<vmem>>
        %dma_wait3A_303 = tpu.memref_squeeze %dma_wait3A_302 : memref<1x112xi32, #tpu.memory_space<vmem>> -> memref<112xi32, #tpu.memory_space<vmem>>
        %dma_wait3A_304 = arith.constant 0 : i32
        %dma_wait3A_305 = arith.constant 0 : i32
        %dma_wait3A_306 = arith.constant 0 : i32
        %dma_wait3A_307 = tpu.memref_slice %arg4[%cond3A_9, %dma_wait3A_304, %dma_wait3A_305, %dma_wait3A_306] : memref<2x16x90x112xi32, #tpu.memory_space<hbm>> -> memref<1x16x90x112xi32, #tpu.memory_space<hbm>>
        %dma_wait3A_308 = tpu.memref_squeeze %dma_wait3A_307 : memref<1x16x90x112xi32, #tpu.memory_space<hbm>> -> memref<16x90x112xi32, #tpu.memory_space<hbm>>
        %dma_wait3A_309 = arith.constant 0 : i32
        %dma_wait3A_310 = tpu.memref_slice %dma_wait3A_308[%arg1, %add3A_280, %dma_wait3A_309] : memref<16x90x112xi32, #tpu.memory_space<hbm>> -> memref<1x1x112xi32, #tpu.memory_space<hbm>>
        %dma_wait3A_311 = tpu.memref_squeeze %dma_wait3A_310 : memref<1x1x112xi32, #tpu.memory_space<hbm>> -> memref<112xi32, #tpu.memory_space<hbm>>
        %dma_wait3A_312 = arith.constant 0 : i32
        %dma_wait3A_313 = tpu.memref_slice %arg8[%dma_wait3A_300, %dma_wait3A_312] : memref<3x112xi32, #tpu.memory_space<vmem>> -> memref<1x112xi32, #tpu.memory_space<vmem>>
        %dma_wait3A_314 = tpu.memref_squeeze %dma_wait3A_313 : memref<1x112xi32, #tpu.memory_space<vmem>> -> memref<112xi32, #tpu.memory_space<vmem>>
        %dma_wait3A_315 = arith.constant 0 : i32
        %dma_wait3A_316 = arith.constant 0 : i32
        %dma_wait3A_317 = arith.constant 0 : i32
        %dma_wait3A_318 = tpu.memref_slice %arg4[%cond3A_9, %dma_wait3A_315, %dma_wait3A_316, %dma_wait3A_317] : memref<2x16x90x112xi32, #tpu.memory_space<hbm>> -> memref<1x16x90x112xi32, #tpu.memory_space<hbm>>
        %dma_wait3A_319 = tpu.memref_squeeze %dma_wait3A_318 : memref<1x16x90x112xi32, #tpu.memory_space<hbm>> -> memref<16x90x112xi32, #tpu.memory_space<hbm>>
        %dma_wait3A_320 = arith.constant 0 : i32
        %dma_wait3A_321 = tpu.memref_slice %dma_wait3A_319[%arg1, %add3A_280, %dma_wait3A_320] : memref<16x90x112xi32, #tpu.memory_space<hbm>> -> memref<1x1x112xi32, #tpu.memory_space<hbm>>
        %dma_wait3A_322 = tpu.memref_squeeze %dma_wait3A_321 : memref<1x1x112xi32, #tpu.memory_space<hbm>> -> memref<112xi32, #tpu.memory_space<hbm>>
        tpu.wait_dma2 semaphore(%arg14 : memref<!tpu.dma_semaphore, #tpu.memory_space<semaphore_mem>>) src(%dma_wait3A_322 : memref<112xi32, #tpu.memory_space<hbm>>) dst(%dma_wait3A_314 : memref<112xi32, #tpu.memory_space<vmem>>)
        %run_scoped3A = arith.constant 0 : i32
        %run_scoped3A_323 = arith.constant 0 : i32
        "tpu.region"() ({
          %run_scoped3A_437 = tpu.sem_alloc : memref<!tpu.dma_semaphore, #tpu.memory_space<semaphore_mem>>
          %dma_start3A_438 = arith.constant 0 : i32
          %dma_start3A_439 = arith.constant 0 : i32
          %dma_start3A_440 = tpu.memref_slice %arg9[%run_scoped3A, %dma_start3A_438, %dma_start3A_439] : memref<3x112x128xf32, #tpu.memory_space<vmem>> -> memref<1x112x128xf32, #tpu.memory_space<vmem>>
          %dma_start3A_441 = tpu.memref_squeeze %dma_start3A_440 : memref<1x112x128xf32, #tpu.memory_space<vmem>> -> memref<112x128xf32, #tpu.memory_space<vmem>>
          %dma_start3A_442 = arith.constant 0 : i32
          %dma_start3A_443 = tpu.memref_slice %arg8[%run_scoped3A_323, %dma_start3A_442] : memref<3x112xi32, #tpu.memory_space<vmem>> -> memref<1x112xi32, #tpu.memory_space<vmem>>
          %dma_start3A_444 = tpu.memref_squeeze %dma_start3A_443 : memref<1x112xi32, #tpu.memory_space<vmem>> -> memref<112xi32, #tpu.memory_space<vmem>>
          %dma_start3A_445 = arith.constant 0 : i32
          %dma_start3A_446 = arith.constant 0 : i32
          %dma_start3A_447 = tpu.memref_slice %arg10[%dma_start3A_445, %dma_start3A_446] : memref<10112x128xf32, #tpu.memory_space<vmem_shared>> -> memref<10112x128xf32, #tpu.memory_space<vmem_shared>>
          tpu.enqueue_indirect_dma source(%dma_start3A_441 : memref<112x128xf32, #tpu.memory_space<vmem>>) target(%dma_start3A_447 : memref<10112x128xf32, #tpu.memory_space<vmem_shared>>) offsets(%dma_start3A_444 : memref<112xi32, #tpu.memory_space<vmem>>) semaphore(%run_scoped3A_437 : memref<!tpu.dma_semaphore, #tpu.memory_space<semaphore_mem>>) {add = true}
          %dma_wait3A_448 = arith.constant 0 : i32
          %dma_wait3A_449 = arith.constant 0 : i32
          %dma_wait3A_450 = tpu.memref_slice %arg9[%run_scoped3A, %dma_wait3A_448, %dma_wait3A_449] : memref<3x112x128xf32, #tpu.memory_space<vmem>> -> memref<1x112x128xf32, #tpu.memory_space<vmem>>
          %dma_wait3A_451 = tpu.memref_squeeze %dma_wait3A_450 : memref<1x112x128xf32, #tpu.memory_space<vmem>> -> memref<112x128xf32, #tpu.memory_space<vmem>>
          %dma_wait3A_452 = arith.constant 0 : i32
          %dma_wait3A_453 = tpu.memref_slice %arg8[%run_scoped3A_323, %dma_wait3A_452] : memref<3x112xi32, #tpu.memory_space<vmem>> -> memref<1x112xi32, #tpu.memory_space<vmem>>
          %dma_wait3A_454 = tpu.memref_squeeze %dma_wait3A_453 : memref<1x112xi32, #tpu.memory_space<vmem>> -> memref<112xi32, #tpu.memory_space<vmem>>
          %dma_wait3A_455 = arith.constant 0 : i32
          %dma_wait3A_456 = arith.constant 0 : i32
          %dma_wait3A_457 = tpu.memref_slice %arg10[%dma_wait3A_455, %dma_wait3A_456] : memref<10112x128xf32, #tpu.memory_space<vmem_shared>> -> memref<10112x128xf32, #tpu.memory_space<vmem_shared>>
          tpu.wait_indirect_dma semaphore(%run_scoped3A_437 : memref<!tpu.dma_semaphore, #tpu.memory_space<semaphore_mem>>) src(%dma_wait3A_451 : memref<112x128xf32, #tpu.memory_space<vmem>>) dst(%dma_wait3A_457 : memref<10112x128xf32, #tpu.memory_space<vmem_shared>>)
          tpu.yield
        }) : () -> ()
        %add3A_324 = arith.constant 3 : i32
        %add3A_325 = arith.addi %add3A_280, %add3A_324 : i32
        %lt3A_326 = arith.constant 90 : i32
        %lt3A_327 = arith.cmpi slt, %add3A_325, %lt3A_326 : i32
        %convert_element_type3A_328 = arith.extui %lt3A_327 : i1 to i32
        %cond3A_329 = arith.constant 0 : i32
        %cond3A_330 = arith.cmpi ne, %convert_element_type3A_328, %cond3A_329 : i32
        scf.if %cond3A_330 {
          %add3A_437 = arith.constant 3 : i32
          %add3A_438 = arith.addi %add3A_280, %add3A_437 : i32
          %dma_start3A_439 = arith.constant 0 : i32
          %dma_start3A_440 = arith.constant 0 : i32
          %dma_start3A_441 = tpu.memref_slice %arg8[%dma_start3A_439, %dma_start3A_440] : memref<3x112xi32, #tpu.memory_space<vmem>> -> memref<1x112xi32, #tpu.memory_space<vmem>>
          %dma_start3A_442 = tpu.memref_squeeze %dma_start3A_441 : memref<1x112xi32, #tpu.memory_space<vmem>> -> memref<112xi32, #tpu.memory_space<vmem>>
          %dma_start3A_443 = arith.constant 0 : i32
          %dma_start3A_444 = arith.constant 0 : i32
          %dma_start3A_445 = arith.constant 0 : i32
          %dma_start3A_446 = tpu.memref_slice %arg4[%cond3A_9, %dma_start3A_443, %dma_start3A_444, %dma_start3A_445] : memref<2x16x90x112xi32, #tpu.memory_space<hbm>> -> memref<1x16x90x112xi32, #tpu.memory_space<hbm>>
          %dma_start3A_447 = tpu.memref_squeeze %dma_start3A_446 : memref<1x16x90x112xi32, #tpu.memory_space<hbm>> -> memref<16x90x112xi32, #tpu.memory_space<hbm>>
          %dma_start3A_448 = arith.constant 0 : i32
          %dma_start3A_449 = tpu.memref_slice %dma_start3A_447[%arg1, %add3A_438, %dma_start3A_448] : memref<16x90x112xi32, #tpu.memory_space<hbm>> -> memref<1x1x112xi32, #tpu.memory_space<hbm>>
          %dma_start3A_450 = tpu.memref_squeeze %dma_start3A_449 : memref<1x1x112xi32, #tpu.memory_space<hbm>> -> memref<112xi32, #tpu.memory_space<hbm>>
          %dma_start3A_451 = arith.constant 0 : i32
          %dma_start3A_452 = tpu.memref_slice %arg8[%dma_start3A_439, %dma_start3A_451] : memref<3x112xi32, #tpu.memory_space<vmem>> -> memref<1x112xi32, #tpu.memory_space<vmem>>
          %dma_start3A_453 = tpu.memref_squeeze %dma_start3A_452 : memref<1x112xi32, #tpu.memory_space<vmem>> -> memref<112xi32, #tpu.memory_space<vmem>>
          %dma_start3A_454 = arith.constant 0 : i32
          %dma_start3A_455 = arith.constant 0 : i32
          %dma_start3A_456 = arith.constant 0 : i32
          %dma_start3A_457 = tpu.memref_slice %arg4[%cond3A_9, %dma_start3A_454, %dma_start3A_455, %dma_start3A_456] : memref<2x16x90x112xi32, #tpu.memory_space<hbm>> -> memref<1x16x90x112xi32, #tpu.memory_space<hbm>>
          %dma_start3A_458 = tpu.memref_squeeze %dma_start3A_457 : memref<1x16x90x112xi32, #tpu.memory_space<hbm>> -> memref<16x90x112xi32, #tpu.memory_space<hbm>>
          %dma_start3A_459 = arith.constant 0 : i32
          %dma_start3A_460 = tpu.memref_slice %dma_start3A_458[%arg1, %add3A_438, %dma_start3A_459] : memref<16x90x112xi32, #tpu.memory_space<hbm>> -> memref<1x1x112xi32, #tpu.memory_space<hbm>>
          %dma_start3A_461 = tpu.memref_squeeze %dma_start3A_460 : memref<1x1x112xi32, #tpu.memory_space<hbm>> -> memref<112xi32, #tpu.memory_space<hbm>>
          tpu.enqueue_dma source(%dma_start3A_461 : memref<112xi32, #tpu.memory_space<hbm>>) target(%dma_start3A_453 : memref<112xi32, #tpu.memory_space<vmem>>) target_semaphore(%arg14 : memref<!tpu.dma_semaphore, #tpu.memory_space<semaphore_mem>>)
          %add3A_462 = arith.constant 3 : i32
          %add3A_463 = arith.addi %add3A_280, %add3A_462 : i32
          %dma_wait3A_464 = arith.constant 0 : i32
          %dma_wait3A_465 = arith.constant 0 : i32
          %dma_wait3A_466 = tpu.memref_slice %arg7[%dma_wait3A_464, %dma_wait3A_465] : memref<3x112xi32, #tpu.memory_space<vmem>> -> memref<1x112xi32, #tpu.memory_space<vmem>>
          %dma_wait3A_467 = tpu.memref_squeeze %dma_wait3A_466 : memref<1x112xi32, #tpu.memory_space<vmem>> -> memref<112xi32, #tpu.memory_space<vmem>>
          %dma_wait3A_468 = arith.constant 0 : i32
          %dma_wait3A_469 = arith.constant 0 : i32
          %dma_wait3A_470 = arith.constant 0 : i32
          %dma_wait3A_471 = tpu.memref_slice %arg4[%cond3A_8, %dma_wait3A_468, %dma_wait3A_469, %dma_wait3A_470] : memref<2x16x90x112xi32, #tpu.memory_space<hbm>> -> memref<1x16x90x112xi32, #tpu.memory_space<hbm>>
          %dma_wait3A_472 = tpu.memref_squeeze %dma_wait3A_471 : memref<1x16x90x112xi32, #tpu.memory_space<hbm>> -> memref<16x90x112xi32, #tpu.memory_space<hbm>>
          %dma_wait3A_473 = arith.constant 0 : i32
          %dma_wait3A_474 = tpu.memref_slice %dma_wait3A_472[%arg1, %add3A_463, %dma_wait3A_473] : memref<16x90x112xi32, #tpu.memory_space<hbm>> -> memref<1x1x112xi32, #tpu.memory_space<hbm>>
          %dma_wait3A_475 = tpu.memref_squeeze %dma_wait3A_474 : memref<1x1x112xi32, #tpu.memory_space<hbm>> -> memref<112xi32, #tpu.memory_space<hbm>>
          %dma_wait3A_476 = arith.constant 0 : i32
          %dma_wait3A_477 = tpu.memref_slice %arg7[%dma_wait3A_464, %dma_wait3A_476] : memref<3x112xi32, #tpu.memory_space<vmem>> -> memref<1x112xi32, #tpu.memory_space<vmem>>
          %dma_wait3A_478 = tpu.memref_squeeze %dma_wait3A_477 : memref<1x112xi32, #tpu.memory_space<vmem>> -> memref<112xi32, #tpu.memory_space<vmem>>
          %dma_wait3A_479 = arith.constant 0 : i32
          %dma_wait3A_480 = arith.constant 0 : i32
          %dma_wait3A_481 = arith.constant 0 : i32
          %dma_wait3A_482 = tpu.memref_slice %arg4[%cond3A_8, %dma_wait3A_479, %dma_wait3A_480, %dma_wait3A_481] : memref<2x16x90x112xi32, #tpu.memory_space<hbm>> -> memref<1x16x90x112xi32, #tpu.memory_space<hbm>>
          %dma_wait3A_483 = tpu.memref_squeeze %dma_wait3A_482 : memref<1x16x90x112xi32, #tpu.memory_space<hbm>> -> memref<16x90x112xi32, #tpu.memory_space<hbm>>
          %dma_wait3A_484 = arith.constant 0 : i32
          %dma_wait3A_485 = tpu.memref_slice %dma_wait3A_483[%arg1, %add3A_463, %dma_wait3A_484] : memref<16x90x112xi32, #tpu.memory_space<hbm>> -> memref<1x1x112xi32, #tpu.memory_space<hbm>>
          %dma_wait3A_486 = tpu.memref_squeeze %dma_wait3A_485 : memref<1x1x112xi32, #tpu.memory_space<hbm>> -> memref<112xi32, #tpu.memory_space<hbm>>
          tpu.wait_dma2 semaphore(%arg11 : memref<!tpu.dma_semaphore, #tpu.memory_space<semaphore_mem>>) src(%dma_wait3A_486 : memref<112xi32, #tpu.memory_space<hbm>>) dst(%dma_wait3A_478 : memref<112xi32, #tpu.memory_space<vmem>>)
          %dma_start3A_487 = arith.constant 0 : i32
          %dma_start3A_488 = arith.constant 0 : i32
          %dma_start3A_489 = arith.constant 0 : i32
          %dma_start3A_490 = arith.constant 0 : i32
          %dma_start3A_491 = tpu.memref_slice %arg9[%dma_start3A_488, %dma_start3A_489, %dma_start3A_490] : memref<3x112x128xf32, #tpu.memory_space<vmem>> -> memref<1x112x128xf32, #tpu.memory_space<vmem>>
          %dma_start3A_492 = tpu.memref_squeeze %dma_start3A_491 : memref<1x112x128xf32, #tpu.memory_space<vmem>> -> memref<112x128xf32, #tpu.memory_space<vmem>>
          %dma_start3A_493 = arith.constant 0 : i32
          %dma_start3A_494 = tpu.memref_slice %arg7[%dma_start3A_487, %dma_start3A_493] : memref<3x112xi32, #tpu.memory_space<vmem>> -> memref<1x112xi32, #tpu.memory_space<vmem>>
          %dma_start3A_495 = tpu.memref_squeeze %dma_start3A_494 : memref<1x112xi32, #tpu.memory_space<vmem>> -> memref<112xi32, #tpu.memory_space<vmem>>
          %dma_start3A_496 = arith.constant 0 : i32
          %dma_start3A_497 = arith.constant 0 : i32
          %dma_start3A_498 = tpu.memref_slice %arg3[%dma_start3A_496, %dma_start3A_497] : memref<10000x128xf32, #tpu.memory_space<hbm>> -> memref<10000x128xf32, #tpu.memory_space<hbm>>
          tpu.enqueue_indirect_dma source(%dma_start3A_498 : memref<10000x128xf32, #tpu.memory_space<hbm>>) target(%dma_start3A_492 : memref<112x128xf32, #tpu.memory_space<vmem>>) offsets(%dma_start3A_495 : memref<112xi32, #tpu.memory_space<vmem>>) semaphore(%arg17 : memref<!tpu.dma_semaphore, #tpu.memory_space<semaphore_mem>>)
        } else {
        }
        %add3A_331 = arith.constant 1 : i32
        %add3A_332 = arith.addi %mul3A_279, %add3A_331 : i32
        %dma_wait3A_333 = arith.constant 1 : i32
        %dma_wait3A_334 = arith.constant 1 : i32
        %dma_wait3A_335 = arith.constant 0 : i32
        %dma_wait3A_336 = arith.constant 0 : i32
        %dma_wait3A_337 = tpu.memref_slice %arg9[%dma_wait3A_334, %dma_wait3A_335, %dma_wait3A_336] : memref<3x112x128xf32, #tpu.memory_space<vmem>> -> memref<1x112x128xf32, #tpu.memory_space<vmem>>
        %dma_wait3A_338 = tpu.memref_squeeze %dma_wait3A_337 : memref<1x112x128xf32, #tpu.memory_space<vmem>> -> memref<112x128xf32, #tpu.memory_space<vmem>>
        %dma_wait3A_339 = arith.constant 0 : i32
        %dma_wait3A_340 = tpu.memref_slice %arg7[%dma_wait3A_333, %dma_wait3A_339] : memref<3x112xi32, #tpu.memory_space<vmem>> -> memref<1x112xi32, #tpu.memory_space<vmem>>
        %dma_wait3A_341 = tpu.memref_squeeze %dma_wait3A_340 : memref<1x112xi32, #tpu.memory_space<vmem>> -> memref<112xi32, #tpu.memory_space<vmem>>
        %dma_wait3A_342 = arith.constant 0 : i32
        %dma_wait3A_343 = arith.constant 0 : i32
        %dma_wait3A_344 = tpu.memref_slice %arg3[%dma_wait3A_342, %dma_wait3A_343] : memref<10000x128xf32, #tpu.memory_space<hbm>> -> memref<10000x128xf32, #tpu.memory_space<hbm>>
        tpu.wait_indirect_dma semaphore(%arg18 : memref<!tpu.dma_semaphore, #tpu.memory_space<semaphore_mem>>) src(%dma_wait3A_344 : memref<10000x128xf32, #tpu.memory_space<hbm>>) dst(%dma_wait3A_338 : memref<112x128xf32, #tpu.memory_space<vmem>>)
        %add3A_345 = arith.constant 3 : i32
        %add3A_346 = arith.addi %add3A_332, %add3A_345 : i32
        %lt3A_347 = arith.constant 90 : i32
        %lt3A_348 = arith.cmpi slt, %add3A_346, %lt3A_347 : i32
        %convert_element_type3A_349 = arith.extui %lt3A_348 : i1 to i32
        %cond3A_350 = arith.constant 0 : i32
        %cond3A_351 = arith.cmpi ne, %convert_element_type3A_349, %cond3A_350 : i32
        scf.if %cond3A_351 {
          %add3A_437 = arith.constant 3 : i32
          %add3A_438 = arith.addi %add3A_332, %add3A_437 : i32
          %dma_start3A_439 = arith.constant 1 : i32
          %dma_start3A_440 = arith.constant 0 : i32
          %dma_start3A_441 = tpu.memref_slice %arg7[%dma_start3A_439, %dma_start3A_440] : memref<3x112xi32, #tpu.memory_space<vmem>> -> memref<1x112xi32, #tpu.memory_space<vmem>>
          %dma_start3A_442 = tpu.memref_squeeze %dma_start3A_441 : memref<1x112xi32, #tpu.memory_space<vmem>> -> memref<112xi32, #tpu.memory_space<vmem>>
          %dma_start3A_443 = arith.constant 0 : i32
          %dma_start3A_444 = arith.constant 0 : i32
          %dma_start3A_445 = arith.constant 0 : i32
          %dma_start3A_446 = tpu.memref_slice %arg4[%cond3A_8, %dma_start3A_443, %dma_start3A_444, %dma_start3A_445] : memref<2x16x90x112xi32, #tpu.memory_space<hbm>> -> memref<1x16x90x112xi32, #tpu.memory_space<hbm>>
          %dma_start3A_447 = tpu.memref_squeeze %dma_start3A_446 : memref<1x16x90x112xi32, #tpu.memory_space<hbm>> -> memref<16x90x112xi32, #tpu.memory_space<hbm>>
          %dma_start3A_448 = arith.constant 0 : i32
          %dma_start3A_449 = tpu.memref_slice %dma_start3A_447[%arg1, %add3A_438, %dma_start3A_448] : memref<16x90x112xi32, #tpu.memory_space<hbm>> -> memref<1x1x112xi32, #tpu.memory_space<hbm>>
          %dma_start3A_450 = tpu.memref_squeeze %dma_start3A_449 : memref<1x1x112xi32, #tpu.memory_space<hbm>> -> memref<112xi32, #tpu.memory_space<hbm>>
          %dma_start3A_451 = arith.constant 0 : i32
          %dma_start3A_452 = tpu.memref_slice %arg7[%dma_start3A_439, %dma_start3A_451] : memref<3x112xi32, #tpu.memory_space<vmem>> -> memref<1x112xi32, #tpu.memory_space<vmem>>
          %dma_start3A_453 = tpu.memref_squeeze %dma_start3A_452 : memref<1x112xi32, #tpu.memory_space<vmem>> -> memref<112xi32, #tpu.memory_space<vmem>>
          %dma_start3A_454 = arith.constant 0 : i32
          %dma_start3A_455 = arith.constant 0 : i32
          %dma_start3A_456 = arith.constant 0 : i32
          %dma_start3A_457 = tpu.memref_slice %arg4[%cond3A_8, %dma_start3A_454, %dma_start3A_455, %dma_start3A_456] : memref<2x16x90x112xi32, #tpu.memory_space<hbm>> -> memref<1x16x90x112xi32, #tpu.memory_space<hbm>>
          %dma_start3A_458 = tpu.memref_squeeze %dma_start3A_457 : memref<1x16x90x112xi32, #tpu.memory_space<hbm>> -> memref<16x90x112xi32, #tpu.memory_space<hbm>>
          %dma_start3A_459 = arith.constant 0 : i32
          %dma_start3A_460 = tpu.memref_slice %dma_start3A_458[%arg1, %add3A_438, %dma_start3A_459] : memref<16x90x112xi32, #tpu.memory_space<hbm>> -> memref<1x1x112xi32, #tpu.memory_space<hbm>>
          %dma_start3A_461 = tpu.memref_squeeze %dma_start3A_460 : memref<1x1x112xi32, #tpu.memory_space<hbm>> -> memref<112xi32, #tpu.memory_space<hbm>>
          tpu.enqueue_dma source(%dma_start3A_461 : memref<112xi32, #tpu.memory_space<hbm>>) target(%dma_start3A_453 : memref<112xi32, #tpu.memory_space<vmem>>) target_semaphore(%arg12 : memref<!tpu.dma_semaphore, #tpu.memory_space<semaphore_mem>>)
        } else {
        }
        %dma_wait3A_352 = arith.constant 1 : i32
        %dma_wait3A_353 = arith.constant 0 : i32
        %dma_wait3A_354 = tpu.memref_slice %arg8[%dma_wait3A_352, %dma_wait3A_353] : memref<3x112xi32, #tpu.memory_space<vmem>> -> memref<1x112xi32, #tpu.memory_space<vmem>>
        %dma_wait3A_355 = tpu.memref_squeeze %dma_wait3A_354 : memref<1x112xi32, #tpu.memory_space<vmem>> -> memref<112xi32, #tpu.memory_space<vmem>>
        %dma_wait3A_356 = arith.constant 0 : i32
        %dma_wait3A_357 = arith.constant 0 : i32
        %dma_wait3A_358 = arith.constant 0 : i32
        %dma_wait3A_359 = tpu.memref_slice %arg4[%cond3A_9, %dma_wait3A_356, %dma_wait3A_357, %dma_wait3A_358] : memref<2x16x90x112xi32, #tpu.memory_space<hbm>> -> memref<1x16x90x112xi32, #tpu.memory_space<hbm>>
        %dma_wait3A_360 = tpu.memref_squeeze %dma_wait3A_359 : memref<1x16x90x112xi32, #tpu.memory_space<hbm>> -> memref<16x90x112xi32, #tpu.memory_space<hbm>>
        %dma_wait3A_361 = arith.constant 0 : i32
        %dma_wait3A_362 = tpu.memref_slice %dma_wait3A_360[%arg1, %add3A_332, %dma_wait3A_361] : memref<16x90x112xi32, #tpu.memory_space<hbm>> -> memref<1x1x112xi32, #tpu.memory_space<hbm>>
        %dma_wait3A_363 = tpu.memref_squeeze %dma_wait3A_362 : memref<1x1x112xi32, #tpu.memory_space<hbm>> -> memref<112xi32, #tpu.memory_space<hbm>>
        %dma_wait3A_364 = arith.constant 0 : i32
        %dma_wait3A_365 = tpu.memref_slice %arg8[%dma_wait3A_352, %dma_wait3A_364] : memref<3x112xi32, #tpu.memory_space<vmem>> -> memref<1x112xi32, #tpu.memory_space<vmem>>
        %dma_wait3A_366 = tpu.memref_squeeze %dma_wait3A_365 : memref<1x112xi32, #tpu.memory_space<vmem>> -> memref<112xi32, #tpu.memory_space<vmem>>
        %dma_wait3A_367 = arith.constant 0 : i32
        %dma_wait3A_368 = arith.constant 0 : i32
        %dma_wait3A_369 = arith.constant 0 : i32
        %dma_wait3A_370 = tpu.memref_slice %arg4[%cond3A_9, %dma_wait3A_367, %dma_wait3A_368, %dma_wait3A_369] : memref<2x16x90x112xi32, #tpu.memory_space<hbm>> -> memref<1x16x90x112xi32, #tpu.memory_space<hbm>>
        %dma_wait3A_371 = tpu.memref_squeeze %dma_wait3A_370 : memref<1x16x90x112xi32, #tpu.memory_space<hbm>> -> memref<16x90x112xi32, #tpu.memory_space<hbm>>
        %dma_wait3A_372 = arith.constant 0 : i32
        %dma_wait3A_373 = tpu.memref_slice %dma_wait3A_371[%arg1, %add3A_332, %dma_wait3A_372] : memref<16x90x112xi32, #tpu.memory_space<hbm>> -> memref<1x1x112xi32, #tpu.memory_space<hbm>>
        %dma_wait3A_374 = tpu.memref_squeeze %dma_wait3A_373 : memref<1x1x112xi32, #tpu.memory_space<hbm>> -> memref<112xi32, #tpu.memory_space<hbm>>
        tpu.wait_dma2 semaphore(%arg15 : memref<!tpu.dma_semaphore, #tpu.memory_space<semaphore_mem>>) src(%dma_wait3A_374 : memref<112xi32, #tpu.memory_space<hbm>>) dst(%dma_wait3A_366 : memref<112xi32, #tpu.memory_space<vmem>>)
        %run_scoped3A_375 = arith.constant 1 : i32
        %run_scoped3A_376 = arith.constant 1 : i32
        "tpu.region"() ({
          %run_scoped3A_437 = tpu.sem_alloc : memref<!tpu.dma_semaphore, #tpu.memory_space<semaphore_mem>>
          %dma_start3A_438 = arith.constant 0 : i32
          %dma_start3A_439 = arith.constant 0 : i32
          %dma_start3A_440 = tpu.memref_slice %arg9[%run_scoped3A_375, %dma_start3A_438, %dma_start3A_439] : memref<3x112x128xf32, #tpu.memory_space<vmem>> -> memref<1x112x128xf32, #tpu.memory_space<vmem>>
          %dma_start3A_441 = tpu.memref_squeeze %dma_start3A_440 : memref<1x112x128xf32, #tpu.memory_space<vmem>> -> memref<112x128xf32, #tpu.memory_space<vmem>>
          %dma_start3A_442 = arith.constant 0 : i32
          %dma_start3A_443 = tpu.memref_slice %arg8[%run_scoped3A_376, %dma_start3A_442] : memref<3x112xi32, #tpu.memory_space<vmem>> -> memref<1x112xi32, #tpu.memory_space<vmem>>
          %dma_start3A_444 = tpu.memref_squeeze %dma_start3A_443 : memref<1x112xi32, #tpu.memory_space<vmem>> -> memref<112xi32, #tpu.memory_space<vmem>>
          %dma_start3A_445 = arith.constant 0 : i32
          %dma_start3A_446 = arith.constant 0 : i32
          %dma_start3A_447 = tpu.memref_slice %arg10[%dma_start3A_445, %dma_start3A_446] : memref<10112x128xf32, #tpu.memory_space<vmem_shared>> -> memref<10112x128xf32, #tpu.memory_space<vmem_shared>>
          tpu.enqueue_indirect_dma source(%dma_start3A_441 : memref<112x128xf32, #tpu.memory_space<vmem>>) target(%dma_start3A_447 : memref<10112x128xf32, #tpu.memory_space<vmem_shared>>) offsets(%dma_start3A_444 : memref<112xi32, #tpu.memory_space<vmem>>) semaphore(%run_scoped3A_437 : memref<!tpu.dma_semaphore, #tpu.memory_space<semaphore_mem>>) {add = true}
          %dma_wait3A_448 = arith.constant 0 : i32
          %dma_wait3A_449 = arith.constant 0 : i32
          %dma_wait3A_450 = tpu.memref_slice %arg9[%run_scoped3A_375, %dma_wait3A_448, %dma_wait3A_449] : memref<3x112x128xf32, #tpu.memory_space<vmem>> -> memref<1x112x128xf32, #tpu.memory_space<vmem>>
          %dma_wait3A_451 = tpu.memref_squeeze %dma_wait3A_450 : memref<1x112x128xf32, #tpu.memory_space<vmem>> -> memref<112x128xf32, #tpu.memory_space<vmem>>
          %dma_wait3A_452 = arith.constant 0 : i32
          %dma_wait3A_453 = tpu.memref_slice %arg8[%run_scoped3A_376, %dma_wait3A_452] : memref<3x112xi32, #tpu.memory_space<vmem>> -> memref<1x112xi32, #tpu.memory_space<vmem>>
          %dma_wait3A_454 = tpu.memref_squeeze %dma_wait3A_453 : memref<1x112xi32, #tpu.memory_space<vmem>> -> memref<112xi32, #tpu.memory_space<vmem>>
          %dma_wait3A_455 = arith.constant 0 : i32
          %dma_wait3A_456 = arith.constant 0 : i32
          %dma_wait3A_457 = tpu.memref_slice %arg10[%dma_wait3A_455, %dma_wait3A_456] : memref<10112x128xf32, #tpu.memory_space<vmem_shared>> -> memref<10112x128xf32, #tpu.memory_space<vmem_shared>>
          tpu.wait_indirect_dma semaphore(%run_scoped3A_437 : memref<!tpu.dma_semaphore, #tpu.memory_space<semaphore_mem>>) src(%dma_wait3A_451 : memref<112x128xf32, #tpu.memory_space<vmem>>) dst(%dma_wait3A_457 : memref<10112x128xf32, #tpu.memory_space<vmem_shared>>)
          tpu.yield
        }) : () -> ()
        %add3A_377 = arith.constant 3 : i32
        %add3A_378 = arith.addi %add3A_332, %add3A_377 : i32
        %lt3A_379 = arith.constant 90 : i32
        %lt3A_380 = arith.cmpi slt, %add3A_378, %lt3A_379 : i32
        %convert_element_type3A_381 = arith.extui %lt3A_380 : i1 to i32
        %cond3A_382 = arith.constant 0 : i32
        %cond3A_383 = arith.cmpi ne, %convert_element_type3A_381, %cond3A_382 : i32
        scf.if %cond3A_383 {
          %add3A_437 = arith.constant 3 : i32
          %add3A_438 = arith.addi %add3A_332, %add3A_437 : i32
          %dma_start3A_439 = arith.constant 1 : i32
          %dma_start3A_440 = arith.constant 0 : i32
          %dma_start3A_441 = tpu.memref_slice %arg8[%dma_start3A_439, %dma_start3A_440] : memref<3x112xi32, #tpu.memory_space<vmem>> -> memref<1x112xi32, #tpu.memory_space<vmem>>
          %dma_start3A_442 = tpu.memref_squeeze %dma_start3A_441 : memref<1x112xi32, #tpu.memory_space<vmem>> -> memref<112xi32, #tpu.memory_space<vmem>>
          %dma_start3A_443 = arith.constant 0 : i32
          %dma_start3A_444 = arith.constant 0 : i32
          %dma_start3A_445 = arith.constant 0 : i32
          %dma_start3A_446 = tpu.memref_slice %arg4[%cond3A_9, %dma_start3A_443, %dma_start3A_444, %dma_start3A_445] : memref<2x16x90x112xi32, #tpu.memory_space<hbm>> -> memref<1x16x90x112xi32, #tpu.memory_space<hbm>>
          %dma_start3A_447 = tpu.memref_squeeze %dma_start3A_446 : memref<1x16x90x112xi32, #tpu.memory_space<hbm>> -> memref<16x90x112xi32, #tpu.memory_space<hbm>>
          %dma_start3A_448 = arith.constant 0 : i32
          %dma_start3A_449 = tpu.memref_slice %dma_start3A_447[%arg1, %add3A_438, %dma_start3A_448] : memref<16x90x112xi32, #tpu.memory_space<hbm>> -> memref<1x1x112xi32, #tpu.memory_space<hbm>>
          %dma_start3A_450 = tpu.memref_squeeze %dma_start3A_449 : memref<1x1x112xi32, #tpu.memory_space<hbm>> -> memref<112xi32, #tpu.memory_space<hbm>>
          %dma_start3A_451 = arith.constant 0 : i32
          %dma_start3A_452 = tpu.memref_slice %arg8[%dma_start3A_439, %dma_start3A_451] : memref<3x112xi32, #tpu.memory_space<vmem>> -> memref<1x112xi32, #tpu.memory_space<vmem>>
          %dma_start3A_453 = tpu.memref_squeeze %dma_start3A_452 : memref<1x112xi32, #tpu.memory_space<vmem>> -> memref<112xi32, #tpu.memory_space<vmem>>
          %dma_start3A_454 = arith.constant 0 : i32
          %dma_start3A_455 = arith.constant 0 : i32
          %dma_start3A_456 = arith.constant 0 : i32
          %dma_start3A_457 = tpu.memref_slice %arg4[%cond3A_9, %dma_start3A_454, %dma_start3A_455, %dma_start3A_456] : memref<2x16x90x112xi32, #tpu.memory_space<hbm>> -> memref<1x16x90x112xi32, #tpu.memory_space<hbm>>
          %dma_start3A_458 = tpu.memref_squeeze %dma_start3A_457 : memref<1x16x90x112xi32, #tpu.memory_space<hbm>> -> memref<16x90x112xi32, #tpu.memory_space<hbm>>
          %dma_start3A_459 = arith.constant 0 : i32
          %dma_start3A_460 = tpu.memref_slice %dma_start3A_458[%arg1, %add3A_438, %dma_start3A_459] : memref<16x90x112xi32, #tpu.memory_space<hbm>> -> memref<1x1x112xi32, #tpu.memory_space<hbm>>
          %dma_start3A_461 = tpu.memref_squeeze %dma_start3A_460 : memref<1x1x112xi32, #tpu.memory_space<hbm>> -> memref<112xi32, #tpu.memory_space<hbm>>
          tpu.enqueue_dma source(%dma_start3A_461 : memref<112xi32, #tpu.memory_space<hbm>>) target(%dma_start3A_453 : memref<112xi32, #tpu.memory_space<vmem>>) target_semaphore(%arg15 : memref<!tpu.dma_semaphore, #tpu.memory_space<semaphore_mem>>)
          %add3A_462 = arith.constant 3 : i32
          %add3A_463 = arith.addi %add3A_332, %add3A_462 : i32
          %dma_wait3A_464 = arith.constant 1 : i32
          %dma_wait3A_465 = arith.constant 0 : i32
          %dma_wait3A_466 = tpu.memref_slice %arg7[%dma_wait3A_464, %dma_wait3A_465] : memref<3x112xi32, #tpu.memory_space<vmem>> -> memref<1x112xi32, #tpu.memory_space<vmem>>
          %dma_wait3A_467 = tpu.memref_squeeze %dma_wait3A_466 : memref<1x112xi32, #tpu.memory_space<vmem>> -> memref<112xi32, #tpu.memory_space<vmem>>
          %dma_wait3A_468 = arith.constant 0 : i32
          %dma_wait3A_469 = arith.constant 0 : i32
          %dma_wait3A_470 = arith.constant 0 : i32
          %dma_wait3A_471 = tpu.memref_slice %arg4[%cond3A_8, %dma_wait3A_468, %dma_wait3A_469, %dma_wait3A_470] : memref<2x16x90x112xi32, #tpu.memory_space<hbm>> -> memref<1x16x90x112xi32, #tpu.memory_space<hbm>>
          %dma_wait3A_472 = tpu.memref_squeeze %dma_wait3A_471 : memref<1x16x90x112xi32, #tpu.memory_space<hbm>> -> memref<16x90x112xi32, #tpu.memory_space<hbm>>
          %dma_wait3A_473 = arith.constant 0 : i32
          %dma_wait3A_474 = tpu.memref_slice %dma_wait3A_472[%arg1, %add3A_463, %dma_wait3A_473] : memref<16x90x112xi32, #tpu.memory_space<hbm>> -> memref<1x1x112xi32, #tpu.memory_space<hbm>>
          %dma_wait3A_475 = tpu.memref_squeeze %dma_wait3A_474 : memref<1x1x112xi32, #tpu.memory_space<hbm>> -> memref<112xi32, #tpu.memory_space<hbm>>
          %dma_wait3A_476 = arith.constant 0 : i32
          %dma_wait3A_477 = tpu.memref_slice %arg7[%dma_wait3A_464, %dma_wait3A_476] : memref<3x112xi32, #tpu.memory_space<vmem>> -> memref<1x112xi32, #tpu.memory_space<vmem>>
          %dma_wait3A_478 = tpu.memref_squeeze %dma_wait3A_477 : memref<1x112xi32, #tpu.memory_space<vmem>> -> memref<112xi32, #tpu.memory_space<vmem>>
          %dma_wait3A_479 = arith.constant 0 : i32
          %dma_wait3A_480 = arith.constant 0 : i32
          %dma_wait3A_481 = arith.constant 0 : i32
          %dma_wait3A_482 = tpu.memref_slice %arg4[%cond3A_8, %dma_wait3A_479, %dma_wait3A_480, %dma_wait3A_481] : memref<2x16x90x112xi32, #tpu.memory_space<hbm>> -> memref<1x16x90x112xi32, #tpu.memory_space<hbm>>
          %dma_wait3A_483 = tpu.memref_squeeze %dma_wait3A_482 : memref<1x16x90x112xi32, #tpu.memory_space<hbm>> -> memref<16x90x112xi32, #tpu.memory_space<hbm>>
          %dma_wait3A_484 = arith.constant 0 : i32
          %dma_wait3A_485 = tpu.memref_slice %dma_wait3A_483[%arg1, %add3A_463, %dma_wait3A_484] : memref<16x90x112xi32, #tpu.memory_space<hbm>> -> memref<1x1x112xi32, #tpu.memory_space<hbm>>
          %dma_wait3A_486 = tpu.memref_squeeze %dma_wait3A_485 : memref<1x1x112xi32, #tpu.memory_space<hbm>> -> memref<112xi32, #tpu.memory_space<hbm>>
          tpu.wait_dma2 semaphore(%arg12 : memref<!tpu.dma_semaphore, #tpu.memory_space<semaphore_mem>>) src(%dma_wait3A_486 : memref<112xi32, #tpu.memory_space<hbm>>) dst(%dma_wait3A_478 : memref<112xi32, #tpu.memory_space<vmem>>)
          %dma_start3A_487 = arith.constant 1 : i32
          %dma_start3A_488 = arith.constant 1 : i32
          %dma_start3A_489 = arith.constant 0 : i32
          %dma_start3A_490 = arith.constant 0 : i32
          %dma_start3A_491 = tpu.memref_slice %arg9[%dma_start3A_488, %dma_start3A_489, %dma_start3A_490] : memref<3x112x128xf32, #tpu.memory_space<vmem>> -> memref<1x112x128xf32, #tpu.memory_space<vmem>>
          %dma_start3A_492 = tpu.memref_squeeze %dma_start3A_491 : memref<1x112x128xf32, #tpu.memory_space<vmem>> -> memref<112x128xf32, #tpu.memory_space<vmem>>
          %dma_start3A_493 = arith.constant 0 : i32
          %dma_start3A_494 = tpu.memref_slice %arg7[%dma_start3A_487, %dma_start3A_493] : memref<3x112xi32, #tpu.memory_space<vmem>> -> memref<1x112xi32, #tpu.memory_space<vmem>>
          %dma_start3A_495 = tpu.memref_squeeze %dma_start3A_494 : memref<1x112xi32, #tpu.memory_space<vmem>> -> memref<112xi32, #tpu.memory_space<vmem>>
          %dma_start3A_496 = arith.constant 0 : i32
          %dma_start3A_497 = arith.constant 0 : i32
          %dma_start3A_498 = tpu.memref_slice %arg3[%dma_start3A_496, %dma_start3A_497] : memref<10000x128xf32, #tpu.memory_space<hbm>> -> memref<10000x128xf32, #tpu.memory_space<hbm>>
          tpu.enqueue_indirect_dma source(%dma_start3A_498 : memref<10000x128xf32, #tpu.memory_space<hbm>>) target(%dma_start3A_492 : memref<112x128xf32, #tpu.memory_space<vmem>>) offsets(%dma_start3A_495 : memref<112xi32, #tpu.memory_space<vmem>>) semaphore(%arg18 : memref<!tpu.dma_semaphore, #tpu.memory_space<semaphore_mem>>)
        } else {
        }
        %add3A_384 = arith.constant 2 : i32
        %add3A_385 = arith.addi %mul3A_279, %add3A_384 : i32
        %dma_wait3A_386 = arith.constant 2 : i32
        %dma_wait3A_387 = arith.constant 2 : i32
        %dma_wait3A_388 = arith.constant 0 : i32
        %dma_wait3A_389 = arith.constant 0 : i32
        %dma_wait3A_390 = tpu.memref_slice %arg9[%dma_wait3A_387, %dma_wait3A_388, %dma_wait3A_389] : memref<3x112x128xf32, #tpu.memory_space<vmem>> -> memref<1x112x128xf32, #tpu.memory_space<vmem>>
        %dma_wait3A_391 = tpu.memref_squeeze %dma_wait3A_390 : memref<1x112x128xf32, #tpu.memory_space<vmem>> -> memref<112x128xf32, #tpu.memory_space<vmem>>
        %dma_wait3A_392 = arith.constant 0 : i32
        %dma_wait3A_393 = tpu.memref_slice %arg7[%dma_wait3A_386, %dma_wait3A_392] : memref<3x112xi32, #tpu.memory_space<vmem>> -> memref<1x112xi32, #tpu.memory_space<vmem>>
        %dma_wait3A_394 = tpu.memref_squeeze %dma_wait3A_393 : memref<1x112xi32, #tpu.memory_space<vmem>> -> memref<112xi32, #tpu.memory_space<vmem>>
        %dma_wait3A_395 = arith.constant 0 : i32
        %dma_wait3A_396 = arith.constant 0 : i32
        %dma_wait3A_397 = tpu.memref_slice %arg3[%dma_wait3A_395, %dma_wait3A_396] : memref<10000x128xf32, #tpu.memory_space<hbm>> -> memref<10000x128xf32, #tpu.memory_space<hbm>>
        tpu.wait_indirect_dma semaphore(%arg19 : memref<!tpu.dma_semaphore, #tpu.memory_space<semaphore_mem>>) src(%dma_wait3A_397 : memref<10000x128xf32, #tpu.memory_space<hbm>>) dst(%dma_wait3A_391 : memref<112x128xf32, #tpu.memory_space<vmem>>)
        %add3A_398 = arith.constant 3 : i32
        %add3A_399 = arith.addi %add3A_385, %add3A_398 : i32
        %lt3A_400 = arith.constant 90 : i32
        %lt3A_401 = arith.cmpi slt, %add3A_399, %lt3A_400 : i32
        %convert_element_type3A_402 = arith.extui %lt3A_401 : i1 to i32
        %cond3A_403 = arith.constant 0 : i32
        %cond3A_404 = arith.cmpi ne, %convert_element_type3A_402, %cond3A_403 : i32
        scf.if %cond3A_404 {
          %add3A_437 = arith.constant 3 : i32
          %add3A_438 = arith.addi %add3A_385, %add3A_437 : i32
          %dma_start3A_439 = arith.constant 2 : i32
          %dma_start3A_440 = arith.constant 0 : i32
          %dma_start3A_441 = tpu.memref_slice %arg7[%dma_start3A_439, %dma_start3A_440] : memref<3x112xi32, #tpu.memory_space<vmem>> -> memref<1x112xi32, #tpu.memory_space<vmem>>
          %dma_start3A_442 = tpu.memref_squeeze %dma_start3A_441 : memref<1x112xi32, #tpu.memory_space<vmem>> -> memref<112xi32, #tpu.memory_space<vmem>>
          %dma_start3A_443 = arith.constant 0 : i32
          %dma_start3A_444 = arith.constant 0 : i32
          %dma_start3A_445 = arith.constant 0 : i32
          %dma_start3A_446 = tpu.memref_slice %arg4[%cond3A_8, %dma_start3A_443, %dma_start3A_444, %dma_start3A_445] : memref<2x16x90x112xi32, #tpu.memory_space<hbm>> -> memref<1x16x90x112xi32, #tpu.memory_space<hbm>>
          %dma_start3A_447 = tpu.memref_squeeze %dma_start3A_446 : memref<1x16x90x112xi32, #tpu.memory_space<hbm>> -> memref<16x90x112xi32, #tpu.memory_space<hbm>>
          %dma_start3A_448 = arith.constant 0 : i32
          %dma_start3A_449 = tpu.memref_slice %dma_start3A_447[%arg1, %add3A_438, %dma_start3A_448] : memref<16x90x112xi32, #tpu.memory_space<hbm>> -> memref<1x1x112xi32, #tpu.memory_space<hbm>>
          %dma_start3A_450 = tpu.memref_squeeze %dma_start3A_449 : memref<1x1x112xi32, #tpu.memory_space<hbm>> -> memref<112xi32, #tpu.memory_space<hbm>>
          %dma_start3A_451 = arith.constant 0 : i32
          %dma_start3A_452 = tpu.memref_slice %arg7[%dma_start3A_439, %dma_start3A_451] : memref<3x112xi32, #tpu.memory_space<vmem>> -> memref<1x112xi32, #tpu.memory_space<vmem>>
          %dma_start3A_453 = tpu.memref_squeeze %dma_start3A_452 : memref<1x112xi32, #tpu.memory_space<vmem>> -> memref<112xi32, #tpu.memory_space<vmem>>
          %dma_start3A_454 = arith.constant 0 : i32
          %dma_start3A_455 = arith.constant 0 : i32
          %dma_start3A_456 = arith.constant 0 : i32
          %dma_start3A_457 = tpu.memref_slice %arg4[%cond3A_8, %dma_start3A_454, %dma_start3A_455, %dma_start3A_456] : memref<2x16x90x112xi32, #tpu.memory_space<hbm>> -> memref<1x16x90x112xi32, #tpu.memory_space<hbm>>
          %dma_start3A_458 = tpu.memref_squeeze %dma_start3A_457 : memref<1x16x90x112xi32, #tpu.memory_space<hbm>> -> memref<16x90x112xi32, #tpu.memory_space<hbm>>
          %dma_start3A_459 = arith.constant 0 : i32
          %dma_start3A_460 = tpu.memref_slice %dma_start3A_458[%arg1, %add3A_438, %dma_start3A_459] : memref<16x90x112xi32, #tpu.memory_space<hbm>> -> memref<1x1x112xi32, #tpu.memory_space<hbm>>
          %dma_start3A_461 = tpu.memref_squeeze %dma_start3A_460 : memref<1x1x112xi32, #tpu.memory_space<hbm>> -> memref<112xi32, #tpu.memory_space<hbm>>
          tpu.enqueue_dma source(%dma_start3A_461 : memref<112xi32, #tpu.memory_space<hbm>>) target(%dma_start3A_453 : memref<112xi32, #tpu.memory_space<vmem>>) target_semaphore(%arg13 : memref<!tpu.dma_semaphore, #tpu.memory_space<semaphore_mem>>)
        } else {
        }
        %dma_wait3A_405 = arith.constant 2 : i32
        %dma_wait3A_406 = arith.constant 0 : i32
        %dma_wait3A_407 = tpu.memref_slice %arg8[%dma_wait3A_405, %dma_wait3A_406] : memref<3x112xi32, #tpu.memory_space<vmem>> -> memref<1x112xi32, #tpu.memory_space<vmem>>
        %dma_wait3A_408 = tpu.memref_squeeze %dma_wait3A_407 : memref<1x112xi32, #tpu.memory_space<vmem>> -> memref<112xi32, #tpu.memory_space<vmem>>
        %dma_wait3A_409 = arith.constant 0 : i32
        %dma_wait3A_410 = arith.constant 0 : i32
        %dma_wait3A_411 = arith.constant 0 : i32
        %dma_wait3A_412 = tpu.memref_slice %arg4[%cond3A_9, %dma_wait3A_409, %dma_wait3A_410, %dma_wait3A_411] : memref<2x16x90x112xi32, #tpu.memory_space<hbm>> -> memref<1x16x90x112xi32, #tpu.memory_space<hbm>>
        %dma_wait3A_413 = tpu.memref_squeeze %dma_wait3A_412 : memref<1x16x90x112xi32, #tpu.memory_space<hbm>> -> memref<16x90x112xi32, #tpu.memory_space<hbm>>
        %dma_wait3A_414 = arith.constant 0 : i32
        %dma_wait3A_415 = tpu.memref_slice %dma_wait3A_413[%arg1, %add3A_385, %dma_wait3A_414] : memref<16x90x112xi32, #tpu.memory_space<hbm>> -> memref<1x1x112xi32, #tpu.memory_space<hbm>>
        %dma_wait3A_416 = tpu.memref_squeeze %dma_wait3A_415 : memref<1x1x112xi32, #tpu.memory_space<hbm>> -> memref<112xi32, #tpu.memory_space<hbm>>
        %dma_wait3A_417 = arith.constant 0 : i32
        %dma_wait3A_418 = tpu.memref_slice %arg8[%dma_wait3A_405, %dma_wait3A_417] : memref<3x112xi32, #tpu.memory_space<vmem>> -> memref<1x112xi32, #tpu.memory_space<vmem>>
        %dma_wait3A_419 = tpu.memref_squeeze %dma_wait3A_418 : memref<1x112xi32, #tpu.memory_space<vmem>> -> memref<112xi32, #tpu.memory_space<vmem>>
        %dma_wait3A_420 = arith.constant 0 : i32
        %dma_wait3A_421 = arith.constant 0 : i32
        %dma_wait3A_422 = arith.constant 0 : i32
        %dma_wait3A_423 = tpu.memref_slice %arg4[%cond3A_9, %dma_wait3A_420, %dma_wait3A_421, %dma_wait3A_422] : memref<2x16x90x112xi32, #tpu.memory_space<hbm>> -> memref<1x16x90x112xi32, #tpu.memory_space<hbm>>
        %dma_wait3A_424 = tpu.memref_squeeze %dma_wait3A_423 : memref<1x16x90x112xi32, #tpu.memory_space<hbm>> -> memref<16x90x112xi32, #tpu.memory_space<hbm>>
        %dma_wait3A_425 = arith.constant 0 : i32
        %dma_wait3A_426 = tpu.memref_slice %dma_wait3A_424[%arg1, %add3A_385, %dma_wait3A_425] : memref<16x90x112xi32, #tpu.memory_space<hbm>> -> memref<1x1x112xi32, #tpu.memory_space<hbm>>
        %dma_wait3A_427 = tpu.memref_squeeze %dma_wait3A_426 : memref<1x1x112xi32, #tpu.memory_space<hbm>> -> memref<112xi32, #tpu.memory_space<hbm>>
        tpu.wait_dma2 semaphore(%arg16 : memref<!tpu.dma_semaphore, #tpu.memory_space<semaphore_mem>>) src(%dma_wait3A_427 : memref<112xi32, #tpu.memory_space<hbm>>) dst(%dma_wait3A_419 : memref<112xi32, #tpu.memory_space<vmem>>)
        %run_scoped3A_428 = arith.constant 2 : i32
        %run_scoped3A_429 = arith.constant 2 : i32
        "tpu.region"() ({
          %run_scoped3A_437 = tpu.sem_alloc : memref<!tpu.dma_semaphore, #tpu.memory_space<semaphore_mem>>
          %dma_start3A_438 = arith.constant 0 : i32
          %dma_start3A_439 = arith.constant 0 : i32
          %dma_start3A_440 = tpu.memref_slice %arg9[%run_scoped3A_428, %dma_start3A_438, %dma_start3A_439] : memref<3x112x128xf32, #tpu.memory_space<vmem>> -> memref<1x112x128xf32, #tpu.memory_space<vmem>>
          %dma_start3A_441 = tpu.memref_squeeze %dma_start3A_440 : memref<1x112x128xf32, #tpu.memory_space<vmem>> -> memref<112x128xf32, #tpu.memory_space<vmem>>
          %dma_start3A_442 = arith.constant 0 : i32
          %dma_start3A_443 = tpu.memref_slice %arg8[%run_scoped3A_429, %dma_start3A_442] : memref<3x112xi32, #tpu.memory_space<vmem>> -> memref<1x112xi32, #tpu.memory_space<vmem>>
          %dma_start3A_444 = tpu.memref_squeeze %dma_start3A_443 : memref<1x112xi32, #tpu.memory_space<vmem>> -> memref<112xi32, #tpu.memory_space<vmem>>
          %dma_start3A_445 = arith.constant 0 : i32
          %dma_start3A_446 = arith.constant 0 : i32
          %dma_start3A_447 = tpu.memref_slice %arg10[%dma_start3A_445, %dma_start3A_446] : memref<10112x128xf32, #tpu.memory_space<vmem_shared>> -> memref<10112x128xf32, #tpu.memory_space<vmem_shared>>
          tpu.enqueue_indirect_dma source(%dma_start3A_441 : memref<112x128xf32, #tpu.memory_space<vmem>>) target(%dma_start3A_447 : memref<10112x128xf32, #tpu.memory_space<vmem_shared>>) offsets(%dma_start3A_444 : memref<112xi32, #tpu.memory_space<vmem>>) semaphore(%run_scoped3A_437 : memref<!tpu.dma_semaphore, #tpu.memory_space<semaphore_mem>>) {add = true}
          %dma_wait3A_448 = arith.constant 0 : i32
          %dma_wait3A_449 = arith.constant 0 : i32
          %dma_wait3A_450 = tpu.memref_slice %arg9[%run_scoped3A_428, %dma_wait3A_448, %dma_wait3A_449] : memref<3x112x128xf32, #tpu.memory_space<vmem>> -> memref<1x112x128xf32, #tpu.memory_space<vmem>>
          %dma_wait3A_451 = tpu.memref_squeeze %dma_wait3A_450 : memref<1x112x128xf32, #tpu.memory_space<vmem>> -> memref<112x128xf32, #tpu.memory_space<vmem>>
          %dma_wait3A_452 = arith.constant 0 : i32
          %dma_wait3A_453 = tpu.memref_slice %arg8[%run_scoped3A_429, %dma_wait3A_452] : memref<3x112xi32, #tpu.memory_space<vmem>> -> memref<1x112xi32, #tpu.memory_space<vmem>>
          %dma_wait3A_454 = tpu.memref_squeeze %dma_wait3A_453 : memref<1x112xi32, #tpu.memory_space<vmem>> -> memref<112xi32, #tpu.memory_space<vmem>>
          %dma_wait3A_455 = arith.constant 0 : i32
          %dma_wait3A_456 = arith.constant 0 : i32
          %dma_wait3A_457 = tpu.memref_slice %arg10[%dma_wait3A_455, %dma_wait3A_456] : memref<10112x128xf32, #tpu.memory_space<vmem_shared>> -> memref<10112x128xf32, #tpu.memory_space<vmem_shared>>
          tpu.wait_indirect_dma semaphore(%run_scoped3A_437 : memref<!tpu.dma_semaphore, #tpu.memory_space<semaphore_mem>>) src(%dma_wait3A_451 : memref<112x128xf32, #tpu.memory_space<vmem>>) dst(%dma_wait3A_457 : memref<10112x128xf32, #tpu.memory_space<vmem_shared>>)
          tpu.yield
        }) : () -> ()
        %add3A_430 = arith.constant 3 : i32
        %add3A_431 = arith.addi %add3A_385, %add3A_430 : i32
        %lt3A_432 = arith.constant 90 : i32
        %lt3A_433 = arith.cmpi slt, %add3A_431, %lt3A_432 : i32
        %convert_element_type3A_434 = arith.extui %lt3A_433 : i1 to i32
        %cond3A_435 = arith.constant 0 : i32
        %cond3A_436 = arith.cmpi ne, %convert_element_type3A_434, %cond3A_435 : i32
        scf.if %cond3A_436 {
          %add3A_437 = arith.constant 3 : i32
          %add3A_438 = arith.addi %add3A_385, %add3A_437 : i32
          %dma_start3A_439 = arith.constant 2 : i32
          %dma_start3A_440 = arith.constant 0 : i32
          %dma_start3A_441 = tpu.memref_slice %arg8[%dma_start3A_439, %dma_start3A_440] : memref<3x112xi32, #tpu.memory_space<vmem>> -> memref<1x112xi32, #tpu.memory_space<vmem>>
          %dma_start3A_442 = tpu.memref_squeeze %dma_start3A_441 : memref<1x112xi32, #tpu.memory_space<vmem>> -> memref<112xi32, #tpu.memory_space<vmem>>
          %dma_start3A_443 = arith.constant 0 : i32
          %dma_start3A_444 = arith.constant 0 : i32
          %dma_start3A_445 = arith.constant 0 : i32
          %dma_start3A_446 = tpu.memref_slice %arg4[%cond3A_9, %dma_start3A_443, %dma_start3A_444, %dma_start3A_445] : memref<2x16x90x112xi32, #tpu.memory_space<hbm>> -> memref<1x16x90x112xi32, #tpu.memory_space<hbm>>
          %dma_start3A_447 = tpu.memref_squeeze %dma_start3A_446 : memref<1x16x90x112xi32, #tpu.memory_space<hbm>> -> memref<16x90x112xi32, #tpu.memory_space<hbm>>
          %dma_start3A_448 = arith.constant 0 : i32
          %dma_start3A_449 = tpu.memref_slice %dma_start3A_447[%arg1, %add3A_438, %dma_start3A_448] : memref<16x90x112xi32, #tpu.memory_space<hbm>> -> memref<1x1x112xi32, #tpu.memory_space<hbm>>
          %dma_start3A_450 = tpu.memref_squeeze %dma_start3A_449 : memref<1x1x112xi32, #tpu.memory_space<hbm>> -> memref<112xi32, #tpu.memory_space<hbm>>
          %dma_start3A_451 = arith.constant 0 : i32
          %dma_start3A_452 = tpu.memref_slice %arg8[%dma_start3A_439, %dma_start3A_451] : memref<3x112xi32, #tpu.memory_space<vmem>> -> memref<1x112xi32, #tpu.memory_space<vmem>>
          %dma_start3A_453 = tpu.memref_squeeze %dma_start3A_452 : memref<1x112xi32, #tpu.memory_space<vmem>> -> memref<112xi32, #tpu.memory_space<vmem>>
          %dma_start3A_454 = arith.constant 0 : i32
          %dma_start3A_455 = arith.constant 0 : i32
          %dma_start3A_456 = arith.constant 0 : i32
          %dma_start3A_457 = tpu.memref_slice %arg4[%cond3A_9, %dma_start3A_454, %dma_start3A_455, %dma_start3A_456] : memref<2x16x90x112xi32, #tpu.memory_space<hbm>> -> memref<1x16x90x112xi32, #tpu.memory_space<hbm>>
          %dma_start3A_458 = tpu.memref_squeeze %dma_start3A_457 : memref<1x16x90x112xi32, #tpu.memory_space<hbm>> -> memref<16x90x112xi32, #tpu.memory_space<hbm>>
          %dma_start3A_459 = arith.constant 0 : i32
          %dma_start3A_460 = tpu.memref_slice %dma_start3A_458[%arg1, %add3A_438, %dma_start3A_459] : memref<16x90x112xi32, #tpu.memory_space<hbm>> -> memref<1x1x112xi32, #tpu.memory_space<hbm>>
          %dma_start3A_461 = tpu.memref_squeeze %dma_start3A_460 : memref<1x1x112xi32, #tpu.memory_space<hbm>> -> memref<112xi32, #tpu.memory_space<hbm>>
          tpu.enqueue_dma source(%dma_start3A_461 : memref<112xi32, #tpu.memory_space<hbm>>) target(%dma_start3A_453 : memref<112xi32, #tpu.memory_space<vmem>>) target_semaphore(%arg16 : memref<!tpu.dma_semaphore, #tpu.memory_space<semaphore_mem>>)
          %add3A_462 = arith.constant 3 : i32
          %add3A_463 = arith.addi %add3A_385, %add3A_462 : i32
          %dma_wait3A_464 = arith.constant 2 : i32
          %dma_wait3A_465 = arith.constant 0 : i32
          %dma_wait3A_466 = tpu.memref_slice %arg7[%dma_wait3A_464, %dma_wait3A_465] : memref<3x112xi32, #tpu.memory_space<vmem>> -> memref<1x112xi32, #tpu.memory_space<vmem>>
          %dma_wait3A_467 = tpu.memref_squeeze %dma_wait3A_466 : memref<1x112xi32, #tpu.memory_space<vmem>> -> memref<112xi32, #tpu.memory_space<vmem>>
          %dma_wait3A_468 = arith.constant 0 : i32
          %dma_wait3A_469 = arith.constant 0 : i32
          %dma_wait3A_470 = arith.constant 0 : i32
          %dma_wait3A_471 = tpu.memref_slice %arg4[%cond3A_8, %dma_wait3A_468, %dma_wait3A_469, %dma_wait3A_470] : memref<2x16x90x112xi32, #tpu.memory_space<hbm>> -> memref<1x16x90x112xi32, #tpu.memory_space<hbm>>
          %dma_wait3A_472 = tpu.memref_squeeze %dma_wait3A_471 : memref<1x16x90x112xi32, #tpu.memory_space<hbm>> -> memref<16x90x112xi32, #tpu.memory_space<hbm>>
          %dma_wait3A_473 = arith.constant 0 : i32
          %dma_wait3A_474 = tpu.memref_slice %dma_wait3A_472[%arg1, %add3A_463, %dma_wait3A_473] : memref<16x90x112xi32, #tpu.memory_space<hbm>> -> memref<1x1x112xi32, #tpu.memory_space<hbm>>
          %dma_wait3A_475 = tpu.memref_squeeze %dma_wait3A_474 : memref<1x1x112xi32, #tpu.memory_space<hbm>> -> memref<112xi32, #tpu.memory_space<hbm>>
          %dma_wait3A_476 = arith.constant 0 : i32
          %dma_wait3A_477 = tpu.memref_slice %arg7[%dma_wait3A_464, %dma_wait3A_476] : memref<3x112xi32, #tpu.memory_space<vmem>> -> memref<1x112xi32, #tpu.memory_space<vmem>>
          %dma_wait3A_478 = tpu.memref_squeeze %dma_wait3A_477 : memref<1x112xi32, #tpu.memory_space<vmem>> -> memref<112xi32, #tpu.memory_space<vmem>>
          %dma_wait3A_479 = arith.constant 0 : i32
          %dma_wait3A_480 = arith.constant 0 : i32
          %dma_wait3A_481 = arith.constant 0 : i32
          %dma_wait3A_482 = tpu.memref_slice %arg4[%cond3A_8, %dma_wait3A_479, %dma_wait3A_480, %dma_wait3A_481] : memref<2x16x90x112xi32, #tpu.memory_space<hbm>> -> memref<1x16x90x112xi32, #tpu.memory_space<hbm>>
          %dma_wait3A_483 = tpu.memref_squeeze %dma_wait3A_482 : memref<1x16x90x112xi32, #tpu.memory_space<hbm>> -> memref<16x90x112xi32, #tpu.memory_space<hbm>>
          %dma_wait3A_484 = arith.constant 0 : i32
          %dma_wait3A_485 = tpu.memref_slice %dma_wait3A_483[%arg1, %add3A_463, %dma_wait3A_484] : memref<16x90x112xi32, #tpu.memory_space<hbm>> -> memref<1x1x112xi32, #tpu.memory_space<hbm>>
          %dma_wait3A_486 = tpu.memref_squeeze %dma_wait3A_485 : memref<1x1x112xi32, #tpu.memory_space<hbm>> -> memref<112xi32, #tpu.memory_space<hbm>>
          tpu.wait_dma2 semaphore(%arg13 : memref<!tpu.dma_semaphore, #tpu.memory_space<semaphore_mem>>) src(%dma_wait3A_486 : memref<112xi32, #tpu.memory_space<hbm>>) dst(%dma_wait3A_478 : memref<112xi32, #tpu.memory_space<vmem>>)
          %dma_start3A_487 = arith.constant 2 : i32
          %dma_start3A_488 = arith.constant 2 : i32
          %dma_start3A_489 = arith.constant 0 : i32
          %dma_start3A_490 = arith.constant 0 : i32
          %dma_start3A_491 = tpu.memref_slice %arg9[%dma_start3A_488, %dma_start3A_489, %dma_start3A_490] : memref<3x112x128xf32, #tpu.memory_space<vmem>> -> memref<1x112x128xf32, #tpu.memory_space<vmem>>
          %dma_start3A_492 = tpu.memref_squeeze %dma_start3A_491 : memref<1x112x128xf32, #tpu.memory_space<vmem>> -> memref<112x128xf32, #tpu.memory_space<vmem>>
          %dma_start3A_493 = arith.constant 0 : i32
          %dma_start3A_494 = tpu.memref_slice %arg7[%dma_start3A_487, %dma_start3A_493] : memref<3x112xi32, #tpu.memory_space<vmem>> -> memref<1x112xi32, #tpu.memory_space<vmem>>
          %dma_start3A_495 = tpu.memref_squeeze %dma_start3A_494 : memref<1x112xi32, #tpu.memory_space<vmem>> -> memref<112xi32, #tpu.memory_space<vmem>>
          %dma_start3A_496 = arith.constant 0 : i32
          %dma_start3A_497 = arith.constant 0 : i32
          %dma_start3A_498 = tpu.memref_slice %arg3[%dma_start3A_496, %dma_start3A_497] : memref<10000x128xf32, #tpu.memory_space<hbm>> -> memref<10000x128xf32, #tpu.memory_space<hbm>>
          tpu.enqueue_indirect_dma source(%dma_start3A_498 : memref<10000x128xf32, #tpu.memory_space<hbm>>) target(%dma_start3A_492 : memref<112x128xf32, #tpu.memory_space<vmem>>) offsets(%dma_start3A_495 : memref<112xi32, #tpu.memory_space<vmem>>) semaphore(%arg19 : memref<!tpu.dma_semaphore, #tpu.memory_space<semaphore_mem>>)
        } else {
        }
      }
      %scan3A_276 = arith.constant 30 : i32
    } else {
    }
    %barrier3A_12 = arith.constant 0 : index
    tpu.barrier barrier_id(%barrier3A_12)
    %lt3A = arith.constant 15 : i32
    %lt3A_13 = arith.cmpi slt, %arg1, %lt3A : i32
    %convert_element_type3A_14 = arith.extui %lt3A_13 : i1 to i32
    %cond3A_15 = arith.constant 0 : i32
    %cond3A_16 = arith.cmpi ne, %convert_element_type3A_14, %cond3A_15 : i32
    scf.if %cond3A_16 {
      %mul3A_22 = arith.constant 632 : i32
      %mul3A_23 = arith.muli %arg1, %mul3A_22 : i32
      %mul3A_24 = arith.constant 632 : i32
      %mul3A_25 = arith.muli %arg1, %mul3A_24 : i32
      %mul3A_26 = arith.constant 128 : i32
      %mul3A_27 = arith.muli %arg0, %mul3A_26 : i32
      "tpu.region"() ({
        %run_scoped3A = tpu.sem_alloc : memref<!tpu.dma_semaphore, #tpu.memory_space<semaphore_mem>>
        %dma_start3A = tpu.memref_slice %arg6[%mul3A_25, %mul3A_27] : memref<10000x256xf32, #tpu.memory_space<hbm>> -> memref<632x128xf32, #tpu.memory_space<hbm>>
        %dma_start3A_28 = arith.constant 0 : i32
        %dma_start3A_29 = tpu.memref_slice %arg10[%mul3A_23, %dma_start3A_28] : memref<10112x128xf32, #tpu.memory_space<vmem_shared>> -> memref<632x128xf32, #tpu.memory_space<vmem_shared>>
        tpu.enqueue_dma source(%dma_start3A_29 : memref<632x128xf32, #tpu.memory_space<vmem_shared>>) target(%dma_start3A : memref<632x128xf32, #tpu.memory_space<hbm>>) target_semaphore(%run_scoped3A : memref<!tpu.dma_semaphore, #tpu.memory_space<semaphore_mem>>)
        %dma_wait3A = tpu.memref_slice %arg6[%mul3A_25, %mul3A_27] : memref<10000x256xf32, #tpu.memory_space<hbm>> -> memref<632x128xf32, #tpu.memory_space<hbm>>
        %dma_wait3A_30 = arith.constant 0 : i32
        %dma_wait3A_31 = tpu.memref_slice %arg10[%mul3A_23, %dma_wait3A_30] : memref<10112x128xf32, #tpu.memory_space<vmem_shared>> -> memref<632x128xf32, #tpu.memory_space<vmem_shared>>
        tpu.wait_dma2 semaphore(%run_scoped3A : memref<!tpu.dma_semaphore, #tpu.memory_space<semaphore_mem>>) src(%dma_wait3A_31 : memref<632x128xf32, #tpu.memory_space<vmem_shared>>) dst(%dma_wait3A : memref<632x128xf32, #tpu.memory_space<hbm>>)
        tpu.yield
      }) : () -> ()
    } else {
    }
    %eq3A_17 = arith.constant 15 : i32
    %eq3A_18 = arith.cmpi eq, %arg1, %eq3A_17 : i32
    %convert_element_type3A_19 = arith.extui %eq3A_18 : i1 to i32
    %cond3A_20 = arith.constant 0 : i32
    %cond3A_21 = arith.cmpi ne, %convert_element_type3A_19, %cond3A_20 : i32
    scf.if %cond3A_21 {
      %mul3A_22 = arith.constant 128 : i32
      %mul3A_23 = arith.muli %arg0, %mul3A_22 : i32
      "tpu.region"() ({
        %run_scoped3A = tpu.sem_alloc : memref<!tpu.dma_semaphore, #tpu.memory_space<semaphore_mem>>
        %dma_start3A = arith.constant 9480 : i32
        %dma_start3A_24 = tpu.memref_slice %arg6[%dma_start3A, %mul3A_23] : memref<10000x256xf32, #tpu.memory_space<hbm>> -> memref<520x128xf32, #tpu.memory_space<hbm>>
        %dma_start3A_25 = arith.constant 9480 : i32
        %dma_start3A_26 = arith.constant 0 : i32
        %dma_start3A_27 = tpu.memref_slice %arg10[%dma_start3A_25, %dma_start3A_26] : memref<10112x128xf32, #tpu.memory_space<vmem_shared>> -> memref<520x128xf32, #tpu.memory_space<vmem_shared>>
        tpu.enqueue_dma source(%dma_start3A_27 : memref<520x128xf32, #tpu.memory_space<vmem_shared>>) target(%dma_start3A_24 : memref<520x128xf32, #tpu.memory_space<hbm>>) target_semaphore(%run_scoped3A : memref<!tpu.dma_semaphore, #tpu.memory_space<semaphore_mem>>)
        %dma_wait3A = arith.constant 9480 : i32
        %dma_wait3A_28 = tpu.memref_slice %arg6[%dma_wait3A, %mul3A_23] : memref<10000x256xf32, #tpu.memory_space<hbm>> -> memref<520x128xf32, #tpu.memory_space<hbm>>
        %dma_wait3A_29 = arith.constant 9480 : i32
        %dma_wait3A_30 = arith.constant 0 : i32
        %dma_wait3A_31 = tpu.memref_slice %arg10[%dma_wait3A_29, %dma_wait3A_30] : memref<10112x128xf32, #tpu.memory_space<vmem_shared>> -> memref<520x128xf32, #tpu.memory_space<vmem_shared>>
        tpu.wait_dma2 semaphore(%run_scoped3A : memref<!tpu.dma_semaphore, #tpu.memory_space<semaphore_mem>>) src(%dma_wait3A_31 : memref<520x128xf32, #tpu.memory_space<vmem_shared>>) dst(%dma_wait3A_28 : memref<520x128xf32, #tpu.memory_space<hbm>>)
        tpu.yield
      }) : () -> ()
    } else {
    }
    return
  }
}

module attributes {stable_mosaic.version = 14 : i64} {
  func.func @body(%arg0: i32, %arg1: memref<2000x256xf32, #tpu.memory_space<vmem>>, %arg2: memref<256x256xf32, #tpu.memory_space<vmem>>, %arg3: memref<2000x128xf32, #tpu.memory_space<vmem>>, %arg4: memref<2000x128xf32, #tpu.memory_space<vmem>>) attributes {dimension_semantics = [#tpu.dimension_semantics<arbitrary>], iteration_bounds = array<i64: 5>, scalar_prefetch = 0 : i64, scratch_operands = 0 : i64, tpu.core_type = #tpu.core_type<tc>, window_params = [{transform_indices = @transform_0, window_bounds = array<i64: 2000, 256>}, {pipeline_mode = #tpu.pipeline_mode<synchronous>, transform_indices = @transform_1, window_bounds = array<i64: 256, 256>}, {transform_indices = @transform_2, window_bounds = array<i64: 2000, 128>}, {transform_indices = @transform_3, window_bounds = array<i64: 2000, 128>}]} {
    %get3A = arith.constant 0 : index
    %get3A_0 = arith.constant 0 : index
    %get3A_1 = vector.load %arg1[%get3A, %get3A_0] : memref<2000x256xf32, #tpu.memory_space<vmem>>, vector<2000x256xf32>
    %get3A_2 = arith.constant 0 : index
    %get3A_3 = arith.constant 0 : index
    %get3A_4 = vector.load %arg2[%get3A_2, %get3A_3] : memref<256x256xf32, #tpu.memory_space<vmem>>, vector<256x256xf32>
    %dot_general3A = arith.constant dense<0.000000e+00> : vector<2000x256xf32>
    %dot_general3A_5 = tpu.matmul %get3A_1, %get3A_4, %dot_general3A {dimension_numbers = #tpu.dot_dimension_numbers<[1], [1], [0], [0], [0, 0, 1, 0], [], []>, transpose_lhs_hint = false} : vector<2000x256xf32>, vector<256x256xf32>, vector<2000x256xf32> -> vector<2000x256xf32>
    %slice3A = vector.extract_strided_slice %dot_general3A_5 {offsets = [0, 0], sizes = [2000, 128], strides = [1, 1]} : vector<2000x256xf32> to vector<2000x128xf32>
    %swap3A = arith.constant 0 : index
    %swap3A_6 = arith.constant 0 : index
    %swap3A_7 = vector.load %arg3[%swap3A, %swap3A_6] : memref<2000x128xf32, #tpu.memory_space<vmem>>, vector<2000x128xf32>
    tpu.vector_store %arg3[%swap3A, %swap3A_6], %slice3A {strides = array<i32>} : memref<2000x128xf32, #tpu.memory_space<vmem>>, vector<2000x128xf32>,
    %slice3A_8 = vector.extract_strided_slice %dot_general3A_5 {offsets = [0, 128], sizes = [2000, 128], strides = [1, 1]} : vector<2000x256xf32> to vector<2000x128xf32>
    %swap3A_9 = arith.constant 0 : index
    %swap3A_10 = arith.constant 0 : index
    %swap3A_11 = vector.load %arg4[%swap3A_9, %swap3A_10] : memref<2000x128xf32, #tpu.memory_space<vmem>>, vector<2000x128xf32>
    tpu.vector_store %arg4[%swap3A_9, %swap3A_10], %slice3A_8 {strides = array<i32>} : memref<2000x128xf32, #tpu.memory_space<vmem>>, vector<2000x128xf32>,
    return
  }
  func.func @transform_0(%arg0: i32) -> (i32, i32) {
    %c0_i32 = arith.constant 0 : i32
    %c0_i32_0 = arith.constant 0 : i32
    return %arg0, %c0_i32 : i32, i32
  }
  func.func @transform_1(%arg0: i32) -> (i32, i32) {
    %c0_i32 = arith.constant 0 : i32
    %c0_i32_0 = arith.constant 0 : i32
    %c0_i32_1 = arith.constant 0 : i32
    return %c0_i32, %c0_i32_0 : i32, i32
  }
  func.func @transform_2(%arg0: i32) -> (i32, i32) {
    %c0_i32 = arith.constant 0 : i32
    %c0_i32_0 = arith.constant 0 : i32
    return %arg0, %c0_i32 : i32, i32
  }
  func.func @transform_3(%arg0: i32) -> (i32, i32) {
    %c0_i32 = arith.constant 0 : i32
    %c0_i32_0 = arith.constant 0 : i32
    return %arg0, %c0_i32 : i32, i32
  }
}

</mosaic_0001>

<sc_bundles>
// kernel: kernel.4.cloned.1.call-start
scs
__scs_entry_jumppad:
0x0: {  	(pc) =	sbr.rel $0x88, $3  }
0x1: {  	(tag) =	ssettag $0x0;
	lr =	simm.s32 $0x1  }
0x2: {  	[smem:$0x3F9D] =	sst lr;
	_ =	strace $0xD0000000  }
0x3: {  	_ = 	snop  }
0x4: {  	_ = 	snop  }
0x5: {  	_ = 	snop  }
0x6: {  	_ = 	snop  }
0x7: {  	_ = 	snop  }
__scs_overlays_trampoline_lowered:
0x8: {  	[smem:$0x3FAC] =	sst s0  }
0x9: {  	[smem:$0x3FAD] =	sst s1  }
0xa: {  	[smem:$0x3FAE] =	sst s2  }
0xb: {  	[smem:$0x3FAF] =	sst s3  }
0xc: {  	[smem:$0x3FB0] =	sst s4  }
0xd: {  	[smem:$0x3FB1] =	sst s5  }
0xe: {  	[smem:$0x3FB2] =	sst s6  }
0xf: {  	[smem:$0x3FB3] =	sst s7  }
0x10: {  	[smem:$0x3FB4] =	sst s8  }
0x11: {  	[smem:$0x3FB5] =	sst s9;
	s0 =	simm.s32 @!p0 $0x0  }
0x12: {  	s1 =	sld [smem:$0x3F9B];
	s0 =	simm.s32 @p0 $0x1  }
0x13: {  	[smem:$0x3FB6] =	sst s0;
	s0 =	simm.s32 @!p1 $0x0  }
0x14: {  	s2 =	sld [smem:$0x3F9A];
	s0 =	simm.s32 @p1 $0x1  }
0x15: {  	[smem:$0x3FB7] =	sst s0;
	s0 =	simm.s32 @!p2 $0x0  }
0x16: {  	s3 =	sld [smem:$0x3FDB];
	s0 =	simm.s32 @p2 $0x1  }
0x17: {  	s4 =	simm.s32 $0x1BF5;
	[smem:$0x3FB9] =	sst s0  }
0x18: {  	s0 =	sld [smem:$0x3F9C];
	_ =	swait.ge [sflag:s4], $0x0  }
0x19: {  	s7 =	sld [smem:$0x3F9D]  }
0x1a: {  	s8 =	sadd.s32 $0xFFFFE003, lr  }
0x1b: {  	s9 =	sadd.s32 $0xFFFFFEF7, lr;
	s5 =	simm.s32 $0xFFFFFFFF;
	p2 =	slt.u32 s8, $0xFFFFF086  }
0x1c: {  	p1 =	slt.u32 s9, $0xF7A;
	s5 =	simm.s32 @!p2 $0x0  }
0x1d: {  	s5 =	simm.s32 @p1 $0x1;
	p0 =	seq.s32 s7, s2  }
0x1e: {  	s7 =	smul.u32 @!p0 $0xF7A, s2;
	p2 =	seq.s32 @!p0 s5, $0x0  }
0x1f: {  	s9 =	smul.u32 $0xF7A, s1;
	s8 =	simm.s32 @!p0 $0x1BF5;
	p2 =	por !p2, p0  }
0x20: {  	[sflag:s8] =	ssyncset.s32 @!p0 $0xFFFFF086;
	s6 =	sadd.s32 @!p0 s3, s7;
	s7 =	simm.s32 @!p0 $0x108  }
0x21: {  	s3 =	sadd.s32 s3, s9;
	s6 =	sadd.s32 @!p0 $0x88, s6;
	s7 =	simm.s32 @p2 $0x1082  }
0x22: {  	[simem:s7], [sflag:s8] =	dma.local @!p0 [hbm:s6], $0xF7A  }
0x23: {  	s9 =	sor.u32 $0xD0000000, s2;
	s6 =	simm.s32 $0x108;
	_ =	swait.ge @!p0 [sflag:s8], $0x0  }
0x24: {  	s3 =	sadd.s32 $0x88, s3;
	s6 =	simm.s32 @!p1 $0x1082;
	[sflag:s4] =	ssyncset.s32 $0xFFFFF086  }
0x25: {  	[simem:s6], [sflag:s4] =	dma.local [hbm:s3], $0xF7A  }
0x26: {  	[smem:$0x3F9D] =	sst s1;
	(tag) =	ssettag s2;
	_ =	strace s9  }
0x27: {  	s1 =	sld [smem:$0x3FAD]  }
0x28: {  	s2 =	sld [smem:$0x3FAE]  }
0x29: {  	s4 =	sld [smem:$0x3FB0]  }
0x2a: {  	p0 =	seq.s32 s5, $0x0;
	s5 =	sld [smem:$0x3FB1]  }
0x2b: {  	s6 =	sld [smem:$0x3FB2]  }
0x2c: {  	s7 =	sld [smem:$0x3FB3]  }
0x2d: {  	s3 =	simm.s32 $0x108;
	s8 =	sld [smem:$0x3FB4]  }
0x2e: {  	s3 =	simm.s32 @!p0 $0x1082;
	s9 =	sld [smem:$0x3FB5]  }
0x2f: {  	lr =	sadd.s32 s0, s3;
	s0 =	sld [smem:$0x3FAC]  }
0x30: {  	s3 =	sld [smem:$0x3FAF]  }
0x31: {  	[smem:$0x3FB8] =	sst s10  }
0x32: {  	s10 =	sld [smem:$0x3FB6];
	_ =	sdelay $0x3  }
0x33: {  	p0 =	seq.s32 s10, $0x1;
	s10 =	sld [smem:$0x3FB8];
	_ =	sdelay $0x3  }
0x34: {  	[smem:$0x3FB8] =	sst s10  }
0x35: {  	s10 =	sld [smem:$0x3FB7];
	_ =	sdelay $0x3  }
0x36: {  	p1 =	seq.s32 s10, $0x1;
	s10 =	sld [smem:$0x3FB8];
	_ =	sdelay $0x3  }
0x37: {  	[smem:$0x3FB8] =	sst s10  }
0x38: {  	s10 =	sld [smem:$0x3FB9]  }
0x39: {  	_ = 	snop;
	(pc) =	sbr.ind lr, $3  }
0x3a: {  	_ = 	snop  }
0x3b: {  	_ = 	snop  }
0x3c: {  	p2 =	seq.s32 s10, $0x1;
	s10 =	sld [smem:$0x3FB8]  }
0x3d: {  	_ =	shalt  }
0x3e: {  	_ =	shalt  }
0x3f: {  	_ =	shalt  }
0x40: {  	_ =	shalt  }
0x41: {  	_ =	shalt  }
0x42: {  	_ =	shalt  }
0x43: {  	_ =	shalt  }
0x44: {  	_ =	shalt  }
0x45: {  	_ =	shalt  }
0x46: {  	_ =	shalt  }
0x47: {  	_ =	shalt  }
0x48: {  	_ =	shalt  }
0x49: {  	_ =	shalt  }
0x4a: {  	_ =	shalt  }
0x4b: {  	_ =	shalt  }
0x4c: {  	_ =	shalt  }
0x4d: {  	_ =	shalt  }
0x4e: {  	_ =	shalt  }
0x4f: {  	_ =	shalt  }
0x50: {  	_ =	shalt  }
0x51: {  	_ =	shalt  }
0x52: {  	_ =	shalt  }
0x53: {  	_ =	shalt  }
0x54: {  	_ =	shalt  }
0x55: {  	_ =	shalt  }
0x56: {  	_ =	shalt  }
0x57: {  	_ =	shalt  }
0x58: {  	_ =	shalt  }
0x59: {  	_ =	shalt  }
0x5a: {  	_ =	shalt  }
0x5b: {  	_ =	shalt  }
0x5c: {  	_ =	shalt  }
0x5d: {  	_ =	shalt  }
0x5e: {  	_ =	shalt  }
0x5f: {  	_ =	shalt  }
0x60: {  	_ =	shalt  }
0x61: {  	_ =	shalt  }
0x62: {  	_ =	shalt  }
0x63: {  	_ =	shalt  }
0x64: {  	_ =	shalt  }
0x65: {  	_ =	shalt  }
0x66: {  	_ =	shalt  }
0x67: {  	_ =	shalt  }
0x68: {  	_ =	shalt  }
0x69: {  	_ =	shalt  }
0x6a: {  	_ =	shalt  }
0x6b: {  	_ =	shalt  }
0x6c: {  	_ =	shalt  }
0x6d: {  	_ =	shalt  }
0x6e: {  	_ =	shalt  }
0x6f: {  	_ =	shalt  }
0x70: {  	_ =	shalt  }
0x71: {  	_ =	shalt  }
0x72: {  	_ =	shalt  }
0x73: {  	_ =	shalt  }
0x74: {  	_ =	shalt  }
0x75: {  	_ =	shalt  }
0x76: {  	_ =	shalt  }
0x77: {  	_ =	shalt  }
0x78: {  	_ =	shalt  }
0x79: {  	_ =	shalt  }
0x7a: {  	_ =	shalt  }
0x7b: {  	_ =	shalt  }
0x7c: {  	_ =	shalt  }
0x7d: {  	_ =	shalt  }
0x7e: {  	_ =	shalt  }
0x7f: {  	_ =	shalt  }
0x80: {  	_ =	shalt  }
0x81: {  	_ =	shalt  }
0x82: {  	_ =	shalt  }
0x83: {  	_ =	shalt  }
0x84: {  	_ =	shalt  }
0x85: {  	_ =	shalt  }
0x86: {  	_ =	shalt  }
0x87: {  	_ =	shalt  }
.Lfunc_end0:
.L_simem_size_0:
called_computation_lowered:
.L_overlay_start_0:
0x88: {  	s2 =	sld [smem:$0x3FD9]  }
0x89: {  	s3 =	sld [smem:$0x3FFE];
	_ =	sdelay $0x1  }
0x8a: {  	s1 =	srdreg.scid  }
0x8b: {  	s0 =	sand.u32 $0x1, s1  }
0x8c: {  	s17 =	sshll.u32 s0, $0xA;
	s2 =	sadd.s32 s3, s2  }
0x8d: {  	s2 =	sadd.s32 s2, s17  }
0x8e: {  	[smem:$0x3FC4] =	sst s2  }
0x8f: {  	_ = 	snop  }
0x90: {  	s2 =	sld [smem:$0x3FD0];
	(tm) =	ssettm $0x1  }
0x91: {  	s18 =	sld [smem:$0x3FFB];
	_ =	sdelay $0x3  }
0x92: {  	_ =	strace s18  }
0x93: {  	s3 =	sld [smem:$0x3FFC];
	_ =	sdelay $0x3  }
0x94: {  	_ =	strace s3  }
0x95: {  	s3 =	sld [smem:$0x3FFD];
	_ =	sdelay $0x3  }
0x96: {  	_ =	strace s3  }
0x97: {  	_ =	strace $0x8FFFFFFF  }
0x98: {  	s19 =	sld [smem:$0x3FDB];
	_ =	sdelay $0x1  }
0x99: {  	s4 =	simm.s32 $_scs_section_size  }
0x9a: {  	s5 =	simm.s32 $_size__tile_overlayer_lowered;
	s6 =	simm.s32 $_tile_overlayer_lowered  }
0x9b: {  	s22 =	simm.s32 $0x1BFF;
	s21 =	sshll.u32 s6, $0x1;
	s3 =	sadd.s32 s4, s19  }
0x9c: {  	s7 =	simm.s32 $0x0;
	s20 =	sshll.u32 s5, $0x1;
	s5 =	sadd.s32 s21, s3  }
0x9d: {  	[timem:s7], [sflag:s22] =	dma.local [hbm:s5], s20  }
0x9e: {  	_ =	swait.ge [sflag:s22], s20  }
0x9f: {  	s4 =	ssub.s32 $0x0, s20;
	[sflag:s22] =	ssyncset.done $0x0  }
0xa0: {  	[sflag:s22] =	ssyncadd.s32 s4;
	_ =	sdelay $0x1  }
0xa1: {  	s23 =	simm.s32 $0x1B8B  }
0xa2: {  	_ =	swait.ge [sflag:s23], $0x1  }
0xa3: {  	[sflag:s23] =	ssyncset.done $0x0  }
0xa4: {  	s25 =	simm.s32 $0x1B8E;
	s24 =	sld [smem:$0x3FFE];
	[sflag:s23] =	ssyncadd.s32 $0xFFFFFFFF  }
0xa5: {  	s26 =	simm.s32 $execute0_lowered;
	[smem:$0x3FD2] =	sst s25  }
0xa6: {  	s5 =	sshll.u32 s26, $0x1;
	_ =	strace $0x80000046;
	[dreg:$0x1] =	wrdreg $0xFFFFFFFF  }
0xa7: {  	s28 =	simm.s32 $_size_execute0_lowered;
	s3 =	sadd.s32 s3, s5;
	[dreg:$0x0] =	wrdreg $0x0  }
0xa8: {  	s5 =	sshll.u32 s28, $0x1;
	[dreg:$0x2] =	wrdreg s3  }
0xa9: {  	[dreg:$0x3] =	wrdreg s5  }
0xaa: {  	[dreg:$0x4] =	wrdreg $0xC0  }
0xab: {  	_ =	task [dreg:s7], $0x5FFFF  }
0xac: {  	[dreg:$0x1] =	wrdreg $0xFFFFFFFF  }
0xad: {  	[dreg:$0x0] =	wrdreg $0x60  }
0xae: {  	[dreg:$0x2] =	wrdreg s24  }
0xaf: {  	[dreg:$0x3] =	wrdreg s2  }
0xb0: {  	[dreg:$0x4] =	wrdreg $0xAC000  }
0xb1: {  	[dreg:$0x5] =	wrdreg $0x9  }
0xb2: {  	_ =	task.clear_ibuf [dreg:s7], $0x6FFFF;
	_ =	strace $0x90000046  }
0xb3: {  	s29 =	simm.s32 $0x9;
	_ =	strace $0x80000048  }
0xb4: {  	_ =	swait.ge [sflag:s29], $0x1  }
0xb5: {  	[sflag:s29] =	ssyncadd.s32 $0xFFFFFFFF  }
0xb6: {  	_ =	strace $0x90000048  }
0xb7: {  	_ =	sfence  }
0xb8: {  	s30 =	sld [smem:$0x0];
	_ =	sdelay $0x2  }
0xb9: {  	s31 =	sshll.u32 s1, $0xD;
	s1 =	sshrl.u32 s1, $0x2  }
0xba: {  	s3 =	sand.u32 $0x4000, s31;
	s1 =	sadd.s32 s1, s30  }
0xbb: {  	s0 =	sor.u32 s3, s0;
	s1 =	sshll.u32 s1, $0x11  }
0xbc: {  	s0 =	sor.u32 s1, s0  }
0xbd: {  	s0 =	sadd.s32 $0x8F2B, s0  }
0xbe: {  	[sflag:s0] =	ssyncadd.remote.s32 $0x1  }
0xbf: {  	_ =	sfence.sel $0xFFFF  }
0xc0: {  	[dreg:$0x0] =	wrdreg $0xFFFFFFFF;
	(pc) =	sbr.abs _section_cstart, $3  }
0xc1: {  	[dreg:$0x1] =	wrdreg $0xFFFFFFFF  }
0xc2: {  	_ =	task.clear_ibuf [dreg:s7], $0x2FFFF;
	_ =	strace $0x9FFFFFFF  }
0xc3: {  	(tm) =	ssettm $0x7FFFFFFF  }
tec
execute0_lowered:
.L_overlay_start_1:
0x0: {  	(tag) =	ssettag $0x1  }
0x1: {  	s0 =	rddreg [dreg:$0x0]  }
0x2: {  	s3 =	rddreg [dreg:$0x1]  }
0x3: {  	s1 =	rddreg [dreg:$0x2]  }
0x4: {  	s2 =	simm.s32 $0x0;
	s5 =	srdreg.scid;
	s14 =	stileid.u32  }
0x5: {  	s28 =	simm.s32 $0x100;
	s29 =	simm.s32 $0x300;
	s30 =	simm.s32 $0x1  }
0x6: {  	s31 =	simm.s32 $0x70;
	[smem:$0x7FF] =	sst s2;
	s4 =	sadd.s32 $0xD000, s0  }
0x7: {  	s8 =	sand.u32 $0x1, s5;
	s5 =	sadd.s32 $0x34200, s0;
	s11 =	smul.u32 $0x4F000, s14  }
0x8: {  	s6 =	sadd.s32 $0x1000, s0;
	s24 =	sshll.u32 s14, $0x6;
	s26 =	smul.u32 $0x27800, s14  }
0x9: {  	s13 =	sadd.s32 $0x7000, s0;
	p1 =	seq.s32 s14, $0xF;
	_ =	strace $0x80000047  }
0xa: {  	s7 =	smul.u32 $0x2780, s8;
	s9 =	ssub.s32 $0x2, s8;
	s22 =	sor.u32 $0x1C0A, s24  }
0xb: {  	p0 =	seq.s32 s8, $0x1;
	s18 =	sshll.u32 s8, $0xA;
	s8 =	sshll.u32 s8, $0x7  }
0xc: {  	s10 =	sshrl.u32 s9, $0x1;
	s23 =	sshrl.u32 s11, $0x2;
	s20 =	sor.u32 s18, s26  }
0xd: {  	s18 =	simm.s32 $0x8;
	[dreg:$0x6] =	wrdreg s22;
	s12 =	sadd.s32 s7, s0  }
0xe: {  	s9 =	ssub.s32 s9, s10;
	s7 =	smul.u32 $0x3000, s14;
	s15 =	sadd.s32 s23, s1  }
0xf: {  	s0 =	sshrl.u32 s20, $0x3;
	s23 =	sadd.s32 s8, s3;
	s14 =	simm.s32 $0x7400  }
0x10: {  	s20 =	simm.s32 $0x9;
	s8 =	simm.s32 $0x6;
	s25 =	sadd.s32 $0x5B400, s12  }
0x11: {  	s0 =	sadd.s32 s3, s0;
	s3 =	sadd.s32 $0x128400, s1;
	[dreg:$0x4] =	wrdreg s15  }
0x12: {  	s24 =	smax.u32 s9, $0x1;
	s9 =	simm.s32 $0x3C00;
	[dreg:$0x5] =	wrdreg s25  }
0x13: {  	s10 =	sshrl.u32 s7, $0x3;
	[dreg:$0xc] =	wrdreg s0;
	s0 =	sadd.s32 $0x4A100, s23  }
0x14: {  	[dreg:$0xe] =	wrdreg s24;
	s25 =	sshrl.u32 s15, $0x3;
	s23 =	simm.s32 $0x200  }
0x15: {  	s24 =	simm.s32 $0x80;
	s17 =	sadd.s32 s6, s10;
	[dreg:$0xd] =	wrdreg s0  }
0x16: {  	s16 =	sor.u32 $0x10, s10;
	s21 =	sor.u32 $0x20, s10;
	[dreg:$0xf] =	wrdreg s25  }
0x17: {  	s26 =	sadd.s32 s10, s13;
	s0 =	sshrl.u32 @p1 s3, $0x3;
	[dreg:$0x7] =	wrdreg s17  }
0x18: {  	s3 =	simm.s32 $0x2;
	s10 =	simm.s32 $0x0;
	[dreg:$0x8] =	wrdreg s16  }
.Ltmp0:
0x19: {  	s19 =	sadd.s32 s6, s16;
	[dreg:$0xa] =	wrdreg s21;
	(pc) =	sbr.rel .LBB2_1-.Ltmp0, $4  }
0x1a: {  	s11 =	sadd.s32 s6, s21;
	s21 =	simm.s32 $0xA;
	[dreg:$0x10] =	wrdreg s26  }
0x1b: {  	[dreg:$0x11] =	wrdreg s0;
	s26 =	simm.s32 $0x280;
	s0 =	simm.s32 $0x400  }
0x1c: {  	s16 =	simm.s32 $0x7;
	s17 =	simm.s32 $0x4;
	[dreg:$0x9] =	wrdreg s19  }
0x1d: {  	[dreg:$0xb] =	wrdreg s11;
	s11 =	simm.s32 $0x3;
	s19 =	simm.s32 $0x5  }
.LBB2_7:
0x1e: {  	[sflag:s11] =	ssyncset.done $0x0  }
0x1f: {  	[sflag:s11] =	ssyncadd.s32 $0xFFFFFF80  }
0x20: {  	[tilespmem:s14], [sflag:$0x9] =	stream.indirect.gather [hbm4b:s5+s31], $0x80, s28, s31, $0xb8;
	[tilespmem:$0x1E800] =	vst v63  }
0x21: {  	_ =	swait.ge [sflag:s16], $0x3800  }
0x22: {  	s10 =	sshrl.u32 s15, $0x3;
	[sflag:s16] =	ssyncset.done $0x0  }
0x23: {  	s12 =	sadd.s32 s6, s10;
	[sflag:s16] =	ssyncadd.s32 $0xFFFFC800  }
0x24: {  	[tilespmem:s2], [sflag:$0x1] =	stream.linear.gather [hbm4b:s12+s2], $0x80, $0x38;
	[tilespmem:$0x1E800] =	vst v63  }
0x25: {  	_ =	swait.ge [sflag:s17], $0x80  }
0x26: {  	[sflag:s17] =	ssyncset.done $0x0  }
0x27: {  	[sflag:s17] =	ssyncadd.s32 $0xFFFFFF80  }
0x28: {  	[spmem:s1] =	stream.indirect.scatter.add.f32 [tilespmem:s0], [sflag:$0xA], $0x80, s23, s31, $0xb8;
	[tilespmem:$0x1E800] =	vst v63  }
0x29: {  	_ =	swait.ge [sflag:s21], $0x3800  }
0x2a: {  	[sflag:s21] =	ssyncset.done $0x0  }
0x2b: {  	s10 =	sadd.s32 s13, s10;
	[sflag:s21] =	ssyncadd.s32 $0xFFFFC800  }
0x2c: {  	[tilespmem:s23], [sflag:$0x4] =	stream.linear.gather [hbm4b:s10+s2], $0x80, $0x38;
	[tilespmem:$0x1E800] =	vst v63  }
0x2d: {  	s15 =	sadd.s32 $0xFFFFFF80, s25;
	_ =	swait.ge [sflag:s30], $0x80  }
0x2e: {  	s22 =	sand.u32 $0x7C00, s15;
	[sflag:s30] =	ssyncset.done $0x0  }
0x2f: {  	s12 =	sadd.s32 s7, s22;
	s10 =	sand.u32 $0x380, s15;
	[sflag:s30] =	ssyncadd.s32 $0xFFFFFF80  }
0x30: {  	[tilespmem:s0], [sflag:$0x7] =	stream.indirect.gather [hbm4b:s5+s31], $0x80, s2, s31, $0xb8;
	[tilespmem:$0x1E800] =	vst v63  }
0x31: {  	s10 =	sor.u32 s10, s12;
	_ =	swait.ge [sflag:s18], $0x3800  }
0x32: {  	s10 =	sshrl.u32 s10, $0x3;
	[sflag:s18] =	ssyncset.done $0x0  }
0x33: {  	s15 =	sadd.s32 s6, s10;
	[sflag:s18] =	ssyncadd.s32 $0xFFFFC800  }
0x34: {  	[tilespmem:s24], [sflag:$0x2] =	stream.linear.gather [hbm4b:s15+s2], $0x80, $0x38;
	[tilespmem:$0x1E800] =	vst v63  }
0x35: {  	_ =	swait.ge [sflag:s19], $0x80  }
0x36: {  	[sflag:s19] =	ssyncset.done $0x0  }
0x37: {  	[sflag:s19] =	ssyncadd.s32 $0xFFFFFF80  }
0x38: {  	[spmem:s1] =	stream.indirect.scatter.add.f32 [tilespmem:s9], [sflag:$0xA], $0x80, s26, s31, $0xb8;
	[tilespmem:$0x1E800] =	vst v63  }
0x39: {  	_ =	swait.ge [sflag:s21], $0x3800  }
0x3a: {  	[sflag:s21] =	ssyncset.done $0x0  }
0x3b: {  	s10 =	sadd.s32 s13, s10;
	[sflag:s21] =	ssyncadd.s32 $0xFFFFC800  }
0x3c: {  	[tilespmem:s26], [sflag:$0x5] =	stream.linear.gather [hbm4b:s10+s2], $0x80, $0x38;
	[tilespmem:$0x1E800] =	vst v63  }
0x3d: {  	_ =	swait.ge [sflag:s3], $0x80  }
0x3e: {  	[sflag:s3] =	ssyncset.done $0x0  }
0x3f: {  	s22 =	sand.u32 $0x7C00, s25;
	[sflag:s3] =	ssyncadd.s32 $0xFFFFFF80  }
0x40: {  	[tilespmem:s9], [sflag:$0x8] =	stream.indirect.gather [hbm4b:s5+s31], $0x80, s24, s31, $0xb8;
	[tilespmem:$0x1E800] =	vst v63  }
0x41: {  	s10 =	sadd.s32 s7, s22;
	s24 =	sand.u32 $0x380, s25  }
0x42: {  	_ =	swait.ge [sflag:s20], $0x3800;
	s10 =	sor.u32 s24, s10  }
0x43: {  	[sflag:s20] =	ssyncset.done $0x0;
	s10 =	sshrl.u32 s10, $0x3  }
0x44: {  	[sflag:s20] =	ssyncadd.s32 $0xFFFFC800;
	s25 =	sadd.s32 s6, s10  }
0x45: {  	[tilespmem:s28], [sflag:$0x3] =	stream.linear.gather [hbm4b:s25+s2], $0x80, $0x38;
	[tilespmem:$0x1E800] =	vst v63  }
0x46: {  	_ =	swait.ge [sflag:s8], $0x80  }
0x47: {  	[sflag:s8] =	ssyncset.done $0x0  }
0x48: {  	[sflag:s8] =	ssyncadd.s32 $0xFFFFFF80  }
0x49: {  	[spmem:s1] =	stream.indirect.scatter.add.f32 [tilespmem:s14], [sflag:$0xA], $0x80, s29, s31, $0xb8;
	[tilespmem:$0x1E800] =	vst v63  }
0x4a: {  	_ =	swait.ge [sflag:s21], $0x3800  }
0x4b: {  	[sflag:s21] =	ssyncset.done $0x0  }
0x4c: {  	s10 =	sadd.s32 s13, s10;
	[sflag:s21] =	ssyncadd.s32 $0xFFFFC800  }
0x4d: {  	[tilespmem:s29], [sflag:$0x6] =	stream.linear.gather [hbm4b:s10+s2], $0x80, $0x38;
	[tilespmem:$0x1E800] =	vst v63  }
0x4e: {  	_ =	swait.ge [sflag:s11], $0x80  }
0x4f: {  	[sflag:s11] =	ssyncset.done $0x0  }
0x50: {  	[sflag:s11] =	ssyncadd.s32 $0xFFFFFF80  }
0x51: {  	[tilespmem:s14], [sflag:$0x9] =	stream.indirect.gather [hbm4b:s5+s31], $0x80, s28, s31, $0xb8;
	[tilespmem:$0x1E800] =	vst v63  }
0x52: {  	_ =	swait.ge [sflag:s16], $0x3800  }
0x53: {  	[sflag:s16] =	ssyncset.done $0x0  }
0x54: {  	[sflag:s16] =	ssyncadd.s32 $0xFFFFC800  }
.LBB2_8:
0x55: {  	_ =	swait.ge [sflag:s17], $0x80  }
0x56: {  	[sflag:s17] =	ssyncset.done $0x0  }
0x57: {  	[sflag:s17] =	ssyncadd.s32 $0xFFFFFF80  }
0x58: {  	[spmem:s1] =	stream.indirect.scatter.add.f32 [tilespmem:s0], [sflag:$0xA], $0x80, s23, s31, $0xb8;
	[tilespmem:$0x1E800] =	vst v63  }
0x59: {  	_ =	swait.ge [sflag:s21], $0x3800  }
0x5a: {  	[sflag:s21] =	ssyncset.done $0x0  }
0x5b: {  	[sflag:s21] =	ssyncadd.s32 $0xFFFFC800  }
0x5c: {  	_ =	swait.ge [sflag:s18], $0x3800  }
0x5d: {  	[sflag:s18] =	ssyncset.done $0x0  }
0x5e: {  	[sflag:s18] =	ssyncadd.s32 $0xFFFFC800  }
0x5f: {  	_ =	swait.ge [sflag:s19], $0x80  }
0x60: {  	[sflag:s19] =	ssyncset.done $0x0  }
0x61: {  	[sflag:s19] =	ssyncadd.s32 $0xFFFFFF80  }
0x62: {  	[spmem:s1] =	stream.indirect.scatter.add.f32 [tilespmem:s9], [sflag:$0xA], $0x80, s26, s31, $0xb8;
	[tilespmem:$0x1E800] =	vst v63  }
0x63: {  	_ =	swait.ge [sflag:s21], $0x3800  }
0x64: {  	[sflag:s21] =	ssyncset.done $0x0  }
0x65: {  	[sflag:s21] =	ssyncadd.s32 $0xFFFFC800  }
0x66: {  	_ =	swait.ge [sflag:s20], $0x3800  }
0x67: {  	[sflag:s20] =	ssyncset.done $0x0  }
0x68: {  	[sflag:s20] =	ssyncadd.s32 $0xFFFFC800  }
0x69: {  	_ =	swait.ge [sflag:s8], $0x80  }
0x6a: {  	[sflag:s8] =	ssyncset.done $0x0  }
0x6b: {  	[sflag:s8] =	ssyncadd.s32 $0xFFFFFF80  }
0x6c: {  	[spmem:s1] =	stream.indirect.scatter.add.f32 [tilespmem:s14], [sflag:$0xA], $0x80, s29, s31, $0xb8;
	[tilespmem:$0x1E800] =	vst v63  }
0x6d: {  	_ =	swait.ge [sflag:s21], $0x3800  }
0x6e: {  	[sflag:s21] =	ssyncset.done $0x0  }
0x6f: {  	[sflag:s21] =	ssyncadd.s32 $0xFFFFC800  }
0x70: {  	[bflag:$0x0] =	sbarrier.arrive $0xFFFF  }
0x71: {  	s22 =	rddreg [dreg:$0xd]  }
0x72: {  	s15 =	simm.s32 @p1 $0x80;
	s10 =	rddreg [dreg:$0x11]  }
0x73: {  	s12 =	simm.s32 @p1 $0x8;
	s25 =	simm.s32 @p1 $0x100;
	s23 =	rddreg [dreg:$0x6]  }
0x74: {  	[hbm:s22@s25], [sflag:s23] =	dma.strided @p1 [spmem:s10@s15], $0x2080, s12, $0x10   }
0x75: {  	s10 =	simm.s32 @p1 $0xA  }
0x76: {  	_ =	swait.ge @p1 [sflag:s10], $0x2080  }
0x77: {  	[sflag:s10] =	ssyncset.done @p1 $0x0;
	s12 =	rddreg [dreg:$0xc]  }
0x78: {  	[sflag:s10] =	ssyncadd.s32 @p1 $0xFFFFDF80;
	s10 =	rddreg [dreg:$0x4]  }
0x79: {  	s24 =	rddreg [dreg:$0x6];
	s10 =	sshrl.u32 @!p1 s10, $0x3  }
0x7a: {  	s22 =	simm.s32 @!p1 $0x80;
	[dreg:$0x13] =	wrdreg s10  }
0x7b: {  	s15 =	simm.s32 @!p1 $0x8;
	s10 =	simm.s32 @!p1 $0x100;
	s25 =	rddreg [dreg:$0x13]  }
0x7c: {  	[hbm:s12@s10], [sflag:s24] =	dma.strided @!p1 [spmem:s25@s22], $0x2780, s15, $0x10   }
0x7d: {  	s10 =	simm.s32 @!p1 $0xA  }
0x7e: {  	s22 =	rddreg [dreg:$0x6];
	_ =	swait.ge @!p1 [sflag:s10], $0x2780  }
0x7f: {  	s24 =	rddreg [dreg:$0x12]  }
0x80: {  	s25 =	rddreg [dreg:$0xe];
	s15 =	sadd.s32 $0x1, s24  }
0x81: {  	p2 =	sne.s32 s15, s25  }
.Ltmp1:
0x82: {  	_ = 	snop;
	(pc) =	sbr.rel @!p2 .LBB2_9-.Ltmp1, $3  }
0x83: {  	_ =	sdelay $0x1  }
0x84: {  	s23 =	simm.s32 $0x200;
	[sflag:s10] =	ssyncset.done @!p1 $0x0  }
0x85: {  	[sflag:s10] =	ssyncadd.s32 @!p1 $0xFFFFD880;
	s24 =	simm.s32 $0x80;
	s10 =	smov.u32 s15  }
.LBB2_1:
0x86: {  	[dreg:$0x12] =	wrdreg s10  }
0x87: {  	s15 =	rddreg [dreg:$0x5]  }
0x88: {  	s12 =	rddreg [dreg:$0xf]  }
0x89: {  	[spmem:s12], [sflag:s22] =	dma.local [hbm:s15], $0x2780  }
0x8a: {  	_ =	swait.ge [sflag:s21], $0x2780  }
0x8b: {  	[sflag:s21] =	ssyncset.done $0x0  }
0x8c: {  	[sflag:s21] =	ssyncadd.s32 $0xFFFFD880  }
0x8d: {  	[bflag:$0x0] =	sbarrier.arrive $0xFFFF  }
0x8e: {  	s22 =	rddreg [dreg:$0x7]  }
0x8f: {  	s25 =	rddreg [dreg:$0x10]  }
0x90: {  	[tilespmem:s2], [sflag:$0x1] =	stream.linear.gather [hbm4b:s22+s2], $0x80, $0x38;
	[tilespmem:$0x1E800] =	vst v63  }
0x91: {  	s12 =	rddreg [dreg:$0x9]  }
0x92: {  	[tilespmem:s23], [sflag:$0x4] =	stream.linear.gather [hbm4b:s25+s2], $0x80, $0x38;
	[tilespmem:$0x1E800] =	vst v63  }
0x93: {  	s15 =	rddreg [dreg:$0x8]  }
0x94: {  	[tilespmem:s24], [sflag:$0x2] =	stream.linear.gather [hbm4b:s12+s2], $0x80, $0x38;
	[tilespmem:$0x1E800] =	vst v63  }
0x95: {  	s10 =	sadd.s32 s15, s13;
	s22 =	rddreg [dreg:$0xb]  }
0x96: {  	[tilespmem:s26], [sflag:$0x5] =	stream.linear.gather [hbm4b:s10+s2], $0x80, $0x38;
	[tilespmem:$0x1E800] =	vst v63  }
0x97: {  	s25 =	rddreg [dreg:$0xa]  }
0x98: {  	[tilespmem:s28], [sflag:$0x3] =	stream.linear.gather [hbm4b:s22+s2], $0x80, $0x38;
	[tilespmem:$0x1E800] =	vst v63  }
.Ltmp2:
0x99: {  	s10 =	sadd.s32 s25, s13;
	(pc) =	sbr.rel @!p0 .LBB2_2-.Ltmp2, $4  }
0x9a: {  	[tilespmem:s29], [sflag:$0x6] =	stream.linear.gather [hbm4b:s10+s2], $0x80, $0x38;
	[tilespmem:$0x1E800] =	vst v63  }
0x9b: {  	_ =	swait.ge [sflag:s30], $0x80  }
0x9c: {  	[sflag:s30] =	ssyncset.done $0x0  }
0x9d: {  	[sflag:s30] =	ssyncadd.s32 $0xFFFFFF80  }
0x9e: {  	[tilespmem:s0], [sflag:$0x7] =	stream.indirect.gather [hbm4b:s5+s31], $0x80, s2, s31, $0xb8;
	[tilespmem:$0x1E800] =	vst v63  }
0x9f: {  	_ =	swait.ge [sflag:s3], $0x80  }
0xa0: {  	[sflag:s3] =	ssyncset.done $0x0  }
0xa1: {  	[sflag:s3] =	ssyncadd.s32 $0xFFFFFF80  }
0xa2: {  	[tilespmem:s9], [sflag:$0x8] =	stream.indirect.gather [hbm4b:s5+s31], $0x80, s24, s31, $0xb8;
	[tilespmem:$0x1E800] =	vst v63  }
0xa3: {  	s10 =	simm.s32 $0x180;
	_ =	swait.ge [sflag:s11], $0x80  }
0xa4: {  	s12 =	sand.u32 $0x7C00, s10;
	[sflag:s11] =	ssyncset.done $0x0  }
0xa5: {  	s10 =	sand.u32 $0x380, s10;
	s12 =	sadd.s32 s7, s12;
	[sflag:s11] =	ssyncadd.s32 $0xFFFFFF80  }
0xa6: {  	[tilespmem:s14], [sflag:$0x9] =	stream.indirect.gather [hbm4b:s5+s31], $0x80, s28, s31, $0xb8;
	[tilespmem:$0x1E800] =	vst v63  }
0xa7: {  	s10 =	sor.u32 s10, s12;
	_ =	swait.ge [sflag:s16], $0x3800  }
0xa8: {  	s10 =	sshrl.u32 s10, $0x3;
	[sflag:s16] =	ssyncset.done $0x0  }
0xa9: {  	s15 =	sadd.s32 s6, s10;
	[sflag:s16] =	ssyncadd.s32 $0xFFFFC800  }
0xaa: {  	[tilespmem:s2], [sflag:$0x1] =	stream.linear.gather [hbm4b:s15+s2], $0x80, $0x38;
	[tilespmem:$0x1E800] =	vst v63  }
0xab: {  	_ =	swait.ge [sflag:s17], $0x80  }
0xac: {  	[sflag:s17] =	ssyncset.done $0x0  }
0xad: {  	[sflag:s17] =	ssyncadd.s32 $0xFFFFFF80  }
0xae: {  	[spmem:s1] =	stream.indirect.scatter.add.f32 [tilespmem:s0], [sflag:$0xA], $0x80, s23, s31, $0xb8;
	[tilespmem:$0x1E800] =	vst v63  }
0xaf: {  	_ =	swait.ge [sflag:s21], $0x3800  }
0xb0: {  	[sflag:s21] =	ssyncset.done $0x0  }
0xb1: {  	s10 =	sadd.s32 s13, s10;
	[sflag:s21] =	ssyncadd.s32 $0xFFFFC800  }
0xb2: {  	[tilespmem:s23], [sflag:$0x4] =	stream.linear.gather [hbm4b:s10+s2], $0x80, $0x38;
	[tilespmem:$0x1E800] =	vst v63  }
0xb3: {  	s22 =	simm.s32 $0x200;
	_ =	swait.ge [sflag:s30], $0x80  }
0xb4: {  	s25 =	sand.u32 $0x7C00, s22;
	[sflag:s30] =	ssyncset.done $0x0  }
0xb5: {  	s12 =	sadd.s32 s7, s25;
	s10 =	sand.u32 $0x380, s22;
	[sflag:s30] =	ssyncadd.s32 $0xFFFFFF80  }
0xb6: {  	[tilespmem:s0], [sflag:$0x7] =	stream.indirect.gather [hbm4b:s5+s31], $0x80, s2, s31, $0xb8;
	[tilespmem:$0x1E800] =	vst v63  }
0xb7: {  	s10 =	sor.u32 s10, s12;
	_ =	swait.ge [sflag:s18], $0x3800  }
0xb8: {  	s10 =	sshrl.u32 s10, $0x3;
	[sflag:s18] =	ssyncset.done $0x0  }
0xb9: {  	s15 =	sadd.s32 s6, s10;
	[sflag:s18] =	ssyncadd.s32 $0xFFFFC800  }
0xba: {  	[tilespmem:s24], [sflag:$0x2] =	stream.linear.gather [hbm4b:s15+s2], $0x80, $0x38;
	[tilespmem:$0x1E800] =	vst v63  }
0xbb: {  	_ =	swait.ge [sflag:s19], $0x80  }
0xbc: {  	[sflag:s19] =	ssyncset.done $0x0  }
0xbd: {  	[sflag:s19] =	ssyncadd.s32 $0xFFFFFF80  }
0xbe: {  	[spmem:s1] =	stream.indirect.scatter.add.f32 [tilespmem:s9], [sflag:$0xA], $0x80, s26, s31, $0xb8;
	[tilespmem:$0x1E800] =	vst v63  }
0xbf: {  	_ =	swait.ge [sflag:s21], $0x3800  }
0xc0: {  	[sflag:s21] =	ssyncset.done $0x0  }
0xc1: {  	s10 =	sadd.s32 s13, s10;
	[sflag:s21] =	ssyncadd.s32 $0xFFFFC800  }
0xc2: {  	[tilespmem:s26], [sflag:$0x5] =	stream.linear.gather [hbm4b:s10+s2], $0x80, $0x38;
	[tilespmem:$0x1E800] =	vst v63  }
0xc3: {  	s22 =	simm.s32 $0x280;
	_ =	swait.ge [sflag:s3], $0x80  }
0xc4: {  	s25 =	sand.u32 $0x7C00, s22;
	[sflag:s3] =	ssyncset.done $0x0  }
0xc5: {  	s12 =	sadd.s32 s7, s25;
	s10 =	sand.u32 $0x380, s22;
	[sflag:s3] =	ssyncadd.s32 $0xFFFFFF80  }
0xc6: {  	[tilespmem:s9], [sflag:$0x8] =	stream.indirect.gather [hbm4b:s5+s31], $0x80, s24, s31, $0xb8;
	[tilespmem:$0x1E800] =	vst v63  }
0xc7: {  	s10 =	sor.u32 s10, s12;
	_ =	swait.ge [sflag:s20], $0x3800  }
0xc8: {  	s10 =	sshrl.u32 s10, $0x3;
	[sflag:s20] =	ssyncset.done $0x0  }
0xc9: {  	s15 =	sadd.s32 s6, s10;
	[sflag:s20] =	ssyncadd.s32 $0xFFFFC800  }
0xca: {  	[tilespmem:s28], [sflag:$0x3] =	stream.linear.gather [hbm4b:s15+s2], $0x80, $0x38;
	[tilespmem:$0x1E800] =	vst v63  }
0xcb: {  	_ =	swait.ge [sflag:s8], $0x80  }
0xcc: {  	[sflag:s8] =	ssyncset.done $0x0  }
0xcd: {  	[sflag:s8] =	ssyncadd.s32 $0xFFFFFF80  }
0xce: {  	[spmem:s1] =	stream.indirect.scatter.add.f32 [tilespmem:s14], [sflag:$0xA], $0x80, s29, s31, $0xb8;
	[tilespmem:$0x1E800] =	vst v63  }
0xcf: {  	s25 =	simm.s32 $0x400;
	s12 =	simm.s32 $0x300;
	_ =	swait.ge [sflag:s21], $0x3800  }
0xd0: {  	s10 =	sadd.s32 s13, s10;
	s15 =	sand.u32 $0x7C00, s12;
	[sflag:s21] =	ssyncset.done $0x0  }
0xd1: {  	s12 =	sand.u32 $0x380, s12;
	s22 =	sadd.s32 s7, s15;
	[sflag:s21] =	ssyncadd.s32 $0xFFFFC800  }
0xd2: {  	[tilespmem:s29], [sflag:$0x6] =	stream.linear.gather [hbm4b:s10+s2], $0x80, $0x38;
	[tilespmem:$0x1E800] =	vst v63  }
0xd3: {  	s15 =	sor.u32 s12, s22;
	s10 =	simm.s32 $0x580;
	_ =	swait.ge [sflag:s11], $0x80  }
.LBB2_6:
0xd4: {  	s22 =	sshrl.u32 s15, $0x3  }
0xd5: {  	[sflag:s11] =	ssyncset.done $0x0;
	s15 =	smov.u32 s10;
	s12 =	sadd.s32 $0x180, s10  }
0xd6: {  	p2 =	sne.s32 s10, $0x2C80;
	[sflag:s11] =	ssyncadd.s32 $0xFFFFFF80  }
0xd7: {  	[tilespmem:s14], [sflag:$0x9] =	stream.indirect.gather [hbm4b:s5+s31], $0x80, s28, s31, $0xb8;
	[tilespmem:$0x1E800] =	vst v63  }
0xd8: {  	_ =	swait.ge [sflag:s16], $0x3800  }
0xd9: {  	s10 =	sadd.s32 s6, s22;
	[sflag:s16] =	ssyncset.done $0x0  }
0xda: {  	[sflag:s16] =	ssyncadd.s32 $0xFFFFC800  }
0xdb: {  	[tilespmem:s2], [sflag:$0x1] =	stream.linear.gather [hbm4b:s10+s2], $0x80, $0x38;
	[tilespmem:$0x1E800] =	vst v63  }
0xdc: {  	_ =	swait.ge [sflag:s17], $0x80  }
0xdd: {  	[sflag:s17] =	ssyncset.done $0x0  }
0xde: {  	[sflag:s17] =	ssyncadd.s32 $0xFFFFFF80  }
0xdf: {  	[spmem:s1] =	stream.indirect.scatter.add.f32 [tilespmem:s0], [sflag:$0xA], $0x80, s23, s31, $0xb8;
	[tilespmem:$0x1E800] =	vst v63  }
0xe0: {  	_ =	swait.ge [sflag:s21], $0x3800  }
0xe1: {  	s10 =	sadd.s32 s13, s22;
	[sflag:s21] =	ssyncset.done $0x0  }
0xe2: {  	[sflag:s21] =	ssyncadd.s32 $0xFFFFC800  }
0xe3: {  	[tilespmem:s23], [sflag:$0x4] =	stream.linear.gather [hbm4b:s10+s2], $0x80, $0x38;
	[tilespmem:$0x1E800] =	vst v63  }
0xe4: {  	s10 =	sadd.s32 $0xFFFFFF80, s25;
	_ =	swait.ge [sflag:s30], $0x80  }
0xe5: {  	s22 =	sand.u32 $0x7C00, s10;
	[sflag:s30] =	ssyncset.done $0x0  }
0xe6: {  	s10 =	sand.u32 $0x380, s10;
	s22 =	sadd.s32 s7, s22;
	[sflag:s30] =	ssyncadd.s32 $0xFFFFFF80  }
0xe7: {  	[tilespmem:s0], [sflag:$0x7] =	stream.indirect.gather [hbm4b:s5+s31], $0x80, s2, s31, $0xb8;
	[tilespmem:$0x1E800] =	vst v63  }
0xe8: {  	s10 =	sor.u32 s10, s22;
	_ =	swait.ge [sflag:s18], $0x3800  }
0xe9: {  	s10 =	sshrl.u32 s10, $0x3;
	[sflag:s18] =	ssyncset.done $0x0  }
0xea: {  	s22 =	sadd.s32 s6, s10;
	[sflag:s18] =	ssyncadd.s32 $0xFFFFC800  }
0xeb: {  	[tilespmem:s24], [sflag:$0x2] =	stream.linear.gather [hbm4b:s22+s2], $0x80, $0x38;
	[tilespmem:$0x1E800] =	vst v63  }
0xec: {  	_ =	swait.ge [sflag:s19], $0x80  }
0xed: {  	[sflag:s19] =	ssyncset.done $0x0  }
0xee: {  	[sflag:s19] =	ssyncadd.s32 $0xFFFFFF80  }
0xef: {  	[spmem:s1] =	stream.indirect.scatter.add.f32 [tilespmem:s9], [sflag:$0xA], $0x80, s26, s31, $0xb8;
	[tilespmem:$0x1E800] =	vst v63  }
0xf0: {  	_ =	swait.ge [sflag:s21], $0x3800  }
0xf1: {  	[sflag:s21] =	ssyncset.done $0x0  }
0xf2: {  	s10 =	sadd.s32 s13, s10;
	[sflag:s21] =	ssyncadd.s32 $0xFFFFC800  }
0xf3: {  	[tilespmem:s26], [sflag:$0x5] =	stream.linear.gather [hbm4b:s10+s2], $0x80, $0x38;
	[tilespmem:$0x1E800] =	vst v63  }
0xf4: {  	_ =	swait.ge [sflag:s3], $0x80  }
0xf5: {  	[sflag:s3] =	ssyncset.done $0x0  }
0xf6: {  	s22 =	sand.u32 $0x380, s25;
	s10 =	sand.u32 $0x7C00, s25;
	[sflag:s3] =	ssyncadd.s32 $0xFFFFFF80  }
0xf7: {  	[tilespmem:s9], [sflag:$0x8] =	stream.indirect.gather [hbm4b:s5+s31], $0x80, s24, s31, $0xb8;
	[tilespmem:$0x1E800] =	vst v63  }
0xf8: {  	s25 =	smov.u32 s15;
	s10 =	sadd.s32 s7, s10;
	_ =	swait.ge [sflag:s20], $0x3800  }
0xf9: {  	s10 =	sor.u32 s22, s10;
	[sflag:s20] =	ssyncset.done $0x0  }
0xfa: {  	s10 =	sshrl.u32 s10, $0x3;
	[sflag:s20] =	ssyncadd.s32 $0xFFFFC800  }
0xfb: {  	s15 =	sadd.s32 s6, s10  }
0xfc: {  	[tilespmem:s28], [sflag:$0x3] =	stream.linear.gather [hbm4b:s15+s2], $0x80, $0x38;
	[tilespmem:$0x1E800] =	vst v63  }
0xfd: {  	_ =	swait.ge [sflag:s8], $0x80  }
0xfe: {  	[sflag:s8] =	ssyncset.done $0x0  }
0xff: {  	[sflag:s8] =	ssyncadd.s32 $0xFFFFFF80  }
0x100: {  	[spmem:s1] =	stream.indirect.scatter.add.f32 [tilespmem:s14], [sflag:$0xA], $0x80, s29, s31, $0xb8;
	[tilespmem:$0x1E800] =	vst v63  }
.Ltmp3:
0x101: {  	s15 =	sadd.s32 $0xFFFFFF00, s25;
	_ =	swait.ge [sflag:s21], $0x3800;
	(pc) =	sbr.rel @p2 .LBB2_6-.Ltmp3, $4  }
0x102: {  	s10 =	sadd.s32 s13, s10;
	s22 =	sand.u32 $0x7C00, s15;
	[sflag:s21] =	ssyncset.done $0x0  }
0x103: {  	s15 =	sand.u32 $0x380, s15;
	s22 =	sadd.s32 s7, s22;
	[sflag:s21] =	ssyncadd.s32 $0xFFFFC800  }
0x104: {  	[tilespmem:s29], [sflag:$0x6] =	stream.linear.gather [hbm4b:s10+s2], $0x80, $0x38;
	[tilespmem:$0x1E800] =	vst v63  }
0x105: {  	s15 =	sor.u32 s15, s22;
	s10 =	smov.u32 s12;
	_ =	swait.ge [sflag:s11], $0x80  }
.Ltmp4:
0x106: {  	_ = 	snop;
	(pc) =	sbr.rel .LBB2_7-.Ltmp4, $1  }
0x107: {  	_ =	sdelay $0x3  }
.LBB2_2:
0x108: {  	[tilespmem:s0], [sflag:$0x7] =	stream.indirect.gather [hbm4b:s4+s31], $0x80, s2, s31, $0xb8;
	[tilespmem:$0x1E800] =	vst v63  }
0x109: {  	_ =	swait.ge [sflag:s3], $0x80  }
0x10a: {  	[sflag:s3] =	ssyncset.done $0x0  }
0x10b: {  	[sflag:s3] =	ssyncadd.s32 $0xFFFFFF80  }
0x10c: {  	[tilespmem:s9], [sflag:$0x8] =	stream.indirect.gather [hbm4b:s4+s31], $0x80, s24, s31, $0xb8;
	[tilespmem:$0x1E800] =	vst v63  }
0x10d: {  	s10 =	simm.s32 $0x180;
	_ =	swait.ge [sflag:s11], $0x80  }
0x10e: {  	s12 =	sand.u32 $0x7C00, s10;
	[sflag:s11] =	ssyncset.done $0x0  }
0x10f: {  	s10 =	sand.u32 $0x380, s10;
	s12 =	sadd.s32 s7, s12;
	[sflag:s11] =	ssyncadd.s32 $0xFFFFFF80  }
0x110: {  	[tilespmem:s14], [sflag:$0x9] =	stream.indirect.gather [hbm4b:s4+s31], $0x80, s28, s31, $0xb8;
	[tilespmem:$0x1E800] =	vst v63  }
0x111: {  	s10 =	sor.u32 s10, s12;
	_ =	swait.ge [sflag:s16], $0x3800  }
0x112: {  	s10 =	sshrl.u32 s10, $0x3;
	[sflag:s16] =	ssyncset.done $0x0  }
0x113: {  	s15 =	sadd.s32 s6, s10;
	[sflag:s16] =	ssyncadd.s32 $0xFFFFC800  }
0x114: {  	[tilespmem:s2], [sflag:$0x1] =	stream.linear.gather [hbm4b:s15+s2], $0x80, $0x38;
	[tilespmem:$0x1E800] =	vst v63  }
0x115: {  	_ =	swait.ge [sflag:s17], $0x80  }
0x116: {  	[sflag:s17] =	ssyncset.done $0x0  }
0x117: {  	[sflag:s17] =	ssyncadd.s32 $0xFFFFFF80  }
0x118: {  	[spmem:s1] =	stream.indirect.scatter.add.f32 [tilespmem:s0], [sflag:$0xA], $0x80, s23, s31, $0xb8;
	[tilespmem:$0x1E800] =	vst v63  }
0x119: {  	_ =	swait.ge [sflag:s21], $0x3800  }
0x11a: {  	[sflag:s21] =	ssyncset.done $0x0  }
0x11b: {  	s10 =	sadd.s32 s13, s10;
	[sflag:s21] =	ssyncadd.s32 $0xFFFFC800  }
0x11c: {  	[tilespmem:s23], [sflag:$0x4] =	stream.linear.gather [hbm4b:s10+s2], $0x80, $0x38;
	[tilespmem:$0x1E800] =	vst v63  }
0x11d: {  	s22 =	simm.s32 $0x200;
	_ =	swait.ge [sflag:s30], $0x80  }
0x11e: {  	s25 =	sand.u32 $0x7C00, s22;
	[sflag:s30] =	ssyncset.done $0x0  }
0x11f: {  	s12 =	sadd.s32 s7, s25;
	s10 =	sand.u32 $0x380, s22;
	[sflag:s30] =	ssyncadd.s32 $0xFFFFFF80  }
0x120: {  	[tilespmem:s0], [sflag:$0x7] =	stream.indirect.gather [hbm4b:s4+s31], $0x80, s2, s31, $0xb8;
	[tilespmem:$0x1E800] =	vst v63  }
0x121: {  	s10 =	sor.u32 s10, s12;
	_ =	swait.ge [sflag:s18], $0x3800  }
0x122: {  	s10 =	sshrl.u32 s10, $0x3;
	[sflag:s18] =	ssyncset.done $0x0  }
0x123: {  	s15 =	sadd.s32 s6, s10;
	[sflag:s18] =	ssyncadd.s32 $0xFFFFC800  }
0x124: {  	[tilespmem:s24], [sflag:$0x2] =	stream.linear.gather [hbm4b:s15+s2], $0x80, $0x38;
	[tilespmem:$0x1E800] =	vst v63  }
0x125: {  	_ =	swait.ge [sflag:s19], $0x80  }
0x126: {  	[sflag:s19] =	ssyncset.done $0x0  }
0x127: {  	[sflag:s19] =	ssyncadd.s32 $0xFFFFFF80  }
0x128: {  	[spmem:s1] =	stream.indirect.scatter.add.f32 [tilespmem:s9], [sflag:$0xA], $0x80, s26, s31, $0xb8;
	[tilespmem:$0x1E800] =	vst v63  }
0x129: {  	_ =	swait.ge [sflag:s21], $0x3800  }
0x12a: {  	[sflag:s21] =	ssyncset.done $0x0  }
0x12b: {  	s10 =	sadd.s32 s13, s10;
	[sflag:s21] =	ssyncadd.s32 $0xFFFFC800  }
0x12c: {  	[tilespmem:s26], [sflag:$0x5] =	stream.linear.gather [hbm4b:s10+s2], $0x80, $0x38;
	[tilespmem:$0x1E800] =	vst v63  }
0x12d: {  	s22 =	simm.s32 $0x280;
	_ =	swait.ge [sflag:s3], $0x80  }
0x12e: {  	s25 =	sand.u32 $0x7C00, s22;
	[sflag:s3] =	ssyncset.done $0x0  }
0x12f: {  	s12 =	sadd.s32 s7, s25;
	s10 =	sand.u32 $0x380, s22;
	[sflag:s3] =	ssyncadd.s32 $0xFFFFFF80  }
0x130: {  	[tilespmem:s9], [sflag:$0x8] =	stream.indirect.gather [hbm4b:s4+s31], $0x80, s24, s31, $0xb8;
	[tilespmem:$0x1E800] =	vst v63  }
0x131: {  	s10 =	sor.u32 s10, s12;
	_ =	swait.ge [sflag:s20], $0x3800  }
0x132: {  	s10 =	sshrl.u32 s10, $0x3;
	[sflag:s20] =	ssyncset.done $0x0  }
0x133: {  	s15 =	sadd.s32 s6, s10;
	[sflag:s20] =	ssyncadd.s32 $0xFFFFC800  }
0x134: {  	[tilespmem:s28], [sflag:$0x3] =	stream.linear.gather [hbm4b:s15+s2], $0x80, $0x38;
	[tilespmem:$0x1E800] =	vst v63  }
0x135: {  	_ =	swait.ge [sflag:s8], $0x80  }
0x136: {  	[sflag:s8] =	ssyncset.done $0x0  }
0x137: {  	[sflag:s8] =	ssyncadd.s32 $0xFFFFFF80  }
0x138: {  	[spmem:s1] =	stream.indirect.scatter.add.f32 [tilespmem:s14], [sflag:$0xA], $0x80, s29, s31, $0xb8;
	[tilespmem:$0x1E800] =	vst v63  }
0x139: {  	s25 =	simm.s32 $0x400;
	s12 =	simm.s32 $0x300;
	_ =	swait.ge [sflag:s21], $0x3800  }
0x13a: {  	s10 =	sadd.s32 s13, s10;
	s15 =	sand.u32 $0x7C00, s12;
	[sflag:s21] =	ssyncset.done $0x0  }
0x13b: {  	s12 =	sand.u32 $0x380, s12;
	s22 =	sadd.s32 s7, s15;
	[sflag:s21] =	ssyncadd.s32 $0xFFFFC800  }
0x13c: {  	[tilespmem:s29], [sflag:$0x6] =	stream.linear.gather [hbm4b:s10+s2], $0x80, $0x38;
	[tilespmem:$0x1E800] =	vst v63  }
0x13d: {  	s15 =	sor.u32 s12, s22;
	s12 =	simm.s32 $0x580;
	_ =	swait.ge [sflag:s11], $0x80  }
.LBB2_3:
0x13e: {  	s22 =	sshrl.u32 s15, $0x3  }
0x13f: {  	[sflag:s11] =	ssyncset.done $0x0;
	s15 =	smov.u32 s12;
	s10 =	sadd.s32 $0x180, s12  }
0x140: {  	p2 =	seq.s32 s12, $0x2C80;
	[sflag:s11] =	ssyncadd.s32 $0xFFFFFF80  }
0x141: {  	[tilespmem:s14], [sflag:$0x9] =	stream.indirect.gather [hbm4b:s4+s31], $0x80, s28, s31, $0xb8;
	[tilespmem:$0x1E800] =	vst v63  }
0x142: {  	_ =	swait.ge [sflag:s16], $0x3800  }
0x143: {  	s12 =	sadd.s32 s6, s22;
	[sflag:s16] =	ssyncset.done $0x0  }
0x144: {  	[sflag:s16] =	ssyncadd.s32 $0xFFFFC800  }
0x145: {  	[tilespmem:s2], [sflag:$0x1] =	stream.linear.gather [hbm4b:s12+s2], $0x80, $0x38;
	[tilespmem:$0x1E800] =	vst v63  }
0x146: {  	_ =	swait.ge [sflag:s17], $0x80  }
0x147: {  	[sflag:s17] =	ssyncset.done $0x0  }
0x148: {  	[sflag:s17] =	ssyncadd.s32 $0xFFFFFF80  }
0x149: {  	[spmem:s1] =	stream.indirect.scatter.add.f32 [tilespmem:s0], [sflag:$0xA], $0x80, s23, s31, $0xb8;
	[tilespmem:$0x1E800] =	vst v63  }
0x14a: {  	_ =	swait.ge [sflag:s21], $0x3800  }
0x14b: {  	s12 =	sadd.s32 s13, s22;
	[sflag:s21] =	ssyncset.done $0x0  }
0x14c: {  	[sflag:s21] =	ssyncadd.s32 $0xFFFFC800  }
0x14d: {  	[tilespmem:s23], [sflag:$0x4] =	stream.linear.gather [hbm4b:s12+s2], $0x80, $0x38;
	[tilespmem:$0x1E800] =	vst v63  }
0x14e: {  	s12 =	sadd.s32 $0xFFFFFF80, s25;
	_ =	swait.ge [sflag:s30], $0x80  }
0x14f: {  	s22 =	sand.u32 $0x7C00, s12;
	[sflag:s30] =	ssyncset.done $0x0  }
0x150: {  	s12 =	sand.u32 $0x380, s12;
	s22 =	sadd.s32 s7, s22;
	[sflag:s30] =	ssyncadd.s32 $0xFFFFFF80  }
0x151: {  	[tilespmem:s0], [sflag:$0x7] =	stream.indirect.gather [hbm4b:s4+s31], $0x80, s2, s31, $0xb8;
	[tilespmem:$0x1E800] =	vst v63  }
0x152: {  	s12 =	sor.u32 s12, s22;
	_ =	swait.ge [sflag:s18], $0x3800  }
0x153: {  	s12 =	sshrl.u32 s12, $0x3;
	[sflag:s18] =	ssyncset.done $0x0  }
0x154: {  	s22 =	sadd.s32 s6, s12;
	[sflag:s18] =	ssyncadd.s32 $0xFFFFC800  }
0x155: {  	[tilespmem:s24], [sflag:$0x2] =	stream.linear.gather [hbm4b:s22+s2], $0x80, $0x38;
	[tilespmem:$0x1E800] =	vst v63  }
0x156: {  	_ =	swait.ge [sflag:s19], $0x80  }
0x157: {  	[sflag:s19] =	ssyncset.done $0x0  }
0x158: {  	[sflag:s19] =	ssyncadd.s32 $0xFFFFFF80  }
0x159: {  	[spmem:s1] =	stream.indirect.scatter.add.f32 [tilespmem:s9], [sflag:$0xA], $0x80, s26, s31, $0xb8;
	[tilespmem:$0x1E800] =	vst v63  }
0x15a: {  	_ =	swait.ge [sflag:s21], $0x3800  }
0x15b: {  	[sflag:s21] =	ssyncset.done $0x0  }
0x15c: {  	s12 =	sadd.s32 s13, s12;
	[sflag:s21] =	ssyncadd.s32 $0xFFFFC800  }
0x15d: {  	[tilespmem:s26], [sflag:$0x5] =	stream.linear.gather [hbm4b:s12+s2], $0x80, $0x38;
	[tilespmem:$0x1E800] =	vst v63  }
0x15e: {  	_ =	swait.ge [sflag:s3], $0x80  }
0x15f: {  	[sflag:s3] =	ssyncset.done $0x0  }
0x160: {  	s22 =	sand.u32 $0x380, s25;
	s12 =	sand.u32 $0x7C00, s25;
	[sflag:s3] =	ssyncadd.s32 $0xFFFFFF80  }
0x161: {  	[tilespmem:s9], [sflag:$0x8] =	stream.indirect.gather [hbm4b:s4+s31], $0x80, s24, s31, $0xb8;
	[tilespmem:$0x1E800] =	vst v63  }
0x162: {  	s25 =	smov.u32 s15;
	s12 =	sadd.s32 s7, s12;
	_ =	swait.ge [sflag:s20], $0x3800  }
0x163: {  	s12 =	sor.u32 s22, s12;
	[sflag:s20] =	ssyncset.done $0x0  }
0x164: {  	s12 =	sshrl.u32 s12, $0x3;
	[sflag:s20] =	ssyncadd.s32 $0xFFFFC800  }
0x165: {  	s15 =	sadd.s32 s6, s12  }
0x166: {  	[tilespmem:s28], [sflag:$0x3] =	stream.linear.gather [hbm4b:s15+s2], $0x80, $0x38;
	[tilespmem:$0x1E800] =	vst v63  }
0x167: {  	_ =	swait.ge [sflag:s8], $0x80  }
0x168: {  	[sflag:s8] =	ssyncset.done $0x0  }
0x169: {  	[sflag:s8] =	ssyncadd.s32 $0xFFFFFF80  }
0x16a: {  	[spmem:s1] =	stream.indirect.scatter.add.f32 [tilespmem:s14], [sflag:$0xA], $0x80, s29, s31, $0xb8;
	[tilespmem:$0x1E800] =	vst v63  }
.Ltmp5:
0x16b: {  	s15 =	sadd.s32 $0xFFFFFF00, s25;
	_ =	swait.ge [sflag:s21], $0x3800;
	(pc) =	sbr.rel @!p2 .LBB2_3-.Ltmp5, $4  }
0x16c: {  	s12 =	sadd.s32 s13, s12;
	s22 =	sand.u32 $0x7C00, s15;
	[sflag:s21] =	ssyncset.done $0x0  }
0x16d: {  	s15 =	sand.u32 $0x380, s15;
	s22 =	sadd.s32 s7, s22;
	[sflag:s21] =	ssyncadd.s32 $0xFFFFC800  }
0x16e: {  	[tilespmem:s29], [sflag:$0x6] =	stream.linear.gather [hbm4b:s12+s2], $0x80, $0x38;
	[tilespmem:$0x1E800] =	vst v63  }
0x16f: {  	s15 =	sor.u32 s15, s22;
	s12 =	smov.u32 s10;
	_ =	swait.ge [sflag:s11], $0x80  }
0x170: {  	[sflag:s11] =	ssyncset.done $0x0  }
0x171: {  	[sflag:s11] =	ssyncadd.s32 $0xFFFFFF80  }
0x172: {  	[tilespmem:s14], [sflag:$0x9] =	stream.indirect.gather [hbm4b:s4+s31], $0x80, s28, s31, $0xb8;
	[tilespmem:$0x1E800] =	vst v63  }
0x173: {  	_ =	swait.ge [sflag:s16], $0x3800  }
0x174: {  	s10 =	sshrl.u32 s15, $0x3;
	[sflag:s16] =	ssyncset.done $0x0  }
0x175: {  	s12 =	sadd.s32 s6, s10;
	[sflag:s16] =	ssyncadd.s32 $0xFFFFC800  }
0x176: {  	[tilespmem:s2], [sflag:$0x1] =	stream.linear.gather [hbm4b:s12+s2], $0x80, $0x38;
	[tilespmem:$0x1E800] =	vst v63  }
0x177: {  	_ =	swait.ge [sflag:s17], $0x80  }
0x178: {  	[sflag:s17] =	ssyncset.done $0x0  }
0x179: {  	[sflag:s17] =	ssyncadd.s32 $0xFFFFFF80  }
0x17a: {  	[spmem:s1] =	stream.indirect.scatter.add.f32 [tilespmem:s0], [sflag:$0xA], $0x80, s23, s31, $0xb8;
	[tilespmem:$0x1E800] =	vst v63  }
0x17b: {  	_ =	swait.ge [sflag:s21], $0x3800  }
0x17c: {  	[sflag:s21] =	ssyncset.done $0x0  }
0x17d: {  	s10 =	sadd.s32 s13, s10;
	[sflag:s21] =	ssyncadd.s32 $0xFFFFC800  }
0x17e: {  	[tilespmem:s23], [sflag:$0x4] =	stream.linear.gather [hbm4b:s10+s2], $0x80, $0x38;
	[tilespmem:$0x1E800] =	vst v63  }
0x17f: {  	s15 =	sadd.s32 $0xFFFFFF80, s25;
	_ =	swait.ge [sflag:s30], $0x80  }
0x180: {  	s22 =	sand.u32 $0x7C00, s15;
	[sflag:s30] =	ssyncset.done $0x0  }
0x181: {  	s12 =	sadd.s32 s7, s22;
	s10 =	sand.u32 $0x380, s15;
	[sflag:s30] =	ssyncadd.s32 $0xFFFFFF80  }
0x182: {  	[tilespmem:s0], [sflag:$0x7] =	stream.indirect.gather [hbm4b:s4+s31], $0x80, s2, s31, $0xb8;
	[tilespmem:$0x1E800] =	vst v63  }
0x183: {  	s10 =	sor.u32 s10, s12;
	_ =	swait.ge [sflag:s18], $0x3800  }
0x184: {  	s10 =	sshrl.u32 s10, $0x3;
	[sflag:s18] =	ssyncset.done $0x0  }
0x185: {  	s15 =	sadd.s32 s6, s10;
	[sflag:s18] =	ssyncadd.s32 $0xFFFFC800  }
0x186: {  	[tilespmem:s24], [sflag:$0x2] =	stream.linear.gather [hbm4b:s15+s2], $0x80, $0x38;
	[tilespmem:$0x1E800] =	vst v63  }
0x187: {  	_ =	swait.ge [sflag:s19], $0x80  }
0x188: {  	[sflag:s19] =	ssyncset.done $0x0  }
0x189: {  	[sflag:s19] =	ssyncadd.s32 $0xFFFFFF80  }
0x18a: {  	[spmem:s1] =	stream.indirect.scatter.add.f32 [tilespmem:s9], [sflag:$0xA], $0x80, s26, s31, $0xb8;
	[tilespmem:$0x1E800] =	vst v63  }
0x18b: {  	_ =	swait.ge [sflag:s21], $0x3800  }
0x18c: {  	[sflag:s21] =	ssyncset.done $0x0  }
0x18d: {  	s10 =	sadd.s32 s13, s10;
	[sflag:s21] =	ssyncadd.s32 $0xFFFFC800  }
0x18e: {  	[tilespmem:s26], [sflag:$0x5] =	stream.linear.gather [hbm4b:s10+s2], $0x80, $0x38;
	[tilespmem:$0x1E800] =	vst v63  }
0x18f: {  	_ =	swait.ge [sflag:s3], $0x80  }
0x190: {  	[sflag:s3] =	ssyncset.done $0x0  }
0x191: {  	s22 =	sand.u32 $0x7C00, s25;
	[sflag:s3] =	ssyncadd.s32 $0xFFFFFF80  }
0x192: {  	[tilespmem:s9], [sflag:$0x8] =	stream.indirect.gather [hbm4b:s4+s31], $0x80, s24, s31, $0xb8;
	[tilespmem:$0x1E800] =	vst v63  }
0x193: {  	s10 =	sadd.s32 s7, s22;
	s24 =	sand.u32 $0x380, s25  }
0x194: {  	_ =	swait.ge [sflag:s20], $0x3800;
	s10 =	sor.u32 s24, s10  }
0x195: {  	[sflag:s20] =	ssyncset.done $0x0;
	s10 =	sshrl.u32 s10, $0x3  }
0x196: {  	[sflag:s20] =	ssyncadd.s32 $0xFFFFC800;
	s25 =	sadd.s32 s6, s10  }
0x197: {  	[tilespmem:s28], [sflag:$0x3] =	stream.linear.gather [hbm4b:s25+s2], $0x80, $0x38;
	[tilespmem:$0x1E800] =	vst v63  }
0x198: {  	_ =	swait.ge [sflag:s8], $0x80  }
0x199: {  	[sflag:s8] =	ssyncset.done $0x0  }
0x19a: {  	[sflag:s8] =	ssyncadd.s32 $0xFFFFFF80  }
0x19b: {  	[spmem:s1] =	stream.indirect.scatter.add.f32 [tilespmem:s14], [sflag:$0xA], $0x80, s29, s31, $0xb8;
	[tilespmem:$0x1E800] =	vst v63  }
0x19c: {  	_ =	swait.ge [sflag:s21], $0x3800  }
0x19d: {  	[sflag:s21] =	ssyncset.done $0x0  }
0x19e: {  	s10 =	sadd.s32 s13, s10;
	[sflag:s21] =	ssyncadd.s32 $0xFFFFC800  }
0x19f: {  	[tilespmem:s29], [sflag:$0x6] =	stream.linear.gather [hbm4b:s10+s2], $0x80, $0x38;
	[tilespmem:$0x1E800] =	vst v63  }
0x1a0: {  	_ =	swait.ge [sflag:s11], $0x80  }
0x1a1: {  	[sflag:s11] =	ssyncset.done $0x0  }
.Ltmp6:
0x1a2: {  	[sflag:s11] =	ssyncadd.s32 $0xFFFFFF80;
	(pc) =	sbr.rel .LBB2_8-.Ltmp6, $4  }
0x1a3: {  	[tilespmem:s14], [sflag:$0x9] =	stream.indirect.gather [hbm4b:s4+s31], $0x80, s28, s31, $0xb8;
	[tilespmem:$0x1E800] =	vst v63  }
0x1a4: {  	_ =	swait.ge [sflag:s16], $0x3800  }
0x1a5: {  	[sflag:s16] =	ssyncset.done $0x0  }
0x1a6: {  	[sflag:s16] =	ssyncadd.s32 $0xFFFFC800  }
.LBB2_9:
0x1a7: {  	_ =	sfence.sel $0x180000  }
0x1a8: {  	[bflag:$0x0] =	sbarrier.arrive $0xFFFF  }
0x1a9: {  	_ =	strace $0x90000047  }
0x1aa: {  	s0 =	stileid.u32;
	[bflag:$0x2] =	sbarrier.arrive $0xFFFF  }
0x1ab: {  	p0 =	sne.s32 s0, $0x0;
	s0 =	rddreg [dreg:$0x3]  }
0x1ac: {  	s0 =	sadd.s32 @!p0 $0x100000, s0  }
0x1ad: {  	[sflag:s0] =	ssyncadd.tile.s32 @!p0 $0x1;
	_ =	shalt  }
.Lfunc_end2:
_tile_overlayer_lowered:
.L_overlay_start_2:
0x1ae: {  	(tag) =	ssettag $0x2  }
0x1af: {  	s0 =	rddreg [dreg:$0x0];
	s2 =	stileid.u32  }
0x1b0: {  	s1 =	rddreg [dreg:$0x1];
	p0 =	sne.s32 s2, $0x0  }
0x1b1: {  	s3 =	rddreg [dreg:$0x2];
	[bflag:$0x3] =	sbarrier.arrive $0xFFFF;
	s2 =	simm.s32 @!p0 $0x1C0A  }
0x1b2: {  	[timem:s3], [sflag:s2] =	dma.local @!p0 [hbm:s0], s1  }
0x1b3: {  	s0 =	simm.s32 @!p0 $0xA  }
0x1b4: {  	_ =	swait.ge @!p0 [sflag:s0], s1  }
0x1b5: {  	s1 =	ssub.s32 @!p0 $0x0, s1;
	[sflag:s0] =	ssyncset.done @!p0 $0x0  }
0x1b6: {  	[sflag:s0] =	ssyncadd.s32 @!p0 s1  }
0x1b7: {  	[bflag:$0x3] =	sbarrier.arrive $0xFFFF  }
0x1b8: {  	_ =	shalt  }

</sc_bundles>
